<compile_context>
chip_gen: v7x
topology: tpu7x:2x2x1
jax: 0.10.2.dev20260603
libtpu: 0.0.44.dev20260713+nightly
codegen_flags: <defaults>
</compile_context>

<pallas_src>
import functools
import jax
import jax.numpy as jnp
from jax import lax
from jax.experimental import pallas as pl
from jax.experimental.pallas import tpu as pltpu
from jax.experimental.pallas import tpu_sc as plsc

B = 1024
K1 = 1024
D = 128
V = 1000000
T = 0.07

NW = 32
CH = 128
G = 4
BG = B // G


def _sc_gather(memory, idx_flat):
    n_idx = idx_flat.shape[0]
    PER_W = n_idx // NW
    NCH = PER_W // CH
    mesh = plsc.VectorSubcoreMesh(core_axis_name="c", subcore_axis_name="s")

    @functools.partial(
        pl.kernel,
        mesh=mesh,
        out_type=jax.ShapeDtypeStruct((n_idx, D), jnp.float32),
        scratch_types=[
            pltpu.VMEM((PER_W,), jnp.int32),
            pltpu.VMEM((CH, D), jnp.float32),
            pltpu.VMEM((CH, D), jnp.float32),
            pltpu.VMEM((CH, D), jnp.float32),
            pltpu.VMEM((CH, D), jnp.float32),
            pltpu.SemaphoreType.DMA,
            pltpu.SemaphoreType.DMA,
            pltpu.SemaphoreType.DMA,
            pltpu.SemaphoreType.DMA,
            pltpu.SemaphoreType.DMA,
            pltpu.SemaphoreType.DMA,
            pltpu.SemaphoreType.DMA,
            pltpu.SemaphoreType.DMA,
        ],
        compiler_params=pltpu.CompilerParams(needs_layout_passes=False),
    )
    def k(mem_hbm, idx_hbm, out_hbm, idxall,
          rows0, rows1, rows2, rows3,
          gs0, gs1, gs2, gs3, ws0, ws1, ws2, ws3):
        wid = lax.axis_index("s") * 2 + lax.axis_index("c")
        base = wid * PER_W

        pltpu.sync_copy(idx_hbm.at[pl.ds(base, PER_W)], idxall)

        NBUF = 4
        bufs = [(rows0, gs0, ws0), (rows1, gs1, ws1),
                (rows2, gs2, ws2), (rows3, gs3, ws3)]

        def issue_gather(c, rows, gsem):
            pltpu.async_copy(
                mem_hbm.at[idxall.at[pl.ds(c * CH, CH)]], rows, gsem)

        def issue_write(c, rows, wsem):
            pltpu.async_copy(rows, out_hbm.at[pl.ds(base + c * CH, CH)], wsem)

        def drain_gather(rows, gsem):
            pltpu.make_async_copy(
                mem_hbm.at[pl.ds(0, CH)], rows, gsem).wait()

        def drain_write(c, rows, wsem):
            pltpu.make_async_copy(
                rows, out_hbm.at[pl.ds(base + c * CH, CH)], wsem).wait()

        for p in range(NBUF - 1):
            issue_gather(p, bufs[p][0], bufs[p][1])

        def step(c, p):
            rows_pre, gs_pre, ws_pre = bufs[(p + NBUF - 1) % NBUF]
            rows_cur, gs_cur, ws_cur = bufs[p]

            @pl.when(c >= 1)
            def _():
                drain_write(c - 1, rows_pre, ws_pre)

            @pl.when(c + NBUF - 1 < NCH)
            def _():
                issue_gather(c + NBUF - 1, rows_pre, gs_pre)

            drain_gather(rows_cur, gs_cur)
            issue_write(c, rows_cur, ws_cur)

        def body(cg, _):
            for p in range(NBUF):
                step(cg * NBUF + p, p)
            return 0

        lax.fori_loop(0, NCH // NBUF, body, 0, unroll=False)

        pl_last = (NCH - 1) % NBUF
        drain_write(NCH - 1, bufs[pl_last][0], bufs[pl_last][2])

    return k(memory, idx_flat)


def _tc_matvec(weight, x):
    GB = 8
    nb = x.shape[0]

    def body(w_ref, x_ref, o_ref):
        w = w_ref[...]
        xb = x_ref[...]
        res = jax.lax.dot_general(
            xb, w, (((1,), (1,)), ((), ())),
            preferred_element_type=jnp.float32)
        for g in range(GB):
            o_ref[g:g + 1, :] = res[g:g + 1, g * K1:(g + 1) * K1]

    return pl.pallas_call(
        body,
        grid=(nb // GB,),
        in_specs=[
            pl.BlockSpec((GB * K1, D), lambda i: (i, 0)),
            pl.BlockSpec((GB, D), lambda i: (i, 0)),
        ],
        out_specs=pl.BlockSpec((GB, K1), lambda i: (i, 0)),
        out_shape=jax.ShapeDtypeStruct((nb, K1), jnp.float32),
    )(weight, x)


def _tc_exp_z(raw):
    RB = 128

    def body(r_ref, e_ref, z_ref):
        i = pl.program_id(0)

        @pl.when(i == 0)
        def _():
            z_ref[...] = jnp.zeros_like(z_ref)

        e = jnp.exp(r_ref[...] * (1.0 / T))
        e_ref[...] = e
        z_ref[...] += jnp.sum(e)

    return pl.pallas_call(
        body,
        grid=(B // RB,),
        in_specs=[pl.BlockSpec((RB, K1), lambda i: (i, 0))],
        out_specs=[
            pl.BlockSpec((RB, K1), lambda i: (i, 0)),
            pl.BlockSpec((8, 128), lambda i: (0, 0)),
        ],
        out_shape=[
            jax.ShapeDtypeStruct((B, K1), jnp.float32),
            jax.ShapeDtypeStruct((8, 128), jnp.float32),
        ],
    )(raw)


def _tc_normalize(expout, zsplat):
    def body(e_ref, z_ref, o_ref):
        total = z_ref[0, 0]
        mean = total * (1.0 / (B * K1))
        zv = mean * V
        o_ref[...] = e_ref[...] / zv

    return pl.pallas_call(
        body,
        grid=(8,),
        in_specs=[
            pl.BlockSpec((B // 8, K1), lambda i: (i, 0)),
            pl.BlockSpec((8, 128), lambda i: (0, 0)),
        ],
        out_specs=pl.BlockSpec((B // 8, K1), lambda i: (i, 0)),
        out_shape=jax.ShapeDtypeStruct((B, K1), jnp.float32),
    )(expout, zsplat)


def kernel(x, memory, y, idx):
    idx = idx.at[:, 0].set(y)
    idx_flat = idx.reshape(-1)
    raws = []
    for g in range(G):
        w_g = _sc_gather(memory, idx_flat[g * BG * K1:(g + 1) * BG * K1])
        raws.append(_tc_matvec(w_g, x[g * BG:(g + 1) * BG]))
    raw = jnp.concatenate(raws, axis=0)
    expout, zsplat = _tc_exp_z(raw)
    return _tc_normalize(expout, zsplat)

# --- scband reference (transcript-rebuilt; emitter-appended) ---
"""Pipeline reference for scband-nceaverage-21844203668344 (READ-ONLY COPY).

The authoritative reference and input builder live on the scoring server;
editing this copy changes nothing except your own understanding.
"""

import math
import jax, jax.numpy as jnp
import numpy as np

B = 1024
K = 1023
D = 128
V = 1000000
T = 0.07

def setup_inputs(seed: int = 0) -> dict:
    key = jax.random.key(seed)
    k1, k2, k3, k4 = jax.random.split(key, 4)
    x = jax.random.normal(k1, (B, D), dtype=jnp.float32)
    y = jax.random.randint(k2, (B,), 0, V, dtype=jnp.int32)
    stdv = 1.0 / math.sqrt(D / 3)
    memory = jax.random.uniform(k3, (V, D), minval=-stdv, maxval=stdv, dtype=jnp.float32)
    # idx drawn from AliasMethod over uniform unigrams == uniform sampling over [0, V)
    idx = jax.random.randint(k4, (B, K + 1), 0, V, dtype=jnp.int32)
    return {"x": x, "memory": memory, "y": y, "idx": idx}

def reference(x, memory, y, idx):
    # idx.select(1, 0).copy_(y): first column is the positive sample
    idx = idx.at[:, 0].set(y)
    # weight = memory.index_select(0, idx.view(-1)).view(B, K+1, D)
    weight = jnp.take(memory, idx.reshape(-1), axis=0).reshape(B, K + 1, D)
    # out = bmm(weight, x[:, :, None]) -> [B, K+1]
    out = jnp.einsum('bkd,bd->bk', weight, x)
    out = jnp.exp(out / T)
    # Z is lazily initialized from the first batch: Z = out.mean() * outputSize
    Z = jnp.mean(out) * V
    out = out / Z
    return out

if __name__ == "__main__":
    import jax
    _d = setup_inputs()
    print(jax.jit(kernel)(*tuple(_d.values())))

</pallas_src>

<mosaic_0001>
#map = affine_map<(d0, d1) -> (0, 0)>
#map1 = affine_map<(d0, d1) -> (0)>
module attributes {stable_mosaic.version = 14 : i64} {
  func.func @k(%arg0: i32, %arg1: i32, %arg2: memref<1000000x128xf32, #tpu.memory_space<hbm>>, %arg3: memref<262144xi32, #tpu.memory_space<hbm>>, %arg4: memref<262144x128xf32, #tpu.memory_space<hbm>>, %arg5: memref<8192xi32, #tpu.memory_space<vmem>>, %arg6: memref<128x128xf32, #tpu.memory_space<vmem>>, %arg7: memref<128x128xf32, #tpu.memory_space<vmem>>, %arg8: memref<128x128xf32, #tpu.memory_space<vmem>>, %arg9: memref<128x128xf32, #tpu.memory_space<vmem>>, %arg10: memref<!tpu.dma_semaphore, #tpu.memory_space<semaphore_mem>>, %arg11: memref<!tpu.dma_semaphore, #tpu.memory_space<semaphore_mem>>, %arg12: memref<!tpu.dma_semaphore, #tpu.memory_space<semaphore_mem>>, %arg13: memref<!tpu.dma_semaphore, #tpu.memory_space<semaphore_mem>>, %arg14: memref<!tpu.dma_semaphore, #tpu.memory_space<semaphore_mem>>, %arg15: memref<!tpu.dma_semaphore, #tpu.memory_space<semaphore_mem>>, %arg16: memref<!tpu.dma_semaphore, #tpu.memory_space<semaphore_mem>>, %arg17: memref<!tpu.dma_semaphore, #tpu.memory_space<semaphore_mem>>) attributes {dimension_semantics = [#tpu.dimension_semantics<core_parallel>, #tpu.dimension_semantics<subcore_parallel>], iteration_bounds = array<i64: 2, 16>, scalar_prefetch = 0 : i64, scratch_operands = 13 : i64, tpu.core_type = #tpu.core_type<sc_vector_subcore>, window_params = [{transform_indices = #map}, {transform_indices = #map1}, {transform_indices = #map}]} {
    %mul3A = arith.constant 2 : i32
    %mul3A_0 = arith.muli %arg1, %mul3A : i32
    %add3A = arith.addi %mul3A_0, %arg0 : i32
    %mul3A_1 = arith.constant 8192 : i32
    %mul3A_2 = arith.muli %add3A, %mul3A_1 : i32
    "tpu.region"() ({
      %run_scoped3A = tpu.sem_alloc : memref<!tpu.dma_semaphore, #tpu.memory_space<semaphore_mem>>
      %dma_start3A_28 = tpu.memref_slice %arg3[%mul3A_2] : memref<262144xi32, #tpu.memory_space<hbm>> -> memref<8192xi32, #tpu.memory_space<hbm>>
      %dma_start3A_29 = tpu.memref_slice %arg3[%mul3A_2] : memref<262144xi32, #tpu.memory_space<hbm>> -> memref<8192xi32, #tpu.memory_space<hbm>>
      tpu.enqueue_dma source(%dma_start3A_29 : memref<8192xi32, #tpu.memory_space<hbm>>) target(%arg5 : memref<8192xi32, #tpu.memory_space<vmem>>) target_semaphore(%run_scoped3A : memref<!tpu.dma_semaphore, #tpu.memory_space<semaphore_mem>>)
      %dma_wait3A_30 = tpu.memref_slice %arg3[%mul3A_2] : memref<262144xi32, #tpu.memory_space<hbm>> -> memref<8192xi32, #tpu.memory_space<hbm>>
      %dma_wait3A_31 = tpu.memref_slice %arg3[%mul3A_2] : memref<262144xi32, #tpu.memory_space<hbm>> -> memref<8192xi32, #tpu.memory_space<hbm>>
      tpu.wait_dma2 semaphore(%run_scoped3A : memref<!tpu.dma_semaphore, #tpu.memory_space<semaphore_mem>>) src(%dma_wait3A_31 : memref<8192xi32, #tpu.memory_space<hbm>>) dst(%arg5 : memref<8192xi32, #tpu.memory_space<vmem>>)
      tpu.yield
    }) : () -> ()
    %dma_start3A = arith.constant 0 : i32
    %dma_start3A_3 = tpu.memref_slice %arg5[%dma_start3A] : memref<8192xi32, #tpu.memory_space<vmem>> -> memref<128xi32, #tpu.memory_space<vmem>>
    %dma_start3A_4 = arith.constant 0 : i32
    %dma_start3A_5 = arith.constant 0 : i32
    %dma_start3A_6 = tpu.memref_slice %arg2[%dma_start3A_4, %dma_start3A_5] : memref<1000000x128xf32, #tpu.memory_space<hbm>> -> memref<1000000x128xf32, #tpu.memory_space<hbm>>
    tpu.enqueue_indirect_dma source(%dma_start3A_6 : memref<1000000x128xf32, #tpu.memory_space<hbm>>) target(%arg6 : memref<128x128xf32, #tpu.memory_space<vmem>>) offsets(%dma_start3A_3 : memref<128xi32, #tpu.memory_space<vmem>>) semaphore(%arg10 : memref<!tpu.dma_semaphore, #tpu.memory_space<semaphore_mem>>)
    %dma_start3A_7 = arith.constant 128 : i32
    %dma_start3A_8 = tpu.memref_slice %arg5[%dma_start3A_7] : memref<8192xi32, #tpu.memory_space<vmem>> -> memref<128xi32, #tpu.memory_space<vmem>>
    %dma_start3A_9 = arith.constant 0 : i32
    %dma_start3A_10 = arith.constant 0 : i32
    %dma_start3A_11 = tpu.memref_slice %arg2[%dma_start3A_9, %dma_start3A_10] : memref<1000000x128xf32, #tpu.memory_space<hbm>> -> memref<1000000x128xf32, #tpu.memory_space<hbm>>
    tpu.enqueue_indirect_dma source(%dma_start3A_11 : memref<1000000x128xf32, #tpu.memory_space<hbm>>) target(%arg7 : memref<128x128xf32, #tpu.memory_space<vmem>>) offsets(%dma_start3A_8 : memref<128xi32, #tpu.memory_space<vmem>>) semaphore(%arg11 : memref<!tpu.dma_semaphore, #tpu.memory_space<semaphore_mem>>)
    %dma_start3A_12 = arith.constant 256 : i32
    %dma_start3A_13 = tpu.memref_slice %arg5[%dma_start3A_12] : memref<8192xi32, #tpu.memory_space<vmem>> -> memref<128xi32, #tpu.memory_space<vmem>>
    %dma_start3A_14 = arith.constant 0 : i32
    %dma_start3A_15 = arith.constant 0 : i32
    %dma_start3A_16 = tpu.memref_slice %arg2[%dma_start3A_14, %dma_start3A_15] : memref<1000000x128xf32, #tpu.memory_space<hbm>> -> memref<1000000x128xf32, #tpu.memory_space<hbm>>
    tpu.enqueue_indirect_dma source(%dma_start3A_16 : memref<1000000x128xf32, #tpu.memory_space<hbm>>) target(%arg8 : memref<128x128xf32, #tpu.memory_space<vmem>>) offsets(%dma_start3A_13 : memref<128xi32, #tpu.memory_space<vmem>>) semaphore(%arg12 : memref<!tpu.dma_semaphore, #tpu.memory_space<semaphore_mem>>)
    %scan3A = arith.constant 0 : i32
    %scan3A_17 = arith.constant 0 : i32
    %scan3A_18 = arith.constant 16 : i32
    %scan3A_19 = arith.addi %scan3A_17, %scan3A_18 : i32
    %scan3A_20 = arith.constant 1 : i32
    %scan3A_21 = scf.for %scan3A_28 = %scan3A_17 to %scan3A_19 step %scan3A_20 iter_args(%scan3A_29 = %scan3A) -> (i32)  : i32 {
      %mul3A_30 = arith.constant 4 : i32
      %mul3A_31 = arith.muli %scan3A_28, %mul3A_30 : i32
      %add3A_32 = arith.constant 0 : i32
      %add3A_33 = arith.addi %mul3A_31, %add3A_32 : i32
      %ge3A = arith.constant 1 : i32
      %ge3A_34 = arith.cmpi sge, %add3A_33, %ge3A : i32
      %convert_element_type3A = arith.extui %ge3A_34 : i1 to i32
      %cond3A = arith.constant 0 : i32
      %cond3A_35 = arith.cmpi ne, %convert_element_type3A, %cond3A : i32
      scf.if %cond3A_35 {
        %sub3A_150 = arith.constant 1 : i32
        %sub3A_151 = arith.subi %add3A_33, %sub3A_150 : i32
        %mul3A_152 = arith.constant 128 : i32
        %mul3A_153 = arith.muli %sub3A_151, %mul3A_152 : i32
        %add3A_154 = arith.addi %mul3A_2, %mul3A_153 : i32
        %dma_wait3A_155 = arith.constant 0 : i32
        %dma_wait3A_156 = tpu.memref_slice %arg4[%add3A_154, %dma_wait3A_155] : memref<262144x128xf32, #tpu.memory_space<hbm>> -> memref<128x128xf32, #tpu.memory_space<hbm>>
        %dma_wait3A_157 = arith.constant 0 : i32
        %dma_wait3A_158 = tpu.memref_slice %arg4[%add3A_154, %dma_wait3A_157] : memref<262144x128xf32, #tpu.memory_space<hbm>> -> memref<128x128xf32, #tpu.memory_space<hbm>>
        tpu.wait_dma2 semaphore(%arg17 : memref<!tpu.dma_semaphore, #tpu.memory_space<semaphore_mem>>) src(%arg9 : memref<128x128xf32, #tpu.memory_space<vmem>>) dst(%dma_wait3A_158 : memref<128x128xf32, #tpu.memory_space<hbm>>)
      } else {
      }
      %add3A_36 = arith.constant 4 : i32
      %add3A_37 = arith.addi %add3A_33, %add3A_36 : i32
      %sub3A = arith.constant 1 : i32
      %sub3A_38 = arith.subi %add3A_37, %sub3A : i32
      %lt3A = arith.constant 64 : i32
      %lt3A_39 = arith.cmpi slt, %sub3A_38, %lt3A : i32
      %convert_element_type3A_40 = arith.extui %lt3A_39 : i1 to i32
      %cond3A_41 = arith.constant 0 : i32
      %cond3A_42 = arith.cmpi ne, %convert_element_type3A_40, %cond3A_41 : i32
      scf.if %cond3A_42 {
        %add3A_150 = arith.constant 4 : i32
        %add3A_151 = arith.addi %add3A_33, %add3A_150 : i32
        %sub3A_152 = arith.constant 1 : i32
        %sub3A_153 = arith.subi %add3A_151, %sub3A_152 : i32
        %mul3A_154 = arith.constant 128 : i32
        %mul3A_155 = arith.muli %sub3A_153, %mul3A_154 : i32
        %dma_start3A_156 = tpu.memref_slice %arg5[%mul3A_155] : memref<8192xi32, #tpu.memory_space<vmem>> -> memref<128xi32, #tpu.memory_space<vmem>>
        %dma_start3A_157 = arith.constant 0 : i32
        %dma_start3A_158 = arith.constant 0 : i32
        %dma_start3A_159 = tpu.memref_slice %arg2[%dma_start3A_157, %dma_start3A_158] : memref<1000000x128xf32, #tpu.memory_space<hbm>> -> memref<1000000x128xf32, #tpu.memory_space<hbm>>
        tpu.enqueue_indirect_dma source(%dma_start3A_159 : memref<1000000x128xf32, #tpu.memory_space<hbm>>) target(%arg9 : memref<128x128xf32, #tpu.memory_space<vmem>>) offsets(%dma_start3A_156 : memref<128xi32, #tpu.memory_space<vmem>>) semaphore(%arg13 : memref<!tpu.dma_semaphore, #tpu.memory_space<semaphore_mem>>)
      } else {
      }
      %dma_wait3A_43 = arith.constant 0 : i32
      %dma_wait3A_44 = arith.constant 0 : i32
      %dma_wait3A_45 = tpu.memref_slice %arg2[%dma_wait3A_43, %dma_wait3A_44] : memref<1000000x128xf32, #tpu.memory_space<hbm>> -> memref<128x128xf32, #tpu.memory_space<hbm>>
      %dma_wait3A_46 = arith.constant 0 : i32
      %dma_wait3A_47 = arith.constant 0 : i32
      %dma_wait3A_48 = tpu.memref_slice %arg2[%dma_wait3A_46, %dma_wait3A_47] : memref<1000000x128xf32, #tpu.memory_space<hbm>> -> memref<128x128xf32, #tpu.memory_space<hbm>>
      tpu.wait_dma2 semaphore(%arg10 : memref<!tpu.dma_semaphore, #tpu.memory_space<semaphore_mem>>) src(%dma_wait3A_48 : memref<128x128xf32, #tpu.memory_space<hbm>>) dst(%arg6 : memref<128x128xf32, #tpu.memory_space<vmem>>)
      %mul3A_49 = arith.constant 128 : i32
      %mul3A_50 = arith.muli %add3A_33, %mul3A_49 : i32
      %add3A_51 = arith.addi %mul3A_2, %mul3A_50 : i32
      %dma_start3A_52 = arith.constant 0 : i32
      %dma_start3A_53 = tpu.memref_slice %arg4[%add3A_51, %dma_start3A_52] : memref<262144x128xf32, #tpu.memory_space<hbm>> -> memref<128x128xf32, #tpu.memory_space<hbm>>
      %dma_start3A_54 = arith.constant 0 : i32
      %dma_start3A_55 = tpu.memref_slice %arg4[%add3A_51, %dma_start3A_54] : memref<262144x128xf32, #tpu.memory_space<hbm>> -> memref<128x128xf32, #tpu.memory_space<hbm>>
      tpu.enqueue_dma source(%arg6 : memref<128x128xf32, #tpu.memory_space<vmem>>) target(%dma_start3A_55 : memref<128x128xf32, #tpu.memory_space<hbm>>) target_semaphore(%arg14 : memref<!tpu.dma_semaphore, #tpu.memory_space<semaphore_mem>>)
      %mul3A_56 = arith.constant 4 : i32
      %mul3A_57 = arith.muli %scan3A_28, %mul3A_56 : i32
      %add3A_58 = arith.constant 1 : i32
      %add3A_59 = arith.addi %mul3A_57, %add3A_58 : i32
      %ge3A_60 = arith.constant 1 : i32
      %ge3A_61 = arith.cmpi sge, %add3A_59, %ge3A_60 : i32
      %convert_element_type3A_62 = arith.extui %ge3A_61 : i1 to i32
      %cond3A_63 = arith.constant 0 : i32
      %cond3A_64 = arith.cmpi ne, %convert_element_type3A_62, %cond3A_63 : i32
      scf.if %cond3A_64 {
        %sub3A_150 = arith.constant 1 : i32
        %sub3A_151 = arith.subi %add3A_59, %sub3A_150 : i32
        %mul3A_152 = arith.constant 128 : i32
        %mul3A_153 = arith.muli %sub3A_151, %mul3A_152 : i32
        %add3A_154 = arith.addi %mul3A_2, %mul3A_153 : i32
        %dma_wait3A_155 = arith.constant 0 : i32
        %dma_wait3A_156 = tpu.memref_slice %arg4[%add3A_154, %dma_wait3A_155] : memref<262144x128xf32, #tpu.memory_space<hbm>> -> memref<128x128xf32, #tpu.memory_space<hbm>>
        %dma_wait3A_157 = arith.constant 0 : i32
        %dma_wait3A_158 = tpu.memref_slice %arg4[%add3A_154, %dma_wait3A_157] : memref<262144x128xf32, #tpu.memory_space<hbm>> -> memref<128x128xf32, #tpu.memory_space<hbm>>
        tpu.wait_dma2 semaphore(%arg14 : memref<!tpu.dma_semaphore, #tpu.memory_space<semaphore_mem>>) src(%arg6 : memref<128x128xf32, #tpu.memory_space<vmem>>) dst(%dma_wait3A_158 : memref<128x128xf32, #tpu.memory_space<hbm>>)
      } else {
      }
      %add3A_65 = arith.constant 4 : i32
      %add3A_66 = arith.addi %add3A_59, %add3A_65 : i32
      %sub3A_67 = arith.constant 1 : i32
      %sub3A_68 = arith.subi %add3A_66, %sub3A_67 : i32
      %lt3A_69 = arith.constant 64 : i32
      %lt3A_70 = arith.cmpi slt, %sub3A_68, %lt3A_69 : i32
      %convert_element_type3A_71 = arith.extui %lt3A_70 : i1 to i32
      %cond3A_72 = arith.constant 0 : i32
      %cond3A_73 = arith.cmpi ne, %convert_element_type3A_71, %cond3A_72 : i32
      scf.if %cond3A_73 {
        %add3A_150 = arith.constant 4 : i32
        %add3A_151 = arith.addi %add3A_59, %add3A_150 : i32
        %sub3A_152 = arith.constant 1 : i32
        %sub3A_153 = arith.subi %add3A_151, %sub3A_152 : i32
        %mul3A_154 = arith.constant 128 : i32
        %mul3A_155 = arith.muli %sub3A_153, %mul3A_154 : i32
        %dma_start3A_156 = tpu.memref_slice %arg5[%mul3A_155] : memref<8192xi32, #tpu.memory_space<vmem>> -> memref<128xi32, #tpu.memory_space<vmem>>
        %dma_start3A_157 = arith.constant 0 : i32
        %dma_start3A_158 = arith.constant 0 : i32
        %dma_start3A_159 = tpu.memref_slice %arg2[%dma_start3A_157, %dma_start3A_158] : memref<1000000x128xf32, #tpu.memory_space<hbm>> -> memref<1000000x128xf32, #tpu.memory_space<hbm>>
        tpu.enqueue_indirect_dma source(%dma_start3A_159 : memref<1000000x128xf32, #tpu.memory_space<hbm>>) target(%arg6 : memref<128x128xf32, #tpu.memory_space<vmem>>) offsets(%dma_start3A_156 : memref<128xi32, #tpu.memory_space<vmem>>) semaphore(%arg10 : memref<!tpu.dma_semaphore, #tpu.memory_space<semaphore_mem>>)
      } else {
      }
      %dma_wait3A_74 = arith.constant 0 : i32
      %dma_wait3A_75 = arith.constant 0 : i32
      %dma_wait3A_76 = tpu.memref_slice %arg2[%dma_wait3A_74, %dma_wait3A_75] : memref<1000000x128xf32, #tpu.memory_space<hbm>> -> memref<128x128xf32, #tpu.memory_space<hbm>>
      %dma_wait3A_77 = arith.constant 0 : i32
      %dma_wait3A_78 = arith.constant 0 : i32
      %dma_wait3A_79 = tpu.memref_slice %arg2[%dma_wait3A_77, %dma_wait3A_78] : memref<1000000x128xf32, #tpu.memory_space<hbm>> -> memref<128x128xf32, #tpu.memory_space<hbm>>
      tpu.wait_dma2 semaphore(%arg11 : memref<!tpu.dma_semaphore, #tpu.memory_space<semaphore_mem>>) src(%dma_wait3A_79 : memref<128x128xf32, #tpu.memory_space<hbm>>) dst(%arg7 : memref<128x128xf32, #tpu.memory_space<vmem>>)
      %mul3A_80 = arith.constant 128 : i32
      %mul3A_81 = arith.muli %add3A_59, %mul3A_80 : i32
      %add3A_82 = arith.addi %mul3A_2, %mul3A_81 : i32
      %dma_start3A_83 = arith.constant 0 : i32
      %dma_start3A_84 = tpu.memref_slice %arg4[%add3A_82, %dma_start3A_83] : memref<262144x128xf32, #tpu.memory_space<hbm>> -> memref<128x128xf32, #tpu.memory_space<hbm>>
      %dma_start3A_85 = arith.constant 0 : i32
      %dma_start3A_86 = tpu.memref_slice %arg4[%add3A_82, %dma_start3A_85] : memref<262144x128xf32, #tpu.memory_space<hbm>> -> memref<128x128xf32, #tpu.memory_space<hbm>>
      tpu.enqueue_dma source(%arg7 : memref<128x128xf32, #tpu.memory_space<vmem>>) target(%dma_start3A_86 : memref<128x128xf32, #tpu.memory_space<hbm>>) target_semaphore(%arg15 : memref<!tpu.dma_semaphore, #tpu.memory_space<semaphore_mem>>)
      %mul3A_87 = arith.constant 4 : i32
      %mul3A_88 = arith.muli %scan3A_28, %mul3A_87 : i32
      %add3A_89 = arith.constant 2 : i32
      %add3A_90 = arith.addi %mul3A_88, %add3A_89 : i32
      %ge3A_91 = arith.constant 1 : i32
      %ge3A_92 = arith.cmpi sge, %add3A_90, %ge3A_91 : i32
      %convert_element_type3A_93 = arith.extui %ge3A_92 : i1 to i32
      %cond3A_94 = arith.constant 0 : i32
      %cond3A_95 = arith.cmpi ne, %convert_element_type3A_93, %cond3A_94 : i32
      scf.if %cond3A_95 {
        %sub3A_150 = arith.constant 1 : i32
        %sub3A_151 = arith.subi %add3A_90, %sub3A_150 : i32
        %mul3A_152 = arith.constant 128 : i32
        %mul3A_153 = arith.muli %sub3A_151, %mul3A_152 : i32
        %add3A_154 = arith.addi %mul3A_2, %mul3A_153 : i32
        %dma_wait3A_155 = arith.constant 0 : i32
        %dma_wait3A_156 = tpu.memref_slice %arg4[%add3A_154, %dma_wait3A_155] : memref<262144x128xf32, #tpu.memory_space<hbm>> -> memref<128x128xf32, #tpu.memory_space<hbm>>
        %dma_wait3A_157 = arith.constant 0 : i32
        %dma_wait3A_158 = tpu.memref_slice %arg4[%add3A_154, %dma_wait3A_157] : memref<262144x128xf32, #tpu.memory_space<hbm>> -> memref<128x128xf32, #tpu.memory_space<hbm>>
        tpu.wait_dma2 semaphore(%arg15 : memref<!tpu.dma_semaphore, #tpu.memory_space<semaphore_mem>>) src(%arg7 : memref<128x128xf32, #tpu.memory_space<vmem>>) dst(%dma_wait3A_158 : memref<128x128xf32, #tpu.memory_space<hbm>>)
      } else {
      }
      %add3A_96 = arith.constant 4 : i32
      %add3A_97 = arith.addi %add3A_90, %add3A_96 : i32
      %sub3A_98 = arith.constant 1 : i32
      %sub3A_99 = arith.subi %add3A_97, %sub3A_98 : i32
      %lt3A_100 = arith.constant 64 : i32
      %lt3A_101 = arith.cmpi slt, %sub3A_99, %lt3A_100 : i32
      %convert_element_type3A_102 = arith.extui %lt3A_101 : i1 to i32
      %cond3A_103 = arith.constant 0 : i32
      %cond3A_104 = arith.cmpi ne, %convert_element_type3A_102, %cond3A_103 : i32
      scf.if %cond3A_104 {
        %add3A_150 = arith.constant 4 : i32
        %add3A_151 = arith.addi %add3A_90, %add3A_150 : i32
        %sub3A_152 = arith.constant 1 : i32
        %sub3A_153 = arith.subi %add3A_151, %sub3A_152 : i32
        %mul3A_154 = arith.constant 128 : i32
        %mul3A_155 = arith.muli %sub3A_153, %mul3A_154 : i32
        %dma_start3A_156 = tpu.memref_slice %arg5[%mul3A_155] : memref<8192xi32, #tpu.memory_space<vmem>> -> memref<128xi32, #tpu.memory_space<vmem>>
        %dma_start3A_157 = arith.constant 0 : i32
        %dma_start3A_158 = arith.constant 0 : i32
        %dma_start3A_159 = tpu.memref_slice %arg2[%dma_start3A_157, %dma_start3A_158] : memref<1000000x128xf32, #tpu.memory_space<hbm>> -> memref<1000000x128xf32, #tpu.memory_space<hbm>>
        tpu.enqueue_indirect_dma source(%dma_start3A_159 : memref<1000000x128xf32, #tpu.memory_space<hbm>>) target(%arg7 : memref<128x128xf32, #tpu.memory_space<vmem>>) offsets(%dma_start3A_156 : memref<128xi32, #tpu.memory_space<vmem>>) semaphore(%arg11 : memref<!tpu.dma_semaphore, #tpu.memory_space<semaphore_mem>>)
      } else {
      }
      %dma_wait3A_105 = arith.constant 0 : i32
      %dma_wait3A_106 = arith.constant 0 : i32
      %dma_wait3A_107 = tpu.memref_slice %arg2[%dma_wait3A_105, %dma_wait3A_106] : memref<1000000x128xf32, #tpu.memory_space<hbm>> -> memref<128x128xf32, #tpu.memory_space<hbm>>
      %dma_wait3A_108 = arith.constant 0 : i32
      %dma_wait3A_109 = arith.constant 0 : i32
      %dma_wait3A_110 = tpu.memref_slice %arg2[%dma_wait3A_108, %dma_wait3A_109] : memref<1000000x128xf32, #tpu.memory_space<hbm>> -> memref<128x128xf32, #tpu.memory_space<hbm>>
      tpu.wait_dma2 semaphore(%arg12 : memref<!tpu.dma_semaphore, #tpu.memory_space<semaphore_mem>>) src(%dma_wait3A_110 : memref<128x128xf32, #tpu.memory_space<hbm>>) dst(%arg8 : memref<128x128xf32, #tpu.memory_space<vmem>>)
      %mul3A_111 = arith.constant 128 : i32
      %mul3A_112 = arith.muli %add3A_90, %mul3A_111 : i32
      %add3A_113 = arith.addi %mul3A_2, %mul3A_112 : i32
      %dma_start3A_114 = arith.constant 0 : i32
      %dma_start3A_115 = tpu.memref_slice %arg4[%add3A_113, %dma_start3A_114] : memref<262144x128xf32, #tpu.memory_space<hbm>> -> memref<128x128xf32, #tpu.memory_space<hbm>>
      %dma_start3A_116 = arith.constant 0 : i32
      %dma_start3A_117 = tpu.memref_slice %arg4[%add3A_113, %dma_start3A_116] : memref<262144x128xf32, #tpu.memory_space<hbm>> -> memref<128x128xf32, #tpu.memory_space<hbm>>
      tpu.enqueue_dma source(%arg8 : memref<128x128xf32, #tpu.memory_space<vmem>>) target(%dma_start3A_117 : memref<128x128xf32, #tpu.memory_space<hbm>>) target_semaphore(%arg16 : memref<!tpu.dma_semaphore, #tpu.memory_space<semaphore_mem>>)
      %mul3A_118 = arith.constant 4 : i32
      %mul3A_119 = arith.muli %scan3A_28, %mul3A_118 : i32
      %add3A_120 = arith.constant 3 : i32
      %add3A_121 = arith.addi %mul3A_119, %add3A_120 : i32
      %ge3A_122 = arith.constant 1 : i32
      %ge3A_123 = arith.cmpi sge, %add3A_121, %ge3A_122 : i32
      %convert_element_type3A_124 = arith.extui %ge3A_123 : i1 to i32
      %cond3A_125 = arith.constant 0 : i32
      %cond3A_126 = arith.cmpi ne, %convert_element_type3A_124, %cond3A_125 : i32
      scf.if %cond3A_126 {
        %sub3A_150 = arith.constant 1 : i32
        %sub3A_151 = arith.subi %add3A_121, %sub3A_150 : i32
        %mul3A_152 = arith.constant 128 : i32
        %mul3A_153 = arith.muli %sub3A_151, %mul3A_152 : i32
        %add3A_154 = arith.addi %mul3A_2, %mul3A_153 : i32
        %dma_wait3A_155 = arith.constant 0 : i32
        %dma_wait3A_156 = tpu.memref_slice %arg4[%add3A_154, %dma_wait3A_155] : memref<262144x128xf32, #tpu.memory_space<hbm>> -> memref<128x128xf32, #tpu.memory_space<hbm>>
        %dma_wait3A_157 = arith.constant 0 : i32
        %dma_wait3A_158 = tpu.memref_slice %arg4[%add3A_154, %dma_wait3A_157] : memref<262144x128xf32, #tpu.memory_space<hbm>> -> memref<128x128xf32, #tpu.memory_space<hbm>>
        tpu.wait_dma2 semaphore(%arg16 : memref<!tpu.dma_semaphore, #tpu.memory_space<semaphore_mem>>) src(%arg8 : memref<128x128xf32, #tpu.memory_space<vmem>>) dst(%dma_wait3A_158 : memref<128x128xf32, #tpu.memory_space<hbm>>)
      } else {
      }
      %add3A_127 = arith.constant 4 : i32
      %add3A_128 = arith.addi %add3A_121, %add3A_127 : i32
      %sub3A_129 = arith.constant 1 : i32
      %sub3A_130 = arith.subi %add3A_128, %sub3A_129 : i32
      %lt3A_131 = arith.constant 64 : i32
      %lt3A_132 = arith.cmpi slt, %sub3A_130, %lt3A_131 : i32
      %convert_element_type3A_133 = arith.extui %lt3A_132 : i1 to i32
      %cond3A_134 = arith.constant 0 : i32
      %cond3A_135 = arith.cmpi ne, %convert_element_type3A_133, %cond3A_134 : i32
      scf.if %cond3A_135 {
        %add3A_150 = arith.constant 4 : i32
        %add3A_151 = arith.addi %add3A_121, %add3A_150 : i32
        %sub3A_152 = arith.constant 1 : i32
        %sub3A_153 = arith.subi %add3A_151, %sub3A_152 : i32
        %mul3A_154 = arith.constant 128 : i32
        %mul3A_155 = arith.muli %sub3A_153, %mul3A_154 : i32
        %dma_start3A_156 = tpu.memref_slice %arg5[%mul3A_155] : memref<8192xi32, #tpu.memory_space<vmem>> -> memref<128xi32, #tpu.memory_space<vmem>>
        %dma_start3A_157 = arith.constant 0 : i32
        %dma_start3A_158 = arith.constant 0 : i32
        %dma_start3A_159 = tpu.memref_slice %arg2[%dma_start3A_157, %dma_start3A_158] : memref<1000000x128xf32, #tpu.memory_space<hbm>> -> memref<1000000x128xf32, #tpu.memory_space<hbm>>
        tpu.enqueue_indirect_dma source(%dma_start3A_159 : memref<1000000x128xf32, #tpu.memory_space<hbm>>) target(%arg8 : memref<128x128xf32, #tpu.memory_space<vmem>>) offsets(%dma_start3A_156 : memref<128xi32, #tpu.memory_space<vmem>>) semaphore(%arg12 : memref<!tpu.dma_semaphore, #tpu.memory_space<semaphore_mem>>)
      } else {
      }
      %dma_wait3A_136 = arith.constant 0 : i32
      %dma_wait3A_137 = arith.constant 0 : i32
      %dma_wait3A_138 = tpu.memref_slice %arg2[%dma_wait3A_136, %dma_wait3A_137] : memref<1000000x128xf32, #tpu.memory_space<hbm>> -> memref<128x128xf32, #tpu.memory_space<hbm>>
      %dma_wait3A_139 = arith.constant 0 : i32
      %dma_wait3A_140 = arith.constant 0 : i32
      %dma_wait3A_141 = tpu.memref_slice %arg2[%dma_wait3A_139, %dma_wait3A_140] : memref<1000000x128xf32, #tpu.memory_space<hbm>> -> memref<128x128xf32, #tpu.memory_space<hbm>>
      tpu.wait_dma2 semaphore(%arg13 : memref<!tpu.dma_semaphore, #tpu.memory_space<semaphore_mem>>) src(%dma_wait3A_141 : memref<128x128xf32, #tpu.memory_space<hbm>>) dst(%arg9 : memref<128x128xf32, #tpu.memory_space<vmem>>)
      %mul3A_142 = arith.constant 128 : i32
      %mul3A_143 = arith.muli %add3A_121, %mul3A_142 : i32
      %add3A_144 = arith.addi %mul3A_2, %mul3A_143 : i32
      %dma_start3A_145 = arith.constant 0 : i32
      %dma_start3A_146 = tpu.memref_slice %arg4[%add3A_144, %dma_start3A_145] : memref<262144x128xf32, #tpu.memory_space<hbm>> -> memref<128x128xf32, #tpu.memory_space<hbm>>
      %dma_start3A_147 = arith.constant 0 : i32
      %dma_start3A_148 = tpu.memref_slice %arg4[%add3A_144, %dma_start3A_147] : memref<262144x128xf32, #tpu.memory_space<hbm>> -> memref<128x128xf32, #tpu.memory_space<hbm>>
      tpu.enqueue_dma source(%arg9 : memref<128x128xf32, #tpu.memory_space<vmem>>) target(%dma_start3A_148 : memref<128x128xf32, #tpu.memory_space<hbm>>) target_semaphore(%arg17 : memref<!tpu.dma_semaphore, #tpu.memory_space<semaphore_mem>>)
      %scan3A_149 = arith.constant 0 : i32
      scf.yield %scan3A_149 : i32
    }
    %scan3A_22 = arith.constant 16 : i32
    %add3A_23 = arith.constant 8064 : i32
    %add3A_24 = arith.addi %mul3A_2, %add3A_23 : i32
    %dma_wait3A = arith.constant 0 : i32
    %dma_wait3A_25 = tpu.memref_slice %arg4[%add3A_24, %dma_wait3A] : memref<262144x128xf32, #tpu.memory_space<hbm>> -> memref<128x128xf32, #tpu.memory_space<hbm>>
    %dma_wait3A_26 = arith.constant 0 : i32
    %dma_wait3A_27 = tpu.memref_slice %arg4[%add3A_24, %dma_wait3A_26] : memref<262144x128xf32, #tpu.memory_space<hbm>> -> memref<128x128xf32, #tpu.memory_space<hbm>>
    tpu.wait_dma2 semaphore(%arg17 : memref<!tpu.dma_semaphore, #tpu.memory_space<semaphore_mem>>) src(%arg9 : memref<128x128xf32, #tpu.memory_space<vmem>>) dst(%dma_wait3A_27 : memref<128x128xf32, #tpu.memory_space<hbm>>)
    return
  }
}

#map = affine_map<(d0, d1) -> (0, 0)>
#map1 = affine_map<(d0, d1) -> (0)>
module attributes {stable_mosaic.version = 14 : i64} {
  func.func @k(%arg0: i32, %arg1: i32, %arg2: memref<1000000x128xf32, #tpu.memory_space<hbm>>, %arg3: memref<262144xi32, #tpu.memory_space<hbm>>, %arg4: memref<262144x128xf32, #tpu.memory_space<hbm>>, %arg5: memref<8192xi32, #tpu.memory_space<vmem>>, %arg6: memref<128x128xf32, #tpu.memory_space<vmem>>, %arg7: memref<128x128xf32, #tpu.memory_space<vmem>>, %arg8: memref<128x128xf32, #tpu.memory_space<vmem>>, %arg9: memref<128x128xf32, #tpu.memory_space<vmem>>, %arg10: memref<!tpu.dma_semaphore, #tpu.memory_space<semaphore_mem>>, %arg11: memref<!tpu.dma_semaphore, #tpu.memory_space<semaphore_mem>>, %arg12: memref<!tpu.dma_semaphore, #tpu.memory_space<semaphore_mem>>, %arg13: memref<!tpu.dma_semaphore, #tpu.memory_space<semaphore_mem>>, %arg14: memref<!tpu.dma_semaphore, #tpu.memory_space<semaphore_mem>>, %arg15: memref<!tpu.dma_semaphore, #tpu.memory_space<semaphore_mem>>, %arg16: memref<!tpu.dma_semaphore, #tpu.memory_space<semaphore_mem>>, %arg17: memref<!tpu.dma_semaphore, #tpu.memory_space<semaphore_mem>>) attributes {dimension_semantics = [#tpu.dimension_semantics<core_parallel>, #tpu.dimension_semantics<subcore_parallel>], iteration_bounds = array<i64: 2, 16>, scalar_prefetch = 0 : i64, scratch_operands = 13 : i64, tpu.core_type = #tpu.core_type<sc_vector_subcore>, window_params = [{transform_indices = #map}, {transform_indices = #map1}, {transform_indices = #map}]} {
    %mul3A = arith.constant 2 : i32
    %mul3A_0 = arith.muli %arg1, %mul3A : i32
    %add3A = arith.addi %mul3A_0, %arg0 : i32
    %mul3A_1 = arith.constant 8192 : i32
    %mul3A_2 = arith.muli %add3A, %mul3A_1 : i32
    "tpu.region"() ({
      %run_scoped3A = tpu.sem_alloc : memref<!tpu.dma_semaphore, #tpu.memory_space<semaphore_mem>>
      %dma_start3A_28 = tpu.memref_slice %arg3[%mul3A_2] : memref<262144xi32, #tpu.memory_space<hbm>> -> memref<8192xi32, #tpu.memory_space<hbm>>
      %dma_start3A_29 = tpu.memref_slice %arg3[%mul3A_2] : memref<262144xi32, #tpu.memory_space<hbm>> -> memref<8192xi32, #tpu.memory_space<hbm>>
      tpu.enqueue_dma source(%dma_start3A_29 : memref<8192xi32, #tpu.memory_space<hbm>>) target(%arg5 : memref<8192xi32, #tpu.memory_space<vmem>>) target_semaphore(%run_scoped3A : memref<!tpu.dma_semaphore, #tpu.memory_space<semaphore_mem>>)
      %dma_wait3A_30 = tpu.memref_slice %arg3[%mul3A_2] : memref<262144xi32, #tpu.memory_space<hbm>> -> memref<8192xi32, #tpu.memory_space<hbm>>
      %dma_wait3A_31 = tpu.memref_slice %arg3[%mul3A_2] : memref<262144xi32, #tpu.memory_space<hbm>> -> memref<8192xi32, #tpu.memory_space<hbm>>
      tpu.wait_dma2 semaphore(%run_scoped3A : memref<!tpu.dma_semaphore, #tpu.memory_space<semaphore_mem>>) src(%dma_wait3A_31 : memref<8192xi32, #tpu.memory_space<hbm>>) dst(%arg5 : memref<8192xi32, #tpu.memory_space<vmem>>)
      tpu.yield
    }) : () -> ()
    %dma_start3A = arith.constant 0 : i32
    %dma_start3A_3 = tpu.memref_slice %arg5[%dma_start3A] : memref<8192xi32, #tpu.memory_space<vmem>> -> memref<128xi32, #tpu.memory_space<vmem>>
    %dma_start3A_4 = arith.constant 0 : i32
    %dma_start3A_5 = arith.constant 0 : i32
    %dma_start3A_6 = tpu.memref_slice %arg2[%dma_start3A_4, %dma_start3A_5] : memref<1000000x128xf32, #tpu.memory_space<hbm>> -> memref<1000000x128xf32, #tpu.memory_space<hbm>>
    tpu.enqueue_indirect_dma source(%dma_start3A_6 : memref<1000000x128xf32, #tpu.memory_space<hbm>>) target(%arg6 : memref<128x128xf32, #tpu.memory_space<vmem>>) offsets(%dma_start3A_3 : memref<128xi32, #tpu.memory_space<vmem>>) semaphore(%arg10 : memref<!tpu.dma_semaphore, #tpu.memory_space<semaphore_mem>>)
    %dma_start3A_7 = arith.constant 128 : i32
    %dma_start3A_8 = tpu.memref_slice %arg5[%dma_start3A_7] : memref<8192xi32, #tpu.memory_space<vmem>> -> memref<128xi32, #tpu.memory_space<vmem>>
    %dma_start3A_9 = arith.constant 0 : i32
    %dma_start3A_10 = arith.constant 0 : i32
    %dma_start3A_11 = tpu.memref_slice %arg2[%dma_start3A_9, %dma_start3A_10] : memref<1000000x128xf32, #tpu.memory_space<hbm>> -> memref<1000000x128xf32, #tpu.memory_space<hbm>>
    tpu.enqueue_indirect_dma source(%dma_start3A_11 : memref<1000000x128xf32, #tpu.memory_space<hbm>>) target(%arg7 : memref<128x128xf32, #tpu.memory_space<vmem>>) offsets(%dma_start3A_8 : memref<128xi32, #tpu.memory_space<vmem>>) semaphore(%arg11 : memref<!tpu.dma_semaphore, #tpu.memory_space<semaphore_mem>>)
    %dma_start3A_12 = arith.constant 256 : i32
    %dma_start3A_13 = tpu.memref_slice %arg5[%dma_start3A_12] : memref<8192xi32, #tpu.memory_space<vmem>> -> memref<128xi32, #tpu.memory_space<vmem>>
    %dma_start3A_14 = arith.constant 0 : i32
    %dma_start3A_15 = arith.constant 0 : i32
    %dma_start3A_16 = tpu.memref_slice %arg2[%dma_start3A_14, %dma_start3A_15] : memref<1000000x128xf32, #tpu.memory_space<hbm>> -> memref<1000000x128xf32, #tpu.memory_space<hbm>>
    tpu.enqueue_indirect_dma source(%dma_start3A_16 : memref<1000000x128xf32, #tpu.memory_space<hbm>>) target(%arg8 : memref<128x128xf32, #tpu.memory_space<vmem>>) offsets(%dma_start3A_13 : memref<128xi32, #tpu.memory_space<vmem>>) semaphore(%arg12 : memref<!tpu.dma_semaphore, #tpu.memory_space<semaphore_mem>>)
    %scan3A = arith.constant 0 : i32
    %scan3A_17 = arith.constant 0 : i32
    %scan3A_18 = arith.constant 16 : i32
    %scan3A_19 = arith.addi %scan3A_17, %scan3A_18 : i32
    %scan3A_20 = arith.constant 1 : i32
    %scan3A_21 = scf.for %scan3A_28 = %scan3A_17 to %scan3A_19 step %scan3A_20 iter_args(%scan3A_29 = %scan3A) -> (i32)  : i32 {
      %mul3A_30 = arith.constant 4 : i32
      %mul3A_31 = arith.muli %scan3A_28, %mul3A_30 : i32
      %add3A_32 = arith.constant 0 : i32
      %add3A_33 = arith.addi %mul3A_31, %add3A_32 : i32
      %ge3A = arith.constant 1 : i32
      %ge3A_34 = arith.cmpi sge, %add3A_33, %ge3A : i32
      %convert_element_type3A = arith.extui %ge3A_34 : i1 to i32
      %cond3A = arith.constant 0 : i32
      %cond3A_35 = arith.cmpi ne, %convert_element_type3A, %cond3A : i32
      scf.if %cond3A_35 {
        %sub3A_150 = arith.constant 1 : i32
        %sub3A_151 = arith.subi %add3A_33, %sub3A_150 : i32
        %mul3A_152 = arith.constant 128 : i32
        %mul3A_153 = arith.muli %sub3A_151, %mul3A_152 : i32
        %add3A_154 = arith.addi %mul3A_2, %mul3A_153 : i32
        %dma_wait3A_155 = arith.constant 0 : i32
        %dma_wait3A_156 = tpu.memref_slice %arg4[%add3A_154, %dma_wait3A_155] : memref<262144x128xf32, #tpu.memory_space<hbm>> -> memref<128x128xf32, #tpu.memory_space<hbm>>
        %dma_wait3A_157 = arith.constant 0 : i32
        %dma_wait3A_158 = tpu.memref_slice %arg4[%add3A_154, %dma_wait3A_157] : memref<262144x128xf32, #tpu.memory_space<hbm>> -> memref<128x128xf32, #tpu.memory_space<hbm>>
        tpu.wait_dma2 semaphore(%arg17 : memref<!tpu.dma_semaphore, #tpu.memory_space<semaphore_mem>>) src(%arg9 : memref<128x128xf32, #tpu.memory_space<vmem>>) dst(%dma_wait3A_158 : memref<128x128xf32, #tpu.memory_space<hbm>>)
      } else {
      }
      %add3A_36 = arith.constant 4 : i32
      %add3A_37 = arith.addi %add3A_33, %add3A_36 : i32
      %sub3A = arith.constant 1 : i32
      %sub3A_38 = arith.subi %add3A_37, %sub3A : i32
      %lt3A = arith.constant 64 : i32
      %lt3A_39 = arith.cmpi slt, %sub3A_38, %lt3A : i32
      %convert_element_type3A_40 = arith.extui %lt3A_39 : i1 to i32
      %cond3A_41 = arith.constant 0 : i32
      %cond3A_42 = arith.cmpi ne, %convert_element_type3A_40, %cond3A_41 : i32
      scf.if %cond3A_42 {
        %add3A_150 = arith.constant 4 : i32
        %add3A_151 = arith.addi %add3A_33, %add3A_150 : i32
        %sub3A_152 = arith.constant 1 : i32
        %sub3A_153 = arith.subi %add3A_151, %sub3A_152 : i32
        %mul3A_154 = arith.constant 128 : i32
        %mul3A_155 = arith.muli %sub3A_153, %mul3A_154 : i32
        %dma_start3A_156 = tpu.memref_slice %arg5[%mul3A_155] : memref<8192xi32, #tpu.memory_space<vmem>> -> memref<128xi32, #tpu.memory_space<vmem>>
        %dma_start3A_157 = arith.constant 0 : i32
        %dma_start3A_158 = arith.constant 0 : i32
        %dma_start3A_159 = tpu.memref_slice %arg2[%dma_start3A_157, %dma_start3A_158] : memref<1000000x128xf32, #tpu.memory_space<hbm>> -> memref<1000000x128xf32, #tpu.memory_space<hbm>>
        tpu.enqueue_indirect_dma source(%dma_start3A_159 : memref<1000000x128xf32, #tpu.memory_space<hbm>>) target(%arg9 : memref<128x128xf32, #tpu.memory_space<vmem>>) offsets(%dma_start3A_156 : memref<128xi32, #tpu.memory_space<vmem>>) semaphore(%arg13 : memref<!tpu.dma_semaphore, #tpu.memory_space<semaphore_mem>>)
      } else {
      }
      %dma_wait3A_43 = arith.constant 0 : i32
      %dma_wait3A_44 = arith.constant 0 : i32
      %dma_wait3A_45 = tpu.memref_slice %arg2[%dma_wait3A_43, %dma_wait3A_44] : memref<1000000x128xf32, #tpu.memory_space<hbm>> -> memref<128x128xf32, #tpu.memory_space<hbm>>
      %dma_wait3A_46 = arith.constant 0 : i32
      %dma_wait3A_47 = arith.constant 0 : i32
      %dma_wait3A_48 = tpu.memref_slice %arg2[%dma_wait3A_46, %dma_wait3A_47] : memref<1000000x128xf32, #tpu.memory_space<hbm>> -> memref<128x128xf32, #tpu.memory_space<hbm>>
      tpu.wait_dma2 semaphore(%arg10 : memref<!tpu.dma_semaphore, #tpu.memory_space<semaphore_mem>>) src(%dma_wait3A_48 : memref<128x128xf32, #tpu.memory_space<hbm>>) dst(%arg6 : memref<128x128xf32, #tpu.memory_space<vmem>>)
      %mul3A_49 = arith.constant 128 : i32
      %mul3A_50 = arith.muli %add3A_33, %mul3A_49 : i32
      %add3A_51 = arith.addi %mul3A_2, %mul3A_50 : i32
      %dma_start3A_52 = arith.constant 0 : i32
      %dma_start3A_53 = tpu.memref_slice %arg4[%add3A_51, %dma_start3A_52] : memref<262144x128xf32, #tpu.memory_space<hbm>> -> memref<128x128xf32, #tpu.memory_space<hbm>>
      %dma_start3A_54 = arith.constant 0 : i32
      %dma_start3A_55 = tpu.memref_slice %arg4[%add3A_51, %dma_start3A_54] : memref<262144x128xf32, #tpu.memory_space<hbm>> -> memref<128x128xf32, #tpu.memory_space<hbm>>
      tpu.enqueue_dma source(%arg6 : memref<128x128xf32, #tpu.memory_space<vmem>>) target(%dma_start3A_55 : memref<128x128xf32, #tpu.memory_space<hbm>>) target_semaphore(%arg14 : memref<!tpu.dma_semaphore, #tpu.memory_space<semaphore_mem>>)
      %mul3A_56 = arith.constant 4 : i32
      %mul3A_57 = arith.muli %scan3A_28, %mul3A_56 : i32
      %add3A_58 = arith.constant 1 : i32
      %add3A_59 = arith.addi %mul3A_57, %add3A_58 : i32
      %ge3A_60 = arith.constant 1 : i32
      %ge3A_61 = arith.cmpi sge, %add3A_59, %ge3A_60 : i32
      %convert_element_type3A_62 = arith.extui %ge3A_61 : i1 to i32
      %cond3A_63 = arith.constant 0 : i32
      %cond3A_64 = arith.cmpi ne, %convert_element_type3A_62, %cond3A_63 : i32
      scf.if %cond3A_64 {
        %sub3A_150 = arith.constant 1 : i32
        %sub3A_151 = arith.subi %add3A_59, %sub3A_150 : i32
        %mul3A_152 = arith.constant 128 : i32
        %mul3A_153 = arith.muli %sub3A_151, %mul3A_152 : i32
        %add3A_154 = arith.addi %mul3A_2, %mul3A_153 : i32
        %dma_wait3A_155 = arith.constant 0 : i32
        %dma_wait3A_156 = tpu.memref_slice %arg4[%add3A_154, %dma_wait3A_155] : memref<262144x128xf32, #tpu.memory_space<hbm>> -> memref<128x128xf32, #tpu.memory_space<hbm>>
        %dma_wait3A_157 = arith.constant 0 : i32
        %dma_wait3A_158 = tpu.memref_slice %arg4[%add3A_154, %dma_wait3A_157] : memref<262144x128xf32, #tpu.memory_space<hbm>> -> memref<128x128xf32, #tpu.memory_space<hbm>>
        tpu.wait_dma2 semaphore(%arg14 : memref<!tpu.dma_semaphore, #tpu.memory_space<semaphore_mem>>) src(%arg6 : memref<128x128xf32, #tpu.memory_space<vmem>>) dst(%dma_wait3A_158 : memref<128x128xf32, #tpu.memory_space<hbm>>)
      } else {
      }
      %add3A_65 = arith.constant 4 : i32
      %add3A_66 = arith.addi %add3A_59, %add3A_65 : i32
      %sub3A_67 = arith.constant 1 : i32
      %sub3A_68 = arith.subi %add3A_66, %sub3A_67 : i32
      %lt3A_69 = arith.constant 64 : i32
      %lt3A_70 = arith.cmpi slt, %sub3A_68, %lt3A_69 : i32
      %convert_element_type3A_71 = arith.extui %lt3A_70 : i1 to i32
      %cond3A_72 = arith.constant 0 : i32
      %cond3A_73 = arith.cmpi ne, %convert_element_type3A_71, %cond3A_72 : i32
      scf.if %cond3A_73 {
        %add3A_150 = arith.constant 4 : i32
        %add3A_151 = arith.addi %add3A_59, %add3A_150 : i32
        %sub3A_152 = arith.constant 1 : i32
        %sub3A_153 = arith.subi %add3A_151, %sub3A_152 : i32
        %mul3A_154 = arith.constant 128 : i32
        %mul3A_155 = arith.muli %sub3A_153, %mul3A_154 : i32
        %dma_start3A_156 = tpu.memref_slice %arg5[%mul3A_155] : memref<8192xi32, #tpu.memory_space<vmem>> -> memref<128xi32, #tpu.memory_space<vmem>>
        %dma_start3A_157 = arith.constant 0 : i32
        %dma_start3A_158 = arith.constant 0 : i32
        %dma_start3A_159 = tpu.memref_slice %arg2[%dma_start3A_157, %dma_start3A_158] : memref<1000000x128xf32, #tpu.memory_space<hbm>> -> memref<1000000x128xf32, #tpu.memory_space<hbm>>
        tpu.enqueue_indirect_dma source(%dma_start3A_159 : memref<1000000x128xf32, #tpu.memory_space<hbm>>) target(%arg6 : memref<128x128xf32, #tpu.memory_space<vmem>>) offsets(%dma_start3A_156 : memref<128xi32, #tpu.memory_space<vmem>>) semaphore(%arg10 : memref<!tpu.dma_semaphore, #tpu.memory_space<semaphore_mem>>)
      } else {
      }
      %dma_wait3A_74 = arith.constant 0 : i32
      %dma_wait3A_75 = arith.constant 0 : i32
      %dma_wait3A_76 = tpu.memref_slice %arg2[%dma_wait3A_74, %dma_wait3A_75] : memref<1000000x128xf32, #tpu.memory_space<hbm>> -> memref<128x128xf32, #tpu.memory_space<hbm>>
      %dma_wait3A_77 = arith.constant 0 : i32
      %dma_wait3A_78 = arith.constant 0 : i32
      %dma_wait3A_79 = tpu.memref_slice %arg2[%dma_wait3A_77, %dma_wait3A_78] : memref<1000000x128xf32, #tpu.memory_space<hbm>> -> memref<128x128xf32, #tpu.memory_space<hbm>>
      tpu.wait_dma2 semaphore(%arg11 : memref<!tpu.dma_semaphore, #tpu.memory_space<semaphore_mem>>) src(%dma_wait3A_79 : memref<128x128xf32, #tpu.memory_space<hbm>>) dst(%arg7 : memref<128x128xf32, #tpu.memory_space<vmem>>)
      %mul3A_80 = arith.constant 128 : i32
      %mul3A_81 = arith.muli %add3A_59, %mul3A_80 : i32
      %add3A_82 = arith.addi %mul3A_2, %mul3A_81 : i32
      %dma_start3A_83 = arith.constant 0 : i32
      %dma_start3A_84 = tpu.memref_slice %arg4[%add3A_82, %dma_start3A_83] : memref<262144x128xf32, #tpu.memory_space<hbm>> -> memref<128x128xf32, #tpu.memory_space<hbm>>
      %dma_start3A_85 = arith.constant 0 : i32
      %dma_start3A_86 = tpu.memref_slice %arg4[%add3A_82, %dma_start3A_85] : memref<262144x128xf32, #tpu.memory_space<hbm>> -> memref<128x128xf32, #tpu.memory_space<hbm>>
      tpu.enqueue_dma source(%arg7 : memref<128x128xf32, #tpu.memory_space<vmem>>) target(%dma_start3A_86 : memref<128x128xf32, #tpu.memory_space<hbm>>) target_semaphore(%arg15 : memref<!tpu.dma_semaphore, #tpu.memory_space<semaphore_mem>>)
      %mul3A_87 = arith.constant 4 : i32
      %mul3A_88 = arith.muli %scan3A_28, %mul3A_87 : i32
      %add3A_89 = arith.constant 2 : i32
      %add3A_90 = arith.addi %mul3A_88, %add3A_89 : i32
      %ge3A_91 = arith.constant 1 : i32
      %ge3A_92 = arith.cmpi sge, %add3A_90, %ge3A_91 : i32
      %convert_element_type3A_93 = arith.extui %ge3A_92 : i1 to i32
      %cond3A_94 = arith.constant 0 : i32
      %cond3A_95 = arith.cmpi ne, %convert_element_type3A_93, %cond3A_94 : i32
      scf.if %cond3A_95 {
        %sub3A_150 = arith.constant 1 : i32
        %sub3A_151 = arith.subi %add3A_90, %sub3A_150 : i32
        %mul3A_152 = arith.constant 128 : i32
        %mul3A_153 = arith.muli %sub3A_151, %mul3A_152 : i32
        %add3A_154 = arith.addi %mul3A_2, %mul3A_153 : i32
        %dma_wait3A_155 = arith.constant 0 : i32
        %dma_wait3A_156 = tpu.memref_slice %arg4[%add3A_154, %dma_wait3A_155] : memref<262144x128xf32, #tpu.memory_space<hbm>> -> memref<128x128xf32, #tpu.memory_space<hbm>>
        %dma_wait3A_157 = arith.constant 0 : i32
        %dma_wait3A_158 = tpu.memref_slice %arg4[%add3A_154, %dma_wait3A_157] : memref<262144x128xf32, #tpu.memory_space<hbm>> -> memref<128x128xf32, #tpu.memory_space<hbm>>
        tpu.wait_dma2 semaphore(%arg15 : memref<!tpu.dma_semaphore, #tpu.memory_space<semaphore_mem>>) src(%arg7 : memref<128x128xf32, #tpu.memory_space<vmem>>) dst(%dma_wait3A_158 : memref<128x128xf32, #tpu.memory_space<hbm>>)
      } else {
      }
      %add3A_96 = arith.constant 4 : i32
      %add3A_97 = arith.addi %add3A_90, %add3A_96 : i32
      %sub3A_98 = arith.constant 1 : i32
      %sub3A_99 = arith.subi %add3A_97, %sub3A_98 : i32
      %lt3A_100 = arith.constant 64 : i32
      %lt3A_101 = arith.cmpi slt, %sub3A_99, %lt3A_100 : i32
      %convert_element_type3A_102 = arith.extui %lt3A_101 : i1 to i32
      %cond3A_103 = arith.constant 0 : i32
      %cond3A_104 = arith.cmpi ne, %convert_element_type3A_102, %cond3A_103 : i32
      scf.if %cond3A_104 {
        %add3A_150 = arith.constant 4 : i32
        %add3A_151 = arith.addi %add3A_90, %add3A_150 : i32
        %sub3A_152 = arith.constant 1 : i32
        %sub3A_153 = arith.subi %add3A_151, %sub3A_152 : i32
        %mul3A_154 = arith.constant 128 : i32
        %mul3A_155 = arith.muli %sub3A_153, %mul3A_154 : i32
        %dma_start3A_156 = tpu.memref_slice %arg5[%mul3A_155] : memref<8192xi32, #tpu.memory_space<vmem>> -> memref<128xi32, #tpu.memory_space<vmem>>
        %dma_start3A_157 = arith.constant 0 : i32
        %dma_start3A_158 = arith.constant 0 : i32
        %dma_start3A_159 = tpu.memref_slice %arg2[%dma_start3A_157, %dma_start3A_158] : memref<1000000x128xf32, #tpu.memory_space<hbm>> -> memref<1000000x128xf32, #tpu.memory_space<hbm>>
        tpu.enqueue_indirect_dma source(%dma_start3A_159 : memref<1000000x128xf32, #tpu.memory_space<hbm>>) target(%arg7 : memref<128x128xf32, #tpu.memory_space<vmem>>) offsets(%dma_start3A_156 : memref<128xi32, #tpu.memory_space<vmem>>) semaphore(%arg11 : memref<!tpu.dma_semaphore, #tpu.memory_space<semaphore_mem>>)
      } else {
      }
      %dma_wait3A_105 = arith.constant 0 : i32
      %dma_wait3A_106 = arith.constant 0 : i32
      %dma_wait3A_107 = tpu.memref_slice %arg2[%dma_wait3A_105, %dma_wait3A_106] : memref<1000000x128xf32, #tpu.memory_space<hbm>> -> memref<128x128xf32, #tpu.memory_space<hbm>>
      %dma_wait3A_108 = arith.constant 0 : i32
      %dma_wait3A_109 = arith.constant 0 : i32
      %dma_wait3A_110 = tpu.memref_slice %arg2[%dma_wait3A_108, %dma_wait3A_109] : memref<1000000x128xf32, #tpu.memory_space<hbm>> -> memref<128x128xf32, #tpu.memory_space<hbm>>
      tpu.wait_dma2 semaphore(%arg12 : memref<!tpu.dma_semaphore, #tpu.memory_space<semaphore_mem>>) src(%dma_wait3A_110 : memref<128x128xf32, #tpu.memory_space<hbm>>) dst(%arg8 : memref<128x128xf32, #tpu.memory_space<vmem>>)
      %mul3A_111 = arith.constant 128 : i32
      %mul3A_112 = arith.muli %add3A_90, %mul3A_111 : i32
      %add3A_113 = arith.addi %mul3A_2, %mul3A_112 : i32
      %dma_start3A_114 = arith.constant 0 : i32
      %dma_start3A_115 = tpu.memref_slice %arg4[%add3A_113, %dma_start3A_114] : memref<262144x128xf32, #tpu.memory_space<hbm>> -> memref<128x128xf32, #tpu.memory_space<hbm>>
      %dma_start3A_116 = arith.constant 0 : i32
      %dma_start3A_117 = tpu.memref_slice %arg4[%add3A_113, %dma_start3A_116] : memref<262144x128xf32, #tpu.memory_space<hbm>> -> memref<128x128xf32, #tpu.memory_space<hbm>>
      tpu.enqueue_dma source(%arg8 : memref<128x128xf32, #tpu.memory_space<vmem>>) target(%dma_start3A_117 : memref<128x128xf32, #tpu.memory_space<hbm>>) target_semaphore(%arg16 : memref<!tpu.dma_semaphore, #tpu.memory_space<semaphore_mem>>)
      %mul3A_118 = arith.constant 4 : i32
      %mul3A_119 = arith.muli %scan3A_28, %mul3A_118 : i32
      %add3A_120 = arith.constant 3 : i32
      %add3A_121 = arith.addi %mul3A_119, %add3A_120 : i32
      %ge3A_122 = arith.constant 1 : i32
      %ge3A_123 = arith.cmpi sge, %add3A_121, %ge3A_122 : i32
      %convert_element_type3A_124 = arith.extui %ge3A_123 : i1 to i32
      %cond3A_125 = arith.constant 0 : i32
      %cond3A_126 = arith.cmpi ne, %convert_element_type3A_124, %cond3A_125 : i32
      scf.if %cond3A_126 {
        %sub3A_150 = arith.constant 1 : i32
        %sub3A_151 = arith.subi %add3A_121, %sub3A_150 : i32
        %mul3A_152 = arith.constant 128 : i32
        %mul3A_153 = arith.muli %sub3A_151, %mul3A_152 : i32
        %add3A_154 = arith.addi %mul3A_2, %mul3A_153 : i32
        %dma_wait3A_155 = arith.constant 0 : i32
        %dma_wait3A_156 = tpu.memref_slice %arg4[%add3A_154, %dma_wait3A_155] : memref<262144x128xf32, #tpu.memory_space<hbm>> -> memref<128x128xf32, #tpu.memory_space<hbm>>
        %dma_wait3A_157 = arith.constant 0 : i32
        %dma_wait3A_158 = tpu.memref_slice %arg4[%add3A_154, %dma_wait3A_157] : memref<262144x128xf32, #tpu.memory_space<hbm>> -> memref<128x128xf32, #tpu.memory_space<hbm>>
        tpu.wait_dma2 semaphore(%arg16 : memref<!tpu.dma_semaphore, #tpu.memory_space<semaphore_mem>>) src(%arg8 : memref<128x128xf32, #tpu.memory_space<vmem>>) dst(%dma_wait3A_158 : memref<128x128xf32, #tpu.memory_space<hbm>>)
      } else {
      }
      %add3A_127 = arith.constant 4 : i32
      %add3A_128 = arith.addi %add3A_121, %add3A_127 : i32
      %sub3A_129 = arith.constant 1 : i32
      %sub3A_130 = arith.subi %add3A_128, %sub3A_129 : i32
      %lt3A_131 = arith.constant 64 : i32
      %lt3A_132 = arith.cmpi slt, %sub3A_130, %lt3A_131 : i32
      %convert_element_type3A_133 = arith.extui %lt3A_132 : i1 to i32
      %cond3A_134 = arith.constant 0 : i32
      %cond3A_135 = arith.cmpi ne, %convert_element_type3A_133, %cond3A_134 : i32
      scf.if %cond3A_135 {
        %add3A_150 = arith.constant 4 : i32
        %add3A_151 = arith.addi %add3A_121, %add3A_150 : i32
        %sub3A_152 = arith.constant 1 : i32
        %sub3A_153 = arith.subi %add3A_151, %sub3A_152 : i32
        %mul3A_154 = arith.constant 128 : i32
        %mul3A_155 = arith.muli %sub3A_153, %mul3A_154 : i32
        %dma_start3A_156 = tpu.memref_slice %arg5[%mul3A_155] : memref<8192xi32, #tpu.memory_space<vmem>> -> memref<128xi32, #tpu.memory_space<vmem>>
        %dma_start3A_157 = arith.constant 0 : i32
        %dma_start3A_158 = arith.constant 0 : i32
        %dma_start3A_159 = tpu.memref_slice %arg2[%dma_start3A_157, %dma_start3A_158] : memref<1000000x128xf32, #tpu.memory_space<hbm>> -> memref<1000000x128xf32, #tpu.memory_space<hbm>>
        tpu.enqueue_indirect_dma source(%dma_start3A_159 : memref<1000000x128xf32, #tpu.memory_space<hbm>>) target(%arg8 : memref<128x128xf32, #tpu.memory_space<vmem>>) offsets(%dma_start3A_156 : memref<128xi32, #tpu.memory_space<vmem>>) semaphore(%arg12 : memref<!tpu.dma_semaphore, #tpu.memory_space<semaphore_mem>>)
      } else {
      }
      %dma_wait3A_136 = arith.constant 0 : i32
      %dma_wait3A_137 = arith.constant 0 : i32
      %dma_wait3A_138 = tpu.memref_slice %arg2[%dma_wait3A_136, %dma_wait3A_137] : memref<1000000x128xf32, #tpu.memory_space<hbm>> -> memref<128x128xf32, #tpu.memory_space<hbm>>
      %dma_wait3A_139 = arith.constant 0 : i32
      %dma_wait3A_140 = arith.constant 0 : i32
      %dma_wait3A_141 = tpu.memref_slice %arg2[%dma_wait3A_139, %dma_wait3A_140] : memref<1000000x128xf32, #tpu.memory_space<hbm>> -> memref<128x128xf32, #tpu.memory_space<hbm>>
      tpu.wait_dma2 semaphore(%arg13 : memref<!tpu.dma_semaphore, #tpu.memory_space<semaphore_mem>>) src(%dma_wait3A_141 : memref<128x128xf32, #tpu.memory_space<hbm>>) dst(%arg9 : memref<128x128xf32, #tpu.memory_space<vmem>>)
      %mul3A_142 = arith.constant 128 : i32
      %mul3A_143 = arith.muli %add3A_121, %mul3A_142 : i32
      %add3A_144 = arith.addi %mul3A_2, %mul3A_143 : i32
      %dma_start3A_145 = arith.constant 0 : i32
      %dma_start3A_146 = tpu.memref_slice %arg4[%add3A_144, %dma_start3A_145] : memref<262144x128xf32, #tpu.memory_space<hbm>> -> memref<128x128xf32, #tpu.memory_space<hbm>>
      %dma_start3A_147 = arith.constant 0 : i32
      %dma_start3A_148 = tpu.memref_slice %arg4[%add3A_144, %dma_start3A_147] : memref<262144x128xf32, #tpu.memory_space<hbm>> -> memref<128x128xf32, #tpu.memory_space<hbm>>
      tpu.enqueue_dma source(%arg9 : memref<128x128xf32, #tpu.memory_space<vmem>>) target(%dma_start3A_148 : memref<128x128xf32, #tpu.memory_space<hbm>>) target_semaphore(%arg17 : memref<!tpu.dma_semaphore, #tpu.memory_space<semaphore_mem>>)
      %scan3A_149 = arith.constant 0 : i32
      scf.yield %scan3A_149 : i32
    }
    %scan3A_22 = arith.constant 16 : i32
    %add3A_23 = arith.constant 8064 : i32
    %add3A_24 = arith.addi %mul3A_2, %add3A_23 : i32
    %dma_wait3A = arith.constant 0 : i32
    %dma_wait3A_25 = tpu.memref_slice %arg4[%add3A_24, %dma_wait3A] : memref<262144x128xf32, #tpu.memory_space<hbm>> -> memref<128x128xf32, #tpu.memory_space<hbm>>
    %dma_wait3A_26 = arith.constant 0 : i32
    %dma_wait3A_27 = tpu.memref_slice %arg4[%add3A_24, %dma_wait3A_26] : memref<262144x128xf32, #tpu.memory_space<hbm>> -> memref<128x128xf32, #tpu.memory_space<hbm>>
    tpu.wait_dma2 semaphore(%arg17 : memref<!tpu.dma_semaphore, #tpu.memory_space<semaphore_mem>>) src(%arg9 : memref<128x128xf32, #tpu.memory_space<vmem>>) dst(%dma_wait3A_27 : memref<128x128xf32, #tpu.memory_space<hbm>>)
    return
  }
}

#map = affine_map<(d0, d1) -> (0, 0)>
#map1 = affine_map<(d0, d1) -> (0)>
module attributes {stable_mosaic.version = 14 : i64} {
  func.func @k(%arg0: i32, %arg1: i32, %arg2: memref<1000000x128xf32, #tpu.memory_space<hbm>>, %arg3: memref<262144xi32, #tpu.memory_space<hbm>>, %arg4: memref<262144x128xf32, #tpu.memory_space<hbm>>, %arg5: memref<8192xi32, #tpu.memory_space<vmem>>, %arg6: memref<128x128xf32, #tpu.memory_space<vmem>>, %arg7: memref<128x128xf32, #tpu.memory_space<vmem>>, %arg8: memref<128x128xf32, #tpu.memory_space<vmem>>, %arg9: memref<128x128xf32, #tpu.memory_space<vmem>>, %arg10: memref<!tpu.dma_semaphore, #tpu.memory_space<semaphore_mem>>, %arg11: memref<!tpu.dma_semaphore, #tpu.memory_space<semaphore_mem>>, %arg12: memref<!tpu.dma_semaphore, #tpu.memory_space<semaphore_mem>>, %arg13: memref<!tpu.dma_semaphore, #tpu.memory_space<semaphore_mem>>, %arg14: memref<!tpu.dma_semaphore, #tpu.memory_space<semaphore_mem>>, %arg15: memref<!tpu.dma_semaphore, #tpu.memory_space<semaphore_mem>>, %arg16: memref<!tpu.dma_semaphore, #tpu.memory_space<semaphore_mem>>, %arg17: memref<!tpu.dma_semaphore, #tpu.memory_space<semaphore_mem>>) attributes {dimension_semantics = [#tpu.dimension_semantics<core_parallel>, #tpu.dimension_semantics<subcore_parallel>], iteration_bounds = array<i64: 2, 16>, scalar_prefetch = 0 : i64, scratch_operands = 13 : i64, tpu.core_type = #tpu.core_type<sc_vector_subcore>, window_params = [{transform_indices = #map}, {transform_indices = #map1}, {transform_indices = #map}]} {
    %mul3A = arith.constant 2 : i32
    %mul3A_0 = arith.muli %arg1, %mul3A : i32
    %add3A = arith.addi %mul3A_0, %arg0 : i32
    %mul3A_1 = arith.constant 8192 : i32
    %mul3A_2 = arith.muli %add3A, %mul3A_1 : i32
    "tpu.region"() ({
      %run_scoped3A = tpu.sem_alloc : memref<!tpu.dma_semaphore, #tpu.memory_space<semaphore_mem>>
      %dma_start3A_28 = tpu.memref_slice %arg3[%mul3A_2] : memref<262144xi32, #tpu.memory_space<hbm>> -> memref<8192xi32, #tpu.memory_space<hbm>>
      %dma_start3A_29 = tpu.memref_slice %arg3[%mul3A_2] : memref<262144xi32, #tpu.memory_space<hbm>> -> memref<8192xi32, #tpu.memory_space<hbm>>
      tpu.enqueue_dma source(%dma_start3A_29 : memref<8192xi32, #tpu.memory_space<hbm>>) target(%arg5 : memref<8192xi32, #tpu.memory_space<vmem>>) target_semaphore(%run_scoped3A : memref<!tpu.dma_semaphore, #tpu.memory_space<semaphore_mem>>)
      %dma_wait3A_30 = tpu.memref_slice %arg3[%mul3A_2] : memref<262144xi32, #tpu.memory_space<hbm>> -> memref<8192xi32, #tpu.memory_space<hbm>>
      %dma_wait3A_31 = tpu.memref_slice %arg3[%mul3A_2] : memref<262144xi32, #tpu.memory_space<hbm>> -> memref<8192xi32, #tpu.memory_space<hbm>>
      tpu.wait_dma2 semaphore(%run_scoped3A : memref<!tpu.dma_semaphore, #tpu.memory_space<semaphore_mem>>) src(%dma_wait3A_31 : memref<8192xi32, #tpu.memory_space<hbm>>) dst(%arg5 : memref<8192xi32, #tpu.memory_space<vmem>>)
      tpu.yield
    }) : () -> ()
    %dma_start3A = arith.constant 0 : i32
    %dma_start3A_3 = tpu.memref_slice %arg5[%dma_start3A] : memref<8192xi32, #tpu.memory_space<vmem>> -> memref<128xi32, #tpu.memory_space<vmem>>
    %dma_start3A_4 = arith.constant 0 : i32
    %dma_start3A_5 = arith.constant 0 : i32
    %dma_start3A_6 = tpu.memref_slice %arg2[%dma_start3A_4, %dma_start3A_5] : memref<1000000x128xf32, #tpu.memory_space<hbm>> -> memref<1000000x128xf32, #tpu.memory_space<hbm>>
    tpu.enqueue_indirect_dma source(%dma_start3A_6 : memref<1000000x128xf32, #tpu.memory_space<hbm>>) target(%arg6 : memref<128x128xf32, #tpu.memory_space<vmem>>) offsets(%dma_start3A_3 : memref<128xi32, #tpu.memory_space<vmem>>) semaphore(%arg10 : memref<!tpu.dma_semaphore, #tpu.memory_space<semaphore_mem>>)
    %dma_start3A_7 = arith.constant 128 : i32
    %dma_start3A_8 = tpu.memref_slice %arg5[%dma_start3A_7] : memref<8192xi32, #tpu.memory_space<vmem>> -> memref<128xi32, #tpu.memory_space<vmem>>
    %dma_start3A_9 = arith.constant 0 : i32
    %dma_start3A_10 = arith.constant 0 : i32
    %dma_start3A_11 = tpu.memref_slice %arg2[%dma_start3A_9, %dma_start3A_10] : memref<1000000x128xf32, #tpu.memory_space<hbm>> -> memref<1000000x128xf32, #tpu.memory_space<hbm>>
    tpu.enqueue_indirect_dma source(%dma_start3A_11 : memref<1000000x128xf32, #tpu.memory_space<hbm>>) target(%arg7 : memref<128x128xf32, #tpu.memory_space<vmem>>) offsets(%dma_start3A_8 : memref<128xi32, #tpu.memory_space<vmem>>) semaphore(%arg11 : memref<!tpu.dma_semaphore, #tpu.memory_space<semaphore_mem>>)
    %dma_start3A_12 = arith.constant 256 : i32
    %dma_start3A_13 = tpu.memref_slice %arg5[%dma_start3A_12] : memref<8192xi32, #tpu.memory_space<vmem>> -> memref<128xi32, #tpu.memory_space<vmem>>
    %dma_start3A_14 = arith.constant 0 : i32
    %dma_start3A_15 = arith.constant 0 : i32
    %dma_start3A_16 = tpu.memref_slice %arg2[%dma_start3A_14, %dma_start3A_15] : memref<1000000x128xf32, #tpu.memory_space<hbm>> -> memref<1000000x128xf32, #tpu.memory_space<hbm>>
    tpu.enqueue_indirect_dma source(%dma_start3A_16 : memref<1000000x128xf32, #tpu.memory_space<hbm>>) target(%arg8 : memref<128x128xf32, #tpu.memory_space<vmem>>) offsets(%dma_start3A_13 : memref<128xi32, #tpu.memory_space<vmem>>) semaphore(%arg12 : memref<!tpu.dma_semaphore, #tpu.memory_space<semaphore_mem>>)
    %scan3A = arith.constant 0 : i32
    %scan3A_17 = arith.constant 0 : i32
    %scan3A_18 = arith.constant 16 : i32
    %scan3A_19 = arith.addi %scan3A_17, %scan3A_18 : i32
    %scan3A_20 = arith.constant 1 : i32
    %scan3A_21 = scf.for %scan3A_28 = %scan3A_17 to %scan3A_19 step %scan3A_20 iter_args(%scan3A_29 = %scan3A) -> (i32)  : i32 {
      %mul3A_30 = arith.constant 4 : i32
      %mul3A_31 = arith.muli %scan3A_28, %mul3A_30 : i32
      %add3A_32 = arith.constant 0 : i32
      %add3A_33 = arith.addi %mul3A_31, %add3A_32 : i32
      %ge3A = arith.constant 1 : i32
      %ge3A_34 = arith.cmpi sge, %add3A_33, %ge3A : i32
      %convert_element_type3A = arith.extui %ge3A_34 : i1 to i32
      %cond3A = arith.constant 0 : i32
      %cond3A_35 = arith.cmpi ne, %convert_element_type3A, %cond3A : i32
      scf.if %cond3A_35 {
        %sub3A_150 = arith.constant 1 : i32
        %sub3A_151 = arith.subi %add3A_33, %sub3A_150 : i32
        %mul3A_152 = arith.constant 128 : i32
        %mul3A_153 = arith.muli %sub3A_151, %mul3A_152 : i32
        %add3A_154 = arith.addi %mul3A_2, %mul3A_153 : i32
        %dma_wait3A_155 = arith.constant 0 : i32
        %dma_wait3A_156 = tpu.memref_slice %arg4[%add3A_154, %dma_wait3A_155] : memref<262144x128xf32, #tpu.memory_space<hbm>> -> memref<128x128xf32, #tpu.memory_space<hbm>>
        %dma_wait3A_157 = arith.constant 0 : i32
        %dma_wait3A_158 = tpu.memref_slice %arg4[%add3A_154, %dma_wait3A_157] : memref<262144x128xf32, #tpu.memory_space<hbm>> -> memref<128x128xf32, #tpu.memory_space<hbm>>
        tpu.wait_dma2 semaphore(%arg17 : memref<!tpu.dma_semaphore, #tpu.memory_space<semaphore_mem>>) src(%arg9 : memref<128x128xf32, #tpu.memory_space<vmem>>) dst(%dma_wait3A_158 : memref<128x128xf32, #tpu.memory_space<hbm>>)
      } else {
      }
      %add3A_36 = arith.constant 4 : i32
      %add3A_37 = arith.addi %add3A_33, %add3A_36 : i32
      %sub3A = arith.constant 1 : i32
      %sub3A_38 = arith.subi %add3A_37, %sub3A : i32
      %lt3A = arith.constant 64 : i32
      %lt3A_39 = arith.cmpi slt, %sub3A_38, %lt3A : i32
      %convert_element_type3A_40 = arith.extui %lt3A_39 : i1 to i32
      %cond3A_41 = arith.constant 0 : i32
      %cond3A_42 = arith.cmpi ne, %convert_element_type3A_40, %cond3A_41 : i32
      scf.if %cond3A_42 {
        %add3A_150 = arith.constant 4 : i32
        %add3A_151 = arith.addi %add3A_33, %add3A_150 : i32
        %sub3A_152 = arith.constant 1 : i32
        %sub3A_153 = arith.subi %add3A_151, %sub3A_152 : i32
        %mul3A_154 = arith.constant 128 : i32
        %mul3A_155 = arith.muli %sub3A_153, %mul3A_154 : i32
        %dma_start3A_156 = tpu.memref_slice %arg5[%mul3A_155] : memref<8192xi32, #tpu.memory_space<vmem>> -> memref<128xi32, #tpu.memory_space<vmem>>
        %dma_start3A_157 = arith.constant 0 : i32
        %dma_start3A_158 = arith.constant 0 : i32
        %dma_start3A_159 = tpu.memref_slice %arg2[%dma_start3A_157, %dma_start3A_158] : memref<1000000x128xf32, #tpu.memory_space<hbm>> -> memref<1000000x128xf32, #tpu.memory_space<hbm>>
        tpu.enqueue_indirect_dma source(%dma_start3A_159 : memref<1000000x128xf32, #tpu.memory_space<hbm>>) target(%arg9 : memref<128x128xf32, #tpu.memory_space<vmem>>) offsets(%dma_start3A_156 : memref<128xi32, #tpu.memory_space<vmem>>) semaphore(%arg13 : memref<!tpu.dma_semaphore, #tpu.memory_space<semaphore_mem>>)
      } else {
      }
      %dma_wait3A_43 = arith.constant 0 : i32
      %dma_wait3A_44 = arith.constant 0 : i32
      %dma_wait3A_45 = tpu.memref_slice %arg2[%dma_wait3A_43, %dma_wait3A_44] : memref<1000000x128xf32, #tpu.memory_space<hbm>> -> memref<128x128xf32, #tpu.memory_space<hbm>>
      %dma_wait3A_46 = arith.constant 0 : i32
      %dma_wait3A_47 = arith.constant 0 : i32
      %dma_wait3A_48 = tpu.memref_slice %arg2[%dma_wait3A_46, %dma_wait3A_47] : memref<1000000x128xf32, #tpu.memory_space<hbm>> -> memref<128x128xf32, #tpu.memory_space<hbm>>
      tpu.wait_dma2 semaphore(%arg10 : memref<!tpu.dma_semaphore, #tpu.memory_space<semaphore_mem>>) src(%dma_wait3A_48 : memref<128x128xf32, #tpu.memory_space<hbm>>) dst(%arg6 : memref<128x128xf32, #tpu.memory_space<vmem>>)
      %mul3A_49 = arith.constant 128 : i32
      %mul3A_50 = arith.muli %add3A_33, %mul3A_49 : i32
      %add3A_51 = arith.addi %mul3A_2, %mul3A_50 : i32
      %dma_start3A_52 = arith.constant 0 : i32
      %dma_start3A_53 = tpu.memref_slice %arg4[%add3A_51, %dma_start3A_52] : memref<262144x128xf32, #tpu.memory_space<hbm>> -> memref<128x128xf32, #tpu.memory_space<hbm>>
      %dma_start3A_54 = arith.constant 0 : i32
      %dma_start3A_55 = tpu.memref_slice %arg4[%add3A_51, %dma_start3A_54] : memref<262144x128xf32, #tpu.memory_space<hbm>> -> memref<128x128xf32, #tpu.memory_space<hbm>>
      tpu.enqueue_dma source(%arg6 : memref<128x128xf32, #tpu.memory_space<vmem>>) target(%dma_start3A_55 : memref<128x128xf32, #tpu.memory_space<hbm>>) target_semaphore(%arg14 : memref<!tpu.dma_semaphore, #tpu.memory_space<semaphore_mem>>)
      %mul3A_56 = arith.constant 4 : i32
      %mul3A_57 = arith.muli %scan3A_28, %mul3A_56 : i32
      %add3A_58 = arith.constant 1 : i32
      %add3A_59 = arith.addi %mul3A_57, %add3A_58 : i32
      %ge3A_60 = arith.constant 1 : i32
      %ge3A_61 = arith.cmpi sge, %add3A_59, %ge3A_60 : i32
      %convert_element_type3A_62 = arith.extui %ge3A_61 : i1 to i32
      %cond3A_63 = arith.constant 0 : i32
      %cond3A_64 = arith.cmpi ne, %convert_element_type3A_62, %cond3A_63 : i32
      scf.if %cond3A_64 {
        %sub3A_150 = arith.constant 1 : i32
        %sub3A_151 = arith.subi %add3A_59, %sub3A_150 : i32
        %mul3A_152 = arith.constant 128 : i32
        %mul3A_153 = arith.muli %sub3A_151, %mul3A_152 : i32
        %add3A_154 = arith.addi %mul3A_2, %mul3A_153 : i32
        %dma_wait3A_155 = arith.constant 0 : i32
        %dma_wait3A_156 = tpu.memref_slice %arg4[%add3A_154, %dma_wait3A_155] : memref<262144x128xf32, #tpu.memory_space<hbm>> -> memref<128x128xf32, #tpu.memory_space<hbm>>
        %dma_wait3A_157 = arith.constant 0 : i32
        %dma_wait3A_158 = tpu.memref_slice %arg4[%add3A_154, %dma_wait3A_157] : memref<262144x128xf32, #tpu.memory_space<hbm>> -> memref<128x128xf32, #tpu.memory_space<hbm>>
        tpu.wait_dma2 semaphore(%arg14 : memref<!tpu.dma_semaphore, #tpu.memory_space<semaphore_mem>>) src(%arg6 : memref<128x128xf32, #tpu.memory_space<vmem>>) dst(%dma_wait3A_158 : memref<128x128xf32, #tpu.memory_space<hbm>>)
      } else {
      }
      %add3A_65 = arith.constant 4 : i32
      %add3A_66 = arith.addi %add3A_59, %add3A_65 : i32
      %sub3A_67 = arith.constant 1 : i32
      %sub3A_68 = arith.subi %add3A_66, %sub3A_67 : i32
      %lt3A_69 = arith.constant 64 : i32
      %lt3A_70 = arith.cmpi slt, %sub3A_68, %lt3A_69 : i32
      %convert_element_type3A_71 = arith.extui %lt3A_70 : i1 to i32
      %cond3A_72 = arith.constant 0 : i32
      %cond3A_73 = arith.cmpi ne, %convert_element_type3A_71, %cond3A_72 : i32
      scf.if %cond3A_73 {
        %add3A_150 = arith.constant 4 : i32
        %add3A_151 = arith.addi %add3A_59, %add3A_150 : i32
        %sub3A_152 = arith.constant 1 : i32
        %sub3A_153 = arith.subi %add3A_151, %sub3A_152 : i32
        %mul3A_154 = arith.constant 128 : i32
        %mul3A_155 = arith.muli %sub3A_153, %mul3A_154 : i32
        %dma_start3A_156 = tpu.memref_slice %arg5[%mul3A_155] : memref<8192xi32, #tpu.memory_space<vmem>> -> memref<128xi32, #tpu.memory_space<vmem>>
        %dma_start3A_157 = arith.constant 0 : i32
        %dma_start3A_158 = arith.constant 0 : i32
        %dma_start3A_159 = tpu.memref_slice %arg2[%dma_start3A_157, %dma_start3A_158] : memref<1000000x128xf32, #tpu.memory_space<hbm>> -> memref<1000000x128xf32, #tpu.memory_space<hbm>>
        tpu.enqueue_indirect_dma source(%dma_start3A_159 : memref<1000000x128xf32, #tpu.memory_space<hbm>>) target(%arg6 : memref<128x128xf32, #tpu.memory_space<vmem>>) offsets(%dma_start3A_156 : memref<128xi32, #tpu.memory_space<vmem>>) semaphore(%arg10 : memref<!tpu.dma_semaphore, #tpu.memory_space<semaphore_mem>>)
      } else {
      }
      %dma_wait3A_74 = arith.constant 0 : i32
      %dma_wait3A_75 = arith.constant 0 : i32
      %dma_wait3A_76 = tpu.memref_slice %arg2[%dma_wait3A_74, %dma_wait3A_75] : memref<1000000x128xf32, #tpu.memory_space<hbm>> -> memref<128x128xf32, #tpu.memory_space<hbm>>
      %dma_wait3A_77 = arith.constant 0 : i32
      %dma_wait3A_78 = arith.constant 0 : i32
      %dma_wait3A_79 = tpu.memref_slice %arg2[%dma_wait3A_77, %dma_wait3A_78] : memref<1000000x128xf32, #tpu.memory_space<hbm>> -> memref<128x128xf32, #tpu.memory_space<hbm>>
      tpu.wait_dma2 semaphore(%arg11 : memref<!tpu.dma_semaphore, #tpu.memory_space<semaphore_mem>>) src(%dma_wait3A_79 : memref<128x128xf32, #tpu.memory_space<hbm>>) dst(%arg7 : memref<128x128xf32, #tpu.memory_space<vmem>>)
      %mul3A_80 = arith.constant 128 : i32
      %mul3A_81 = arith.muli %add3A_59, %mul3A_80 : i32
      %add3A_82 = arith.addi %mul3A_2, %mul3A_81 : i32
      %dma_start3A_83 = arith.constant 0 : i32
      %dma_start3A_84 = tpu.memref_slice %arg4[%add3A_82, %dma_start3A_83] : memref<262144x128xf32, #tpu.memory_space<hbm>> -> memref<128x128xf32, #tpu.memory_space<hbm>>
      %dma_start3A_85 = arith.constant 0 : i32
      %dma_start3A_86 = tpu.memref_slice %arg4[%add3A_82, %dma_start3A_85] : memref<262144x128xf32, #tpu.memory_space<hbm>> -> memref<128x128xf32, #tpu.memory_space<hbm>>
      tpu.enqueue_dma source(%arg7 : memref<128x128xf32, #tpu.memory_space<vmem>>) target(%dma_start3A_86 : memref<128x128xf32, #tpu.memory_space<hbm>>) target_semaphore(%arg15 : memref<!tpu.dma_semaphore, #tpu.memory_space<semaphore_mem>>)
      %mul3A_87 = arith.constant 4 : i32
      %mul3A_88 = arith.muli %scan3A_28, %mul3A_87 : i32
      %add3A_89 = arith.constant 2 : i32
      %add3A_90 = arith.addi %mul3A_88, %add3A_89 : i32
      %ge3A_91 = arith.constant 1 : i32
      %ge3A_92 = arith.cmpi sge, %add3A_90, %ge3A_91 : i32
      %convert_element_type3A_93 = arith.extui %ge3A_92 : i1 to i32
      %cond3A_94 = arith.constant 0 : i32
      %cond3A_95 = arith.cmpi ne, %convert_element_type3A_93, %cond3A_94 : i32
      scf.if %cond3A_95 {
        %sub3A_150 = arith.constant 1 : i32
        %sub3A_151 = arith.subi %add3A_90, %sub3A_150 : i32
        %mul3A_152 = arith.constant 128 : i32
        %mul3A_153 = arith.muli %sub3A_151, %mul3A_152 : i32
        %add3A_154 = arith.addi %mul3A_2, %mul3A_153 : i32
        %dma_wait3A_155 = arith.constant 0 : i32
        %dma_wait3A_156 = tpu.memref_slice %arg4[%add3A_154, %dma_wait3A_155] : memref<262144x128xf32, #tpu.memory_space<hbm>> -> memref<128x128xf32, #tpu.memory_space<hbm>>
        %dma_wait3A_157 = arith.constant 0 : i32
        %dma_wait3A_158 = tpu.memref_slice %arg4[%add3A_154, %dma_wait3A_157] : memref<262144x128xf32, #tpu.memory_space<hbm>> -> memref<128x128xf32, #tpu.memory_space<hbm>>
        tpu.wait_dma2 semaphore(%arg15 : memref<!tpu.dma_semaphore, #tpu.memory_space<semaphore_mem>>) src(%arg7 : memref<128x128xf32, #tpu.memory_space<vmem>>) dst(%dma_wait3A_158 : memref<128x128xf32, #tpu.memory_space<hbm>>)
      } else {
      }
      %add3A_96 = arith.constant 4 : i32
      %add3A_97 = arith.addi %add3A_90, %add3A_96 : i32
      %sub3A_98 = arith.constant 1 : i32
      %sub3A_99 = arith.subi %add3A_97, %sub3A_98 : i32
      %lt3A_100 = arith.constant 64 : i32
      %lt3A_101 = arith.cmpi slt, %sub3A_99, %lt3A_100 : i32
      %convert_element_type3A_102 = arith.extui %lt3A_101 : i1 to i32
      %cond3A_103 = arith.constant 0 : i32
      %cond3A_104 = arith.cmpi ne, %convert_element_type3A_102, %cond3A_103 : i32
      scf.if %cond3A_104 {
        %add3A_150 = arith.constant 4 : i32
        %add3A_151 = arith.addi %add3A_90, %add3A_150 : i32
        %sub3A_152 = arith.constant 1 : i32
        %sub3A_153 = arith.subi %add3A_151, %sub3A_152 : i32
        %mul3A_154 = arith.constant 128 : i32
        %mul3A_155 = arith.muli %sub3A_153, %mul3A_154 : i32
        %dma_start3A_156 = tpu.memref_slice %arg5[%mul3A_155] : memref<8192xi32, #tpu.memory_space<vmem>> -> memref<128xi32, #tpu.memory_space<vmem>>
        %dma_start3A_157 = arith.constant 0 : i32
        %dma_start3A_158 = arith.constant 0 : i32
        %dma_start3A_159 = tpu.memref_slice %arg2[%dma_start3A_157, %dma_start3A_158] : memref<1000000x128xf32, #tpu.memory_space<hbm>> -> memref<1000000x128xf32, #tpu.memory_space<hbm>>
        tpu.enqueue_indirect_dma source(%dma_start3A_159 : memref<1000000x128xf32, #tpu.memory_space<hbm>>) target(%arg7 : memref<128x128xf32, #tpu.memory_space<vmem>>) offsets(%dma_start3A_156 : memref<128xi32, #tpu.memory_space<vmem>>) semaphore(%arg11 : memref<!tpu.dma_semaphore, #tpu.memory_space<semaphore_mem>>)
      } else {
      }
      %dma_wait3A_105 = arith.constant 0 : i32
      %dma_wait3A_106 = arith.constant 0 : i32
      %dma_wait3A_107 = tpu.memref_slice %arg2[%dma_wait3A_105, %dma_wait3A_106] : memref<1000000x128xf32, #tpu.memory_space<hbm>> -> memref<128x128xf32, #tpu.memory_space<hbm>>
      %dma_wait3A_108 = arith.constant 0 : i32
      %dma_wait3A_109 = arith.constant 0 : i32
      %dma_wait3A_110 = tpu.memref_slice %arg2[%dma_wait3A_108, %dma_wait3A_109] : memref<1000000x128xf32, #tpu.memory_space<hbm>> -> memref<128x128xf32, #tpu.memory_space<hbm>>
      tpu.wait_dma2 semaphore(%arg12 : memref<!tpu.dma_semaphore, #tpu.memory_space<semaphore_mem>>) src(%dma_wait3A_110 : memref<128x128xf32, #tpu.memory_space<hbm>>) dst(%arg8 : memref<128x128xf32, #tpu.memory_space<vmem>>)
      %mul3A_111 = arith.constant 128 : i32
      %mul3A_112 = arith.muli %add3A_90, %mul3A_111 : i32
      %add3A_113 = arith.addi %mul3A_2, %mul3A_112 : i32
      %dma_start3A_114 = arith.constant 0 : i32
      %dma_start3A_115 = tpu.memref_slice %arg4[%add3A_113, %dma_start3A_114] : memref<262144x128xf32, #tpu.memory_space<hbm>> -> memref<128x128xf32, #tpu.memory_space<hbm>>
      %dma_start3A_116 = arith.constant 0 : i32
      %dma_start3A_117 = tpu.memref_slice %arg4[%add3A_113, %dma_start3A_116] : memref<262144x128xf32, #tpu.memory_space<hbm>> -> memref<128x128xf32, #tpu.memory_space<hbm>>
      tpu.enqueue_dma source(%arg8 : memref<128x128xf32, #tpu.memory_space<vmem>>) target(%dma_start3A_117 : memref<128x128xf32, #tpu.memory_space<hbm>>) target_semaphore(%arg16 : memref<!tpu.dma_semaphore, #tpu.memory_space<semaphore_mem>>)
      %mul3A_118 = arith.constant 4 : i32
      %mul3A_119 = arith.muli %scan3A_28, %mul3A_118 : i32
      %add3A_120 = arith.constant 3 : i32
      %add3A_121 = arith.addi %mul3A_119, %add3A_120 : i32
      %ge3A_122 = arith.constant 1 : i32
      %ge3A_123 = arith.cmpi sge, %add3A_121, %ge3A_122 : i32
      %convert_element_type3A_124 = arith.extui %ge3A_123 : i1 to i32
      %cond3A_125 = arith.constant 0 : i32
      %cond3A_126 = arith.cmpi ne, %convert_element_type3A_124, %cond3A_125 : i32
      scf.if %cond3A_126 {
        %sub3A_150 = arith.constant 1 : i32
        %sub3A_151 = arith.subi %add3A_121, %sub3A_150 : i32
        %mul3A_152 = arith.constant 128 : i32
        %mul3A_153 = arith.muli %sub3A_151, %mul3A_152 : i32
        %add3A_154 = arith.addi %mul3A_2, %mul3A_153 : i32
        %dma_wait3A_155 = arith.constant 0 : i32
        %dma_wait3A_156 = tpu.memref_slice %arg4[%add3A_154, %dma_wait3A_155] : memref<262144x128xf32, #tpu.memory_space<hbm>> -> memref<128x128xf32, #tpu.memory_space<hbm>>
        %dma_wait3A_157 = arith.constant 0 : i32
        %dma_wait3A_158 = tpu.memref_slice %arg4[%add3A_154, %dma_wait3A_157] : memref<262144x128xf32, #tpu.memory_space<hbm>> -> memref<128x128xf32, #tpu.memory_space<hbm>>
        tpu.wait_dma2 semaphore(%arg16 : memref<!tpu.dma_semaphore, #tpu.memory_space<semaphore_mem>>) src(%arg8 : memref<128x128xf32, #tpu.memory_space<vmem>>) dst(%dma_wait3A_158 : memref<128x128xf32, #tpu.memory_space<hbm>>)
      } else {
      }
      %add3A_127 = arith.constant 4 : i32
      %add3A_128 = arith.addi %add3A_121, %add3A_127 : i32
      %sub3A_129 = arith.constant 1 : i32
      %sub3A_130 = arith.subi %add3A_128, %sub3A_129 : i32
      %lt3A_131 = arith.constant 64 : i32
      %lt3A_132 = arith.cmpi slt, %sub3A_130, %lt3A_131 : i32
      %convert_element_type3A_133 = arith.extui %lt3A_132 : i1 to i32
      %cond3A_134 = arith.constant 0 : i32
      %cond3A_135 = arith.cmpi ne, %convert_element_type3A_133, %cond3A_134 : i32
      scf.if %cond3A_135 {
        %add3A_150 = arith.constant 4 : i32
        %add3A_151 = arith.addi %add3A_121, %add3A_150 : i32
        %sub3A_152 = arith.constant 1 : i32
        %sub3A_153 = arith.subi %add3A_151, %sub3A_152 : i32
        %mul3A_154 = arith.constant 128 : i32
        %mul3A_155 = arith.muli %sub3A_153, %mul3A_154 : i32
        %dma_start3A_156 = tpu.memref_slice %arg5[%mul3A_155] : memref<8192xi32, #tpu.memory_space<vmem>> -> memref<128xi32, #tpu.memory_space<vmem>>
        %dma_start3A_157 = arith.constant 0 : i32
        %dma_start3A_158 = arith.constant 0 : i32
        %dma_start3A_159 = tpu.memref_slice %arg2[%dma_start3A_157, %dma_start3A_158] : memref<1000000x128xf32, #tpu.memory_space<hbm>> -> memref<1000000x128xf32, #tpu.memory_space<hbm>>
        tpu.enqueue_indirect_dma source(%dma_start3A_159 : memref<1000000x128xf32, #tpu.memory_space<hbm>>) target(%arg8 : memref<128x128xf32, #tpu.memory_space<vmem>>) offsets(%dma_start3A_156 : memref<128xi32, #tpu.memory_space<vmem>>) semaphore(%arg12 : memref<!tpu.dma_semaphore, #tpu.memory_space<semaphore_mem>>)
      } else {
      }
      %dma_wait3A_136 = arith.constant 0 : i32
      %dma_wait3A_137 = arith.constant 0 : i32
      %dma_wait3A_138 = tpu.memref_slice %arg2[%dma_wait3A_136, %dma_wait3A_137] : memref<1000000x128xf32, #tpu.memory_space<hbm>> -> memref<128x128xf32, #tpu.memory_space<hbm>>
      %dma_wait3A_139 = arith.constant 0 : i32
      %dma_wait3A_140 = arith.constant 0 : i32
      %dma_wait3A_141 = tpu.memref_slice %arg2[%dma_wait3A_139, %dma_wait3A_140] : memref<1000000x128xf32, #tpu.memory_space<hbm>> -> memref<128x128xf32, #tpu.memory_space<hbm>>
      tpu.wait_dma2 semaphore(%arg13 : memref<!tpu.dma_semaphore, #tpu.memory_space<semaphore_mem>>) src(%dma_wait3A_141 : memref<128x128xf32, #tpu.memory_space<hbm>>) dst(%arg9 : memref<128x128xf32, #tpu.memory_space<vmem>>)
      %mul3A_142 = arith.constant 128 : i32
      %mul3A_143 = arith.muli %add3A_121, %mul3A_142 : i32
      %add3A_144 = arith.addi %mul3A_2, %mul3A_143 : i32
      %dma_start3A_145 = arith.constant 0 : i32
      %dma_start3A_146 = tpu.memref_slice %arg4[%add3A_144, %dma_start3A_145] : memref<262144x128xf32, #tpu.memory_space<hbm>> -> memref<128x128xf32, #tpu.memory_space<hbm>>
      %dma_start3A_147 = arith.constant 0 : i32
      %dma_start3A_148 = tpu.memref_slice %arg4[%add3A_144, %dma_start3A_147] : memref<262144x128xf32, #tpu.memory_space<hbm>> -> memref<128x128xf32, #tpu.memory_space<hbm>>
      tpu.enqueue_dma source(%arg9 : memref<128x128xf32, #tpu.memory_space<vmem>>) target(%dma_start3A_148 : memref<128x128xf32, #tpu.memory_space<hbm>>) target_semaphore(%arg17 : memref<!tpu.dma_semaphore, #tpu.memory_space<semaphore_mem>>)
      %scan3A_149 = arith.constant 0 : i32
      scf.yield %scan3A_149 : i32
    }
    %scan3A_22 = arith.constant 16 : i32
    %add3A_23 = arith.constant 8064 : i32
    %add3A_24 = arith.addi %mul3A_2, %add3A_23 : i32
    %dma_wait3A = arith.constant 0 : i32
    %dma_wait3A_25 = tpu.memref_slice %arg4[%add3A_24, %dma_wait3A] : memref<262144x128xf32, #tpu.memory_space<hbm>> -> memref<128x128xf32, #tpu.memory_space<hbm>>
    %dma_wait3A_26 = arith.constant 0 : i32
    %dma_wait3A_27 = tpu.memref_slice %arg4[%add3A_24, %dma_wait3A_26] : memref<262144x128xf32, #tpu.memory_space<hbm>> -> memref<128x128xf32, #tpu.memory_space<hbm>>
    tpu.wait_dma2 semaphore(%arg17 : memref<!tpu.dma_semaphore, #tpu.memory_space<semaphore_mem>>) src(%arg9 : memref<128x128xf32, #tpu.memory_space<vmem>>) dst(%dma_wait3A_27 : memref<128x128xf32, #tpu.memory_space<hbm>>)
    return
  }
}

#map = affine_map<(d0, d1) -> (0, 0)>
#map1 = affine_map<(d0, d1) -> (0)>
module attributes {stable_mosaic.version = 14 : i64} {
  func.func @k(%arg0: i32, %arg1: i32, %arg2: memref<1000000x128xf32, #tpu.memory_space<hbm>>, %arg3: memref<262144xi32, #tpu.memory_space<hbm>>, %arg4: memref<262144x128xf32, #tpu.memory_space<hbm>>, %arg5: memref<8192xi32, #tpu.memory_space<vmem>>, %arg6: memref<128x128xf32, #tpu.memory_space<vmem>>, %arg7: memref<128x128xf32, #tpu.memory_space<vmem>>, %arg8: memref<128x128xf32, #tpu.memory_space<vmem>>, %arg9: memref<128x128xf32, #tpu.memory_space<vmem>>, %arg10: memref<!tpu.dma_semaphore, #tpu.memory_space<semaphore_mem>>, %arg11: memref<!tpu.dma_semaphore, #tpu.memory_space<semaphore_mem>>, %arg12: memref<!tpu.dma_semaphore, #tpu.memory_space<semaphore_mem>>, %arg13: memref<!tpu.dma_semaphore, #tpu.memory_space<semaphore_mem>>, %arg14: memref<!tpu.dma_semaphore, #tpu.memory_space<semaphore_mem>>, %arg15: memref<!tpu.dma_semaphore, #tpu.memory_space<semaphore_mem>>, %arg16: memref<!tpu.dma_semaphore, #tpu.memory_space<semaphore_mem>>, %arg17: memref<!tpu.dma_semaphore, #tpu.memory_space<semaphore_mem>>) attributes {dimension_semantics = [#tpu.dimension_semantics<core_parallel>, #tpu.dimension_semantics<subcore_parallel>], iteration_bounds = array<i64: 2, 16>, scalar_prefetch = 0 : i64, scratch_operands = 13 : i64, tpu.core_type = #tpu.core_type<sc_vector_subcore>, window_params = [{transform_indices = #map}, {transform_indices = #map1}, {transform_indices = #map}]} {
    %mul3A = arith.constant 2 : i32
    %mul3A_0 = arith.muli %arg1, %mul3A : i32
    %add3A = arith.addi %mul3A_0, %arg0 : i32
    %mul3A_1 = arith.constant 8192 : i32
    %mul3A_2 = arith.muli %add3A, %mul3A_1 : i32
    "tpu.region"() ({
      %run_scoped3A = tpu.sem_alloc : memref<!tpu.dma_semaphore, #tpu.memory_space<semaphore_mem>>
      %dma_start3A_28 = tpu.memref_slice %arg3[%mul3A_2] : memref<262144xi32, #tpu.memory_space<hbm>> -> memref<8192xi32, #tpu.memory_space<hbm>>
      %dma_start3A_29 = tpu.memref_slice %arg3[%mul3A_2] : memref<262144xi32, #tpu.memory_space<hbm>> -> memref<8192xi32, #tpu.memory_space<hbm>>
      tpu.enqueue_dma source(%dma_start3A_29 : memref<8192xi32, #tpu.memory_space<hbm>>) target(%arg5 : memref<8192xi32, #tpu.memory_space<vmem>>) target_semaphore(%run_scoped3A : memref<!tpu.dma_semaphore, #tpu.memory_space<semaphore_mem>>)
      %dma_wait3A_30 = tpu.memref_slice %arg3[%mul3A_2] : memref<262144xi32, #tpu.memory_space<hbm>> -> memref<8192xi32, #tpu.memory_space<hbm>>
      %dma_wait3A_31 = tpu.memref_slice %arg3[%mul3A_2] : memref<262144xi32, #tpu.memory_space<hbm>> -> memref<8192xi32, #tpu.memory_space<hbm>>
      tpu.wait_dma2 semaphore(%run_scoped3A : memref<!tpu.dma_semaphore, #tpu.memory_space<semaphore_mem>>) src(%dma_wait3A_31 : memref<8192xi32, #tpu.memory_space<hbm>>) dst(%arg5 : memref<8192xi32, #tpu.memory_space<vmem>>)
      tpu.yield
    }) : () -> ()
    %dma_start3A = arith.constant 0 : i32
    %dma_start3A_3 = tpu.memref_slice %arg5[%dma_start3A] : memref<8192xi32, #tpu.memory_space<vmem>> -> memref<128xi32, #tpu.memory_space<vmem>>
    %dma_start3A_4 = arith.constant 0 : i32
    %dma_start3A_5 = arith.constant 0 : i32
    %dma_start3A_6 = tpu.memref_slice %arg2[%dma_start3A_4, %dma_start3A_5] : memref<1000000x128xf32, #tpu.memory_space<hbm>> -> memref<1000000x128xf32, #tpu.memory_space<hbm>>
    tpu.enqueue_indirect_dma source(%dma_start3A_6 : memref<1000000x128xf32, #tpu.memory_space<hbm>>) target(%arg6 : memref<128x128xf32, #tpu.memory_space<vmem>>) offsets(%dma_start3A_3 : memref<128xi32, #tpu.memory_space<vmem>>) semaphore(%arg10 : memref<!tpu.dma_semaphore, #tpu.memory_space<semaphore_mem>>)
    %dma_start3A_7 = arith.constant 128 : i32
    %dma_start3A_8 = tpu.memref_slice %arg5[%dma_start3A_7] : memref<8192xi32, #tpu.memory_space<vmem>> -> memref<128xi32, #tpu.memory_space<vmem>>
    %dma_start3A_9 = arith.constant 0 : i32
    %dma_start3A_10 = arith.constant 0 : i32
    %dma_start3A_11 = tpu.memref_slice %arg2[%dma_start3A_9, %dma_start3A_10] : memref<1000000x128xf32, #tpu.memory_space<hbm>> -> memref<1000000x128xf32, #tpu.memory_space<hbm>>
    tpu.enqueue_indirect_dma source(%dma_start3A_11 : memref<1000000x128xf32, #tpu.memory_space<hbm>>) target(%arg7 : memref<128x128xf32, #tpu.memory_space<vmem>>) offsets(%dma_start3A_8 : memref<128xi32, #tpu.memory_space<vmem>>) semaphore(%arg11 : memref<!tpu.dma_semaphore, #tpu.memory_space<semaphore_mem>>)
    %dma_start3A_12 = arith.constant 256 : i32
    %dma_start3A_13 = tpu.memref_slice %arg5[%dma_start3A_12] : memref<8192xi32, #tpu.memory_space<vmem>> -> memref<128xi32, #tpu.memory_space<vmem>>
    %dma_start3A_14 = arith.constant 0 : i32
    %dma_start3A_15 = arith.constant 0 : i32
    %dma_start3A_16 = tpu.memref_slice %arg2[%dma_start3A_14, %dma_start3A_15] : memref<1000000x128xf32, #tpu.memory_space<hbm>> -> memref<1000000x128xf32, #tpu.memory_space<hbm>>
    tpu.enqueue_indirect_dma source(%dma_start3A_16 : memref<1000000x128xf32, #tpu.memory_space<hbm>>) target(%arg8 : memref<128x128xf32, #tpu.memory_space<vmem>>) offsets(%dma_start3A_13 : memref<128xi32, #tpu.memory_space<vmem>>) semaphore(%arg12 : memref<!tpu.dma_semaphore, #tpu.memory_space<semaphore_mem>>)
    %scan3A = arith.constant 0 : i32
    %scan3A_17 = arith.constant 0 : i32
    %scan3A_18 = arith.constant 16 : i32
    %scan3A_19 = arith.addi %scan3A_17, %scan3A_18 : i32
    %scan3A_20 = arith.constant 1 : i32
    %scan3A_21 = scf.for %scan3A_28 = %scan3A_17 to %scan3A_19 step %scan3A_20 iter_args(%scan3A_29 = %scan3A) -> (i32)  : i32 {
      %mul3A_30 = arith.constant 4 : i32
      %mul3A_31 = arith.muli %scan3A_28, %mul3A_30 : i32
      %add3A_32 = arith.constant 0 : i32
      %add3A_33 = arith.addi %mul3A_31, %add3A_32 : i32
      %ge3A = arith.constant 1 : i32
      %ge3A_34 = arith.cmpi sge, %add3A_33, %ge3A : i32
      %convert_element_type3A = arith.extui %ge3A_34 : i1 to i32
      %cond3A = arith.constant 0 : i32
      %cond3A_35 = arith.cmpi ne, %convert_element_type3A, %cond3A : i32
      scf.if %cond3A_35 {
        %sub3A_150 = arith.constant 1 : i32
        %sub3A_151 = arith.subi %add3A_33, %sub3A_150 : i32
        %mul3A_152 = arith.constant 128 : i32
        %mul3A_153 = arith.muli %sub3A_151, %mul3A_152 : i32
        %add3A_154 = arith.addi %mul3A_2, %mul3A_153 : i32
        %dma_wait3A_155 = arith.constant 0 : i32
        %dma_wait3A_156 = tpu.memref_slice %arg4[%add3A_154, %dma_wait3A_155] : memref<262144x128xf32, #tpu.memory_space<hbm>> -> memref<128x128xf32, #tpu.memory_space<hbm>>
        %dma_wait3A_157 = arith.constant 0 : i32
        %dma_wait3A_158 = tpu.memref_slice %arg4[%add3A_154, %dma_wait3A_157] : memref<262144x128xf32, #tpu.memory_space<hbm>> -> memref<128x128xf32, #tpu.memory_space<hbm>>
        tpu.wait_dma2 semaphore(%arg17 : memref<!tpu.dma_semaphore, #tpu.memory_space<semaphore_mem>>) src(%arg9 : memref<128x128xf32, #tpu.memory_space<vmem>>) dst(%dma_wait3A_158 : memref<128x128xf32, #tpu.memory_space<hbm>>)
      } else {
      }
      %add3A_36 = arith.constant 4 : i32
      %add3A_37 = arith.addi %add3A_33, %add3A_36 : i32
      %sub3A = arith.constant 1 : i32
      %sub3A_38 = arith.subi %add3A_37, %sub3A : i32
      %lt3A = arith.constant 64 : i32
      %lt3A_39 = arith.cmpi slt, %sub3A_38, %lt3A : i32
      %convert_element_type3A_40 = arith.extui %lt3A_39 : i1 to i32
      %cond3A_41 = arith.constant 0 : i32
      %cond3A_42 = arith.cmpi ne, %convert_element_type3A_40, %cond3A_41 : i32
      scf.if %cond3A_42 {
        %add3A_150 = arith.constant 4 : i32
        %add3A_151 = arith.addi %add3A_33, %add3A_150 : i32
        %sub3A_152 = arith.constant 1 : i32
        %sub3A_153 = arith.subi %add3A_151, %sub3A_152 : i32
        %mul3A_154 = arith.constant 128 : i32
        %mul3A_155 = arith.muli %sub3A_153, %mul3A_154 : i32
        %dma_start3A_156 = tpu.memref_slice %arg5[%mul3A_155] : memref<8192xi32, #tpu.memory_space<vmem>> -> memref<128xi32, #tpu.memory_space<vmem>>
        %dma_start3A_157 = arith.constant 0 : i32
        %dma_start3A_158 = arith.constant 0 : i32
        %dma_start3A_159 = tpu.memref_slice %arg2[%dma_start3A_157, %dma_start3A_158] : memref<1000000x128xf32, #tpu.memory_space<hbm>> -> memref<1000000x128xf32, #tpu.memory_space<hbm>>
        tpu.enqueue_indirect_dma source(%dma_start3A_159 : memref<1000000x128xf32, #tpu.memory_space<hbm>>) target(%arg9 : memref<128x128xf32, #tpu.memory_space<vmem>>) offsets(%dma_start3A_156 : memref<128xi32, #tpu.memory_space<vmem>>) semaphore(%arg13 : memref<!tpu.dma_semaphore, #tpu.memory_space<semaphore_mem>>)
      } else {
      }
      %dma_wait3A_43 = arith.constant 0 : i32
      %dma_wait3A_44 = arith.constant 0 : i32
      %dma_wait3A_45 = tpu.memref_slice %arg2[%dma_wait3A_43, %dma_wait3A_44] : memref<1000000x128xf32, #tpu.memory_space<hbm>> -> memref<128x128xf32, #tpu.memory_space<hbm>>
      %dma_wait3A_46 = arith.constant 0 : i32
      %dma_wait3A_47 = arith.constant 0 : i32
      %dma_wait3A_48 = tpu.memref_slice %arg2[%dma_wait3A_46, %dma_wait3A_47] : memref<1000000x128xf32, #tpu.memory_space<hbm>> -> memref<128x128xf32, #tpu.memory_space<hbm>>
      tpu.wait_dma2 semaphore(%arg10 : memref<!tpu.dma_semaphore, #tpu.memory_space<semaphore_mem>>) src(%dma_wait3A_48 : memref<128x128xf32, #tpu.memory_space<hbm>>) dst(%arg6 : memref<128x128xf32, #tpu.memory_space<vmem>>)
      %mul3A_49 = arith.constant 128 : i32
      %mul3A_50 = arith.muli %add3A_33, %mul3A_49 : i32
      %add3A_51 = arith.addi %mul3A_2, %mul3A_50 : i32
      %dma_start3A_52 = arith.constant 0 : i32
      %dma_start3A_53 = tpu.memref_slice %arg4[%add3A_51, %dma_start3A_52] : memref<262144x128xf32, #tpu.memory_space<hbm>> -> memref<128x128xf32, #tpu.memory_space<hbm>>
      %dma_start3A_54 = arith.constant 0 : i32
      %dma_start3A_55 = tpu.memref_slice %arg4[%add3A_51, %dma_start3A_54] : memref<262144x128xf32, #tpu.memory_space<hbm>> -> memref<128x128xf32, #tpu.memory_space<hbm>>
      tpu.enqueue_dma source(%arg6 : memref<128x128xf32, #tpu.memory_space<vmem>>) target(%dma_start3A_55 : memref<128x128xf32, #tpu.memory_space<hbm>>) target_semaphore(%arg14 : memref<!tpu.dma_semaphore, #tpu.memory_space<semaphore_mem>>)
      %mul3A_56 = arith.constant 4 : i32
      %mul3A_57 = arith.muli %scan3A_28, %mul3A_56 : i32
      %add3A_58 = arith.constant 1 : i32
      %add3A_59 = arith.addi %mul3A_57, %add3A_58 : i32
      %ge3A_60 = arith.constant 1 : i32
      %ge3A_61 = arith.cmpi sge, %add3A_59, %ge3A_60 : i32
      %convert_element_type3A_62 = arith.extui %ge3A_61 : i1 to i32
      %cond3A_63 = arith.constant 0 : i32
      %cond3A_64 = arith.cmpi ne, %convert_element_type3A_62, %cond3A_63 : i32
      scf.if %cond3A_64 {
        %sub3A_150 = arith.constant 1 : i32
        %sub3A_151 = arith.subi %add3A_59, %sub3A_150 : i32
        %mul3A_152 = arith.constant 128 : i32
        %mul3A_153 = arith.muli %sub3A_151, %mul3A_152 : i32
        %add3A_154 = arith.addi %mul3A_2, %mul3A_153 : i32
        %dma_wait3A_155 = arith.constant 0 : i32
        %dma_wait3A_156 = tpu.memref_slice %arg4[%add3A_154, %dma_wait3A_155] : memref<262144x128xf32, #tpu.memory_space<hbm>> -> memref<128x128xf32, #tpu.memory_space<hbm>>
        %dma_wait3A_157 = arith.constant 0 : i32
        %dma_wait3A_158 = tpu.memref_slice %arg4[%add3A_154, %dma_wait3A_157] : memref<262144x128xf32, #tpu.memory_space<hbm>> -> memref<128x128xf32, #tpu.memory_space<hbm>>
        tpu.wait_dma2 semaphore(%arg14 : memref<!tpu.dma_semaphore, #tpu.memory_space<semaphore_mem>>) src(%arg6 : memref<128x128xf32, #tpu.memory_space<vmem>>) dst(%dma_wait3A_158 : memref<128x128xf32, #tpu.memory_space<hbm>>)
      } else {
      }
      %add3A_65 = arith.constant 4 : i32
      %add3A_66 = arith.addi %add3A_59, %add3A_65 : i32
      %sub3A_67 = arith.constant 1 : i32
      %sub3A_68 = arith.subi %add3A_66, %sub3A_67 : i32
      %lt3A_69 = arith.constant 64 : i32
      %lt3A_70 = arith.cmpi slt, %sub3A_68, %lt3A_69 : i32
      %convert_element_type3A_71 = arith.extui %lt3A_70 : i1 to i32
      %cond3A_72 = arith.constant 0 : i32
      %cond3A_73 = arith.cmpi ne, %convert_element_type3A_71, %cond3A_72 : i32
      scf.if %cond3A_73 {
        %add3A_150 = arith.constant 4 : i32
        %add3A_151 = arith.addi %add3A_59, %add3A_150 : i32
        %sub3A_152 = arith.constant 1 : i32
        %sub3A_153 = arith.subi %add3A_151, %sub3A_152 : i32
        %mul3A_154 = arith.constant 128 : i32
        %mul3A_155 = arith.muli %sub3A_153, %mul3A_154 : i32
        %dma_start3A_156 = tpu.memref_slice %arg5[%mul3A_155] : memref<8192xi32, #tpu.memory_space<vmem>> -> memref<128xi32, #tpu.memory_space<vmem>>
        %dma_start3A_157 = arith.constant 0 : i32
        %dma_start3A_158 = arith.constant 0 : i32
        %dma_start3A_159 = tpu.memref_slice %arg2[%dma_start3A_157, %dma_start3A_158] : memref<1000000x128xf32, #tpu.memory_space<hbm>> -> memref<1000000x128xf32, #tpu.memory_space<hbm>>
        tpu.enqueue_indirect_dma source(%dma_start3A_159 : memref<1000000x128xf32, #tpu.memory_space<hbm>>) target(%arg6 : memref<128x128xf32, #tpu.memory_space<vmem>>) offsets(%dma_start3A_156 : memref<128xi32, #tpu.memory_space<vmem>>) semaphore(%arg10 : memref<!tpu.dma_semaphore, #tpu.memory_space<semaphore_mem>>)
      } else {
      }
      %dma_wait3A_74 = arith.constant 0 : i32
      %dma_wait3A_75 = arith.constant 0 : i32
      %dma_wait3A_76 = tpu.memref_slice %arg2[%dma_wait3A_74, %dma_wait3A_75] : memref<1000000x128xf32, #tpu.memory_space<hbm>> -> memref<128x128xf32, #tpu.memory_space<hbm>>
      %dma_wait3A_77 = arith.constant 0 : i32
      %dma_wait3A_78 = arith.constant 0 : i32
      %dma_wait3A_79 = tpu.memref_slice %arg2[%dma_wait3A_77, %dma_wait3A_78] : memref<1000000x128xf32, #tpu.memory_space<hbm>> -> memref<128x128xf32, #tpu.memory_space<hbm>>
      tpu.wait_dma2 semaphore(%arg11 : memref<!tpu.dma_semaphore, #tpu.memory_space<semaphore_mem>>) src(%dma_wait3A_79 : memref<128x128xf32, #tpu.memory_space<hbm>>) dst(%arg7 : memref<128x128xf32, #tpu.memory_space<vmem>>)
      %mul3A_80 = arith.constant 128 : i32
      %mul3A_81 = arith.muli %add3A_59, %mul3A_80 : i32
      %add3A_82 = arith.addi %mul3A_2, %mul3A_81 : i32
      %dma_start3A_83 = arith.constant 0 : i32
      %dma_start3A_84 = tpu.memref_slice %arg4[%add3A_82, %dma_start3A_83] : memref<262144x128xf32, #tpu.memory_space<hbm>> -> memref<128x128xf32, #tpu.memory_space<hbm>>
      %dma_start3A_85 = arith.constant 0 : i32
      %dma_start3A_86 = tpu.memref_slice %arg4[%add3A_82, %dma_start3A_85] : memref<262144x128xf32, #tpu.memory_space<hbm>> -> memref<128x128xf32, #tpu.memory_space<hbm>>
      tpu.enqueue_dma source(%arg7 : memref<128x128xf32, #tpu.memory_space<vmem>>) target(%dma_start3A_86 : memref<128x128xf32, #tpu.memory_space<hbm>>) target_semaphore(%arg15 : memref<!tpu.dma_semaphore, #tpu.memory_space<semaphore_mem>>)
      %mul3A_87 = arith.constant 4 : i32
      %mul3A_88 = arith.muli %scan3A_28, %mul3A_87 : i32
      %add3A_89 = arith.constant 2 : i32
      %add3A_90 = arith.addi %mul3A_88, %add3A_89 : i32
      %ge3A_91 = arith.constant 1 : i32
      %ge3A_92 = arith.cmpi sge, %add3A_90, %ge3A_91 : i32
      %convert_element_type3A_93 = arith.extui %ge3A_92 : i1 to i32
      %cond3A_94 = arith.constant 0 : i32
      %cond3A_95 = arith.cmpi ne, %convert_element_type3A_93, %cond3A_94 : i32
      scf.if %cond3A_95 {
        %sub3A_150 = arith.constant 1 : i32
        %sub3A_151 = arith.subi %add3A_90, %sub3A_150 : i32
        %mul3A_152 = arith.constant 128 : i32
        %mul3A_153 = arith.muli %sub3A_151, %mul3A_152 : i32
        %add3A_154 = arith.addi %mul3A_2, %mul3A_153 : i32
        %dma_wait3A_155 = arith.constant 0 : i32
        %dma_wait3A_156 = tpu.memref_slice %arg4[%add3A_154, %dma_wait3A_155] : memref<262144x128xf32, #tpu.memory_space<hbm>> -> memref<128x128xf32, #tpu.memory_space<hbm>>
        %dma_wait3A_157 = arith.constant 0 : i32
        %dma_wait3A_158 = tpu.memref_slice %arg4[%add3A_154, %dma_wait3A_157] : memref<262144x128xf32, #tpu.memory_space<hbm>> -> memref<128x128xf32, #tpu.memory_space<hbm>>
        tpu.wait_dma2 semaphore(%arg15 : memref<!tpu.dma_semaphore, #tpu.memory_space<semaphore_mem>>) src(%arg7 : memref<128x128xf32, #tpu.memory_space<vmem>>) dst(%dma_wait3A_158 : memref<128x128xf32, #tpu.memory_space<hbm>>)
      } else {
      }
      %add3A_96 = arith.constant 4 : i32
      %add3A_97 = arith.addi %add3A_90, %add3A_96 : i32
      %sub3A_98 = arith.constant 1 : i32
      %sub3A_99 = arith.subi %add3A_97, %sub3A_98 : i32
      %lt3A_100 = arith.constant 64 : i32
      %lt3A_101 = arith.cmpi slt, %sub3A_99, %lt3A_100 : i32
      %convert_element_type3A_102 = arith.extui %lt3A_101 : i1 to i32
      %cond3A_103 = arith.constant 0 : i32
      %cond3A_104 = arith.cmpi ne, %convert_element_type3A_102, %cond3A_103 : i32
      scf.if %cond3A_104 {
        %add3A_150 = arith.constant 4 : i32
        %add3A_151 = arith.addi %add3A_90, %add3A_150 : i32
        %sub3A_152 = arith.constant 1 : i32
        %sub3A_153 = arith.subi %add3A_151, %sub3A_152 : i32
        %mul3A_154 = arith.constant 128 : i32
        %mul3A_155 = arith.muli %sub3A_153, %mul3A_154 : i32
        %dma_start3A_156 = tpu.memref_slice %arg5[%mul3A_155] : memref<8192xi32, #tpu.memory_space<vmem>> -> memref<128xi32, #tpu.memory_space<vmem>>
        %dma_start3A_157 = arith.constant 0 : i32
        %dma_start3A_158 = arith.constant 0 : i32
        %dma_start3A_159 = tpu.memref_slice %arg2[%dma_start3A_157, %dma_start3A_158] : memref<1000000x128xf32, #tpu.memory_space<hbm>> -> memref<1000000x128xf32, #tpu.memory_space<hbm>>
        tpu.enqueue_indirect_dma source(%dma_start3A_159 : memref<1000000x128xf32, #tpu.memory_space<hbm>>) target(%arg7 : memref<128x128xf32, #tpu.memory_space<vmem>>) offsets(%dma_start3A_156 : memref<128xi32, #tpu.memory_space<vmem>>) semaphore(%arg11 : memref<!tpu.dma_semaphore, #tpu.memory_space<semaphore_mem>>)
      } else {
      }
      %dma_wait3A_105 = arith.constant 0 : i32
      %dma_wait3A_106 = arith.constant 0 : i32
      %dma_wait3A_107 = tpu.memref_slice %arg2[%dma_wait3A_105, %dma_wait3A_106] : memref<1000000x128xf32, #tpu.memory_space<hbm>> -> memref<128x128xf32, #tpu.memory_space<hbm>>
      %dma_wait3A_108 = arith.constant 0 : i32
      %dma_wait3A_109 = arith.constant 0 : i32
      %dma_wait3A_110 = tpu.memref_slice %arg2[%dma_wait3A_108, %dma_wait3A_109] : memref<1000000x128xf32, #tpu.memory_space<hbm>> -> memref<128x128xf32, #tpu.memory_space<hbm>>
      tpu.wait_dma2 semaphore(%arg12 : memref<!tpu.dma_semaphore, #tpu.memory_space<semaphore_mem>>) src(%dma_wait3A_110 : memref<128x128xf32, #tpu.memory_space<hbm>>) dst(%arg8 : memref<128x128xf32, #tpu.memory_space<vmem>>)
      %mul3A_111 = arith.constant 128 : i32
      %mul3A_112 = arith.muli %add3A_90, %mul3A_111 : i32
      %add3A_113 = arith.addi %mul3A_2, %mul3A_112 : i32
      %dma_start3A_114 = arith.constant 0 : i32
      %dma_start3A_115 = tpu.memref_slice %arg4[%add3A_113, %dma_start3A_114] : memref<262144x128xf32, #tpu.memory_space<hbm>> -> memref<128x128xf32, #tpu.memory_space<hbm>>
      %dma_start3A_116 = arith.constant 0 : i32
      %dma_start3A_117 = tpu.memref_slice %arg4[%add3A_113, %dma_start3A_116] : memref<262144x128xf32, #tpu.memory_space<hbm>> -> memref<128x128xf32, #tpu.memory_space<hbm>>
      tpu.enqueue_dma source(%arg8 : memref<128x128xf32, #tpu.memory_space<vmem>>) target(%dma_start3A_117 : memref<128x128xf32, #tpu.memory_space<hbm>>) target_semaphore(%arg16 : memref<!tpu.dma_semaphore, #tpu.memory_space<semaphore_mem>>)
      %mul3A_118 = arith.constant 4 : i32
      %mul3A_119 = arith.muli %scan3A_28, %mul3A_118 : i32
      %add3A_120 = arith.constant 3 : i32
      %add3A_121 = arith.addi %mul3A_119, %add3A_120 : i32
      %ge3A_122 = arith.constant 1 : i32
      %ge3A_123 = arith.cmpi sge, %add3A_121, %ge3A_122 : i32
      %convert_element_type3A_124 = arith.extui %ge3A_123 : i1 to i32
      %cond3A_125 = arith.constant 0 : i32
      %cond3A_126 = arith.cmpi ne, %convert_element_type3A_124, %cond3A_125 : i32
      scf.if %cond3A_126 {
        %sub3A_150 = arith.constant 1 : i32
        %sub3A_151 = arith.subi %add3A_121, %sub3A_150 : i32
        %mul3A_152 = arith.constant 128 : i32
        %mul3A_153 = arith.muli %sub3A_151, %mul3A_152 : i32
        %add3A_154 = arith.addi %mul3A_2, %mul3A_153 : i32
        %dma_wait3A_155 = arith.constant 0 : i32
        %dma_wait3A_156 = tpu.memref_slice %arg4[%add3A_154, %dma_wait3A_155] : memref<262144x128xf32, #tpu.memory_space<hbm>> -> memref<128x128xf32, #tpu.memory_space<hbm>>
        %dma_wait3A_157 = arith.constant 0 : i32
        %dma_wait3A_158 = tpu.memref_slice %arg4[%add3A_154, %dma_wait3A_157] : memref<262144x128xf32, #tpu.memory_space<hbm>> -> memref<128x128xf32, #tpu.memory_space<hbm>>
        tpu.wait_dma2 semaphore(%arg16 : memref<!tpu.dma_semaphore, #tpu.memory_space<semaphore_mem>>) src(%arg8 : memref<128x128xf32, #tpu.memory_space<vmem>>) dst(%dma_wait3A_158 : memref<128x128xf32, #tpu.memory_space<hbm>>)
      } else {
      }
      %add3A_127 = arith.constant 4 : i32
      %add3A_128 = arith.addi %add3A_121, %add3A_127 : i32
      %sub3A_129 = arith.constant 1 : i32
      %sub3A_130 = arith.subi %add3A_128, %sub3A_129 : i32
      %lt3A_131 = arith.constant 64 : i32
      %lt3A_132 = arith.cmpi slt, %sub3A_130, %lt3A_131 : i32
      %convert_element_type3A_133 = arith.extui %lt3A_132 : i1 to i32
      %cond3A_134 = arith.constant 0 : i32
      %cond3A_135 = arith.cmpi ne, %convert_element_type3A_133, %cond3A_134 : i32
      scf.if %cond3A_135 {
        %add3A_150 = arith.constant 4 : i32
        %add3A_151 = arith.addi %add3A_121, %add3A_150 : i32
        %sub3A_152 = arith.constant 1 : i32
        %sub3A_153 = arith.subi %add3A_151, %sub3A_152 : i32
        %mul3A_154 = arith.constant 128 : i32
        %mul3A_155 = arith.muli %sub3A_153, %mul3A_154 : i32
        %dma_start3A_156 = tpu.memref_slice %arg5[%mul3A_155] : memref<8192xi32, #tpu.memory_space<vmem>> -> memref<128xi32, #tpu.memory_space<vmem>>
        %dma_start3A_157 = arith.constant 0 : i32
        %dma_start3A_158 = arith.constant 0 : i32
        %dma_start3A_159 = tpu.memref_slice %arg2[%dma_start3A_157, %dma_start3A_158] : memref<1000000x128xf32, #tpu.memory_space<hbm>> -> memref<1000000x128xf32, #tpu.memory_space<hbm>>
        tpu.enqueue_indirect_dma source(%dma_start3A_159 : memref<1000000x128xf32, #tpu.memory_space<hbm>>) target(%arg8 : memref<128x128xf32, #tpu.memory_space<vmem>>) offsets(%dma_start3A_156 : memref<128xi32, #tpu.memory_space<vmem>>) semaphore(%arg12 : memref<!tpu.dma_semaphore, #tpu.memory_space<semaphore_mem>>)
      } else {
      }
      %dma_wait3A_136 = arith.constant 0 : i32
      %dma_wait3A_137 = arith.constant 0 : i32
      %dma_wait3A_138 = tpu.memref_slice %arg2[%dma_wait3A_136, %dma_wait3A_137] : memref<1000000x128xf32, #tpu.memory_space<hbm>> -> memref<128x128xf32, #tpu.memory_space<hbm>>
      %dma_wait3A_139 = arith.constant 0 : i32
      %dma_wait3A_140 = arith.constant 0 : i32
      %dma_wait3A_141 = tpu.memref_slice %arg2[%dma_wait3A_139, %dma_wait3A_140] : memref<1000000x128xf32, #tpu.memory_space<hbm>> -> memref<128x128xf32, #tpu.memory_space<hbm>>
      tpu.wait_dma2 semaphore(%arg13 : memref<!tpu.dma_semaphore, #tpu.memory_space<semaphore_mem>>) src(%dma_wait3A_141 : memref<128x128xf32, #tpu.memory_space<hbm>>) dst(%arg9 : memref<128x128xf32, #tpu.memory_space<vmem>>)
      %mul3A_142 = arith.constant 128 : i32
      %mul3A_143 = arith.muli %add3A_121, %mul3A_142 : i32
      %add3A_144 = arith.addi %mul3A_2, %mul3A_143 : i32
      %dma_start3A_145 = arith.constant 0 : i32
      %dma_start3A_146 = tpu.memref_slice %arg4[%add3A_144, %dma_start3A_145] : memref<262144x128xf32, #tpu.memory_space<hbm>> -> memref<128x128xf32, #tpu.memory_space<hbm>>
      %dma_start3A_147 = arith.constant 0 : i32
      %dma_start3A_148 = tpu.memref_slice %arg4[%add3A_144, %dma_start3A_147] : memref<262144x128xf32, #tpu.memory_space<hbm>> -> memref<128x128xf32, #tpu.memory_space<hbm>>
      tpu.enqueue_dma source(%arg9 : memref<128x128xf32, #tpu.memory_space<vmem>>) target(%dma_start3A_148 : memref<128x128xf32, #tpu.memory_space<hbm>>) target_semaphore(%arg17 : memref<!tpu.dma_semaphore, #tpu.memory_space<semaphore_mem>>)
      %scan3A_149 = arith.constant 0 : i32
      scf.yield %scan3A_149 : i32
    }
    %scan3A_22 = arith.constant 16 : i32
    %add3A_23 = arith.constant 8064 : i32
    %add3A_24 = arith.addi %mul3A_2, %add3A_23 : i32
    %dma_wait3A = arith.constant 0 : i32
    %dma_wait3A_25 = tpu.memref_slice %arg4[%add3A_24, %dma_wait3A] : memref<262144x128xf32, #tpu.memory_space<hbm>> -> memref<128x128xf32, #tpu.memory_space<hbm>>
    %dma_wait3A_26 = arith.constant 0 : i32
    %dma_wait3A_27 = tpu.memref_slice %arg4[%add3A_24, %dma_wait3A_26] : memref<262144x128xf32, #tpu.memory_space<hbm>> -> memref<128x128xf32, #tpu.memory_space<hbm>>
    tpu.wait_dma2 semaphore(%arg17 : memref<!tpu.dma_semaphore, #tpu.memory_space<semaphore_mem>>) src(%arg9 : memref<128x128xf32, #tpu.memory_space<vmem>>) dst(%dma_wait3A_27 : memref<128x128xf32, #tpu.memory_space<hbm>>)
    return
  }
}

module attributes {stable_mosaic.version = 14 : i64} {
  func.func @body(%arg0: i32, %arg1: memref<8192x128xf32, #tpu.memory_space<vmem>>, %arg2: memref<8x128xf32, #tpu.memory_space<vmem>>, %arg3: memref<8x1024xf32, #tpu.memory_space<vmem>>) attributes {dimension_semantics = [#tpu.dimension_semantics<arbitrary>], iteration_bounds = array<i64: 32>, scalar_prefetch = 0 : i64, scratch_operands = 0 : i64, tpu.core_type = #tpu.core_type<tc>, window_params = [{transform_indices = @transform_0, window_bounds = array<i64: 8192, 128>}, {transform_indices = @transform_1, window_bounds = array<i64: 8, 128>}, {transform_indices = @transform_2, window_bounds = array<i64: 8, 1024>}]} {
    %get3A = arith.constant 0 : index
    %get3A_0 = arith.constant 0 : index
    %get3A_1 = vector.load %arg1[%get3A, %get3A_0] : memref<8192x128xf32, #tpu.memory_space<vmem>>, vector<8192x128xf32>
    %get3A_2 = arith.constant 0 : index
    %get3A_3 = arith.constant 0 : index
    %get3A_4 = vector.load %arg2[%get3A_2, %get3A_3] : memref<8x128xf32, #tpu.memory_space<vmem>>, vector<8x128xf32>
    %dot_general3A = arith.constant dense<0.000000e+00> : vector<8x8192xf32>
    %dot_general3A_5 = tpu.matmul %get3A_4, %get3A_1, %dot_general3A {dimension_numbers = #tpu.dot_dimension_numbers<[1], [1], [0], [0], [0, 0, 1, 0], [], []>, transpose_lhs_hint = false} : vector<8x128xf32>, vector<8192x128xf32>, vector<8x8192xf32> -> vector<8x8192xf32>
    %slice3A = vector.extract_strided_slice %dot_general3A_5 {offsets = [0, 0], sizes = [1, 1024], strides = [1, 1]} : vector<8x8192xf32> to vector<1x1024xf32>
    %swap3A = arith.constant 0 : index
    %swap3A_6 = arith.constant 0 : index
    %swap3A_7 = vector.load %arg3[%swap3A, %swap3A_6] : memref<8x1024xf32, #tpu.memory_space<vmem>>, vector<1x1024xf32>
    tpu.vector_store %arg3[%swap3A, %swap3A_6], %slice3A {strides = array<i32>} : memref<8x1024xf32, #tpu.memory_space<vmem>>, vector<1x1024xf32>,
    %slice3A_8 = vector.extract_strided_slice %dot_general3A_5 {offsets = [1, 1024], sizes = [1, 1024], strides = [1, 1]} : vector<8x8192xf32> to vector<1x1024xf32>
    %swap3A_9 = arith.constant 1 : index
    %swap3A_10 = arith.constant 0 : index
    %swap3A_11 = vector.load %arg3[%swap3A_9, %swap3A_10] : memref<8x1024xf32, #tpu.memory_space<vmem>>, vector<1x1024xf32>
    tpu.vector_store %arg3[%swap3A_9, %swap3A_10], %slice3A_8 {strides = array<i32>} : memref<8x1024xf32, #tpu.memory_space<vmem>>, vector<1x1024xf32>,
    %slice3A_12 = vector.extract_strided_slice %dot_general3A_5 {offsets = [2, 2048], sizes = [1, 1024], strides = [1, 1]} : vector<8x8192xf32> to vector<1x1024xf32>
    %swap3A_13 = arith.constant 2 : index
    %swap3A_14 = arith.constant 0 : index
    %swap3A_15 = vector.load %arg3[%swap3A_13, %swap3A_14] : memref<8x1024xf32, #tpu.memory_space<vmem>>, vector<1x1024xf32>
    tpu.vector_store %arg3[%swap3A_13, %swap3A_14], %slice3A_12 {strides = array<i32>} : memref<8x1024xf32, #tpu.memory_space<vmem>>, vector<1x1024xf32>,
    %slice3A_16 = vector.extract_strided_slice %dot_general3A_5 {offsets = [3, 3072], sizes = [1, 1024], strides = [1, 1]} : vector<8x8192xf32> to vector<1x1024xf32>
    %swap3A_17 = arith.constant 3 : index
    %swap3A_18 = arith.constant 0 : index
    %swap3A_19 = vector.load %arg3[%swap3A_17, %swap3A_18] : memref<8x1024xf32, #tpu.memory_space<vmem>>, vector<1x1024xf32>
    tpu.vector_store %arg3[%swap3A_17, %swap3A_18], %slice3A_16 {strides = array<i32>} : memref<8x1024xf32, #tpu.memory_space<vmem>>, vector<1x1024xf32>,
    %slice3A_20 = vector.extract_strided_slice %dot_general3A_5 {offsets = [4, 4096], sizes = [1, 1024], strides = [1, 1]} : vector<8x8192xf32> to vector<1x1024xf32>
    %swap3A_21 = arith.constant 4 : index
    %swap3A_22 = arith.constant 0 : index
    %swap3A_23 = vector.load %arg3[%swap3A_21, %swap3A_22] : memref<8x1024xf32, #tpu.memory_space<vmem>>, vector<1x1024xf32>
    tpu.vector_store %arg3[%swap3A_21, %swap3A_22], %slice3A_20 {strides = array<i32>} : memref<8x1024xf32, #tpu.memory_space<vmem>>, vector<1x1024xf32>,
    %slice3A_24 = vector.extract_strided_slice %dot_general3A_5 {offsets = [5, 5120], sizes = [1, 1024], strides = [1, 1]} : vector<8x8192xf32> to vector<1x1024xf32>
    %swap3A_25 = arith.constant 5 : index
    %swap3A_26 = arith.constant 0 : index
    %swap3A_27 = vector.load %arg3[%swap3A_25, %swap3A_26] : memref<8x1024xf32, #tpu.memory_space<vmem>>, vector<1x1024xf32>
    tpu.vector_store %arg3[%swap3A_25, %swap3A_26], %slice3A_24 {strides = array<i32>} : memref<8x1024xf32, #tpu.memory_space<vmem>>, vector<1x1024xf32>,
    %slice3A_28 = vector.extract_strided_slice %dot_general3A_5 {offsets = [6, 6144], sizes = [1, 1024], strides = [1, 1]} : vector<8x8192xf32> to vector<1x1024xf32>
    %swap3A_29 = arith.constant 6 : index
    %swap3A_30 = arith.constant 0 : index
    %swap3A_31 = vector.load %arg3[%swap3A_29, %swap3A_30] : memref<8x1024xf32, #tpu.memory_space<vmem>>, vector<1x1024xf32>
    tpu.vector_store %arg3[%swap3A_29, %swap3A_30], %slice3A_28 {strides = array<i32>} : memref<8x1024xf32, #tpu.memory_space<vmem>>, vector<1x1024xf32>,
    %slice3A_32 = vector.extract_strided_slice %dot_general3A_5 {offsets = [7, 7168], sizes = [1, 1024], strides = [1, 1]} : vector<8x8192xf32> to vector<1x1024xf32>
    %swap3A_33 = arith.constant 7 : index
    %swap3A_34 = arith.constant 0 : index
    %swap3A_35 = vector.load %arg3[%swap3A_33, %swap3A_34] : memref<8x1024xf32, #tpu.memory_space<vmem>>, vector<1x1024xf32>
    tpu.vector_store %arg3[%swap3A_33, %swap3A_34], %slice3A_32 {strides = array<i32>} : memref<8x1024xf32, #tpu.memory_space<vmem>>, vector<1x1024xf32>,
    return
  }
  func.func @transform_0(%arg0: i32) -> (i32, i32) {
    %c0_i32 = arith.constant 0 : i32
    %c0_i32_0 = arith.constant 0 : i32
    return %arg0, %c0_i32 : i32, i32
  }
  func.func @transform_1(%arg0: i32) -> (i32, i32) {
    %c0_i32 = arith.constant 0 : i32
    %c0_i32_0 = arith.constant 0 : i32
    return %arg0, %c0_i32 : i32, i32
  }
  func.func @transform_2(%arg0: i32) -> (i32, i32) {
    %c0_i32 = arith.constant 0 : i32
    %c0_i32_0 = arith.constant 0 : i32
    return %arg0, %c0_i32 : i32, i32
  }
}

module attributes {stable_mosaic.version = 14 : i64} {
  func.func @body(%arg0: i32, %arg1: memref<128x1024xf32, #tpu.memory_space<vmem>>, %arg2: memref<128x1024xf32, #tpu.memory_space<vmem>>, %arg3: memref<8x128xf32, #tpu.memory_space<vmem>>) attributes {dimension_semantics = [#tpu.dimension_semantics<arbitrary>], iteration_bounds = array<i64: 8>, scalar_prefetch = 0 : i64, scratch_operands = 0 : i64, tpu.core_type = #tpu.core_type<tc>, window_params = [{transform_indices = @transform_0, window_bounds = array<i64: 128, 1024>}, {transform_indices = @transform_1, window_bounds = array<i64: 128, 1024>}, {pipeline_mode = #tpu.pipeline_mode<synchronous>, transform_indices = @transform_2, window_bounds = array<i64: 8, 128>}]} {
    %eq3A = arith.constant 0 : i32
    %eq3A_0 = arith.cmpi eq, %arg0, %eq3A : i32
    %convert_element_type3A = arith.extui %eq3A_0 : i1 to i32
    %cond3A = arith.constant 0 : i32
    %cond3A_1 = arith.cmpi ne, %convert_element_type3A, %cond3A : i32
    scf.if %cond3A_1 {
      %broadcast_in_dim3A = arith.constant 0.000000e+00 : f32
      %broadcast_in_dim3A_19 = vector.broadcast %broadcast_in_dim3A : f32 to vector<8x128xf32>
      %swap3A_20 = arith.constant 0 : index
      %swap3A_21 = arith.constant 0 : index
      %swap3A_22 = vector.load %arg3[%swap3A_20, %swap3A_21] : memref<8x128xf32, #tpu.memory_space<vmem>>, vector<8x128xf32>
      tpu.vector_store %arg3[%swap3A_20, %swap3A_21], %broadcast_in_dim3A_19 {strides = array<i32>} : memref<8x128xf32, #tpu.memory_space<vmem>>, vector<8x128xf32>,
    } else {
    }
    %get3A = arith.constant 0 : index
    %get3A_2 = arith.constant 0 : index
    %get3A_3 = vector.load %arg1[%get3A, %get3A_2] : memref<128x1024xf32, #tpu.memory_space<vmem>>, vector<128x1024xf32>
    %mul3A = arith.constant 14.2857141 : f32
    %mul3A_4 = vector.broadcast %mul3A : f32 to vector<128x1024xf32>
    %mul3A_5 = arith.mulf %get3A_3, %mul3A_4 : vector<128x1024xf32>
    %exp3A = math.exp %mul3A_5 : vector<128x1024xf32>
    %swap3A = arith.constant 0 : index
    %swap3A_6 = arith.constant 0 : index
    %swap3A_7 = vector.load %arg2[%swap3A, %swap3A_6] : memref<128x1024xf32, #tpu.memory_space<vmem>>, vector<128x1024xf32>
    tpu.vector_store %arg2[%swap3A, %swap3A_6], %exp3A {strides = array<i32>} : memref<128x1024xf32, #tpu.memory_space<vmem>>, vector<128x1024xf32>,
    %get3A_8 = arith.constant 0 : index
    %get3A_9 = arith.constant 0 : index
    %get3A_10 = vector.load %arg3[%get3A_8, %get3A_9] : memref<8x128xf32, #tpu.memory_space<vmem>>, vector<8x128xf32>
    %reduce_sum3A = vector.shape_cast %exp3A : vector<128x1024xf32> to vector<1x128x1024xf32>
    %reduce_sum3A_11 = arith.constant dense<0.000000e+00> : vector<1xf32>
    %reduce_sum3A_12 = vector.multi_reduction <add>, %reduce_sum3A, %reduce_sum3A_11 [1, 2] : vector<1x128x1024xf32> to vector<1xf32>
    %reduce_sum3A_13 = vector.shape_cast %reduce_sum3A_12 : vector<1xf32> to vector<1x1x1xf32>
    %reduce_sum3A_14 = vector.extract %reduce_sum3A_13[0, 0, 0] : f32 from vector<1x1x1xf32>
    %add3A = vector.broadcast %reduce_sum3A_14 : f32 to vector<8x128xf32>
    %add3A_15 = arith.addf %get3A_10, %add3A : vector<8x128xf32>
    %swap3A_16 = arith.constant 0 : index
    %swap3A_17 = arith.constant 0 : index
    %swap3A_18 = vector.load %arg3[%swap3A_16, %swap3A_17] : memref<8x128xf32, #tpu.memory_space<vmem>>, vector<8x128xf32>
    tpu.vector_store %arg3[%swap3A_16, %swap3A_17], %add3A_15 {strides = array<i32>} : memref<8x128xf32, #tpu.memory_space<vmem>>, vector<8x128xf32>,
    return
  }
  func.func @transform_0(%arg0: i32) -> (i32, i32) {
    %c0_i32 = arith.constant 0 : i32
    %c0_i32_0 = arith.constant 0 : i32
    return %arg0, %c0_i32 : i32, i32
  }
  func.func @transform_1(%arg0: i32) -> (i32, i32) {
    %c0_i32 = arith.constant 0 : i32
    %c0_i32_0 = arith.constant 0 : i32
    return %arg0, %c0_i32 : i32, i32
  }
  func.func @transform_2(%arg0: i32) -> (i32, i32) {
    %c0_i32 = arith.constant 0 : i32
    %c0_i32_0 = arith.constant 0 : i32
    %c0_i32_1 = arith.constant 0 : i32
    return %c0_i32, %c0_i32_0 : i32, i32
  }
}

module attributes {stable_mosaic.version = 14 : i64} {
  func.func @body(%arg0: i32, %arg1: memref<128x1024xf32, #tpu.memory_space<vmem>>, %arg2: memref<8x128xf32, #tpu.memory_space<vmem>>, %arg3: memref<128x1024xf32, #tpu.memory_space<vmem>>) attributes {dimension_semantics = [#tpu.dimension_semantics<arbitrary>], iteration_bounds = array<i64: 8>, scalar_prefetch = 0 : i64, scratch_operands = 0 : i64, tpu.core_type = #tpu.core_type<tc>, window_params = [{transform_indices = @transform_0, window_bounds = array<i64: 128, 1024>}, {pipeline_mode = #tpu.pipeline_mode<synchronous>, transform_indices = @transform_1, window_bounds = array<i64: 8, 128>}, {transform_indices = @transform_2, window_bounds = array<i64: 128, 1024>}]} {
    %get3A = arith.constant 0 : index
    %get3A_0 = arith.constant 0 : index
    %get3A_1 = vector.load %arg2[%get3A, %get3A_0] : memref<8x128xf32, #tpu.memory_space<vmem>>, vector<1x1xf32>
    %get3A_2 = vector.extract %get3A_1[0, 0] : f32 from vector<1x1xf32>
    %mul3A = arith.constant 9.53674316E-7 : f32
    %mul3A_3 = arith.mulf %get3A_2, %mul3A : f32
    %mul3A_4 = arith.constant 1.000000e+06 : f32
    %mul3A_5 = arith.mulf %mul3A_3, %mul3A_4 : f32
    %get3A_6 = arith.constant 0 : index
    %get3A_7 = arith.constant 0 : index
    %get3A_8 = vector.load %arg1[%get3A_6, %get3A_7] : memref<128x1024xf32, #tpu.memory_space<vmem>>, vector<128x1024xf32>
    %div3A = vector.broadcast %mul3A_5 : f32 to vector<128x1024xf32>
    %div3A_9 = arith.divf %get3A_8, %div3A : vector<128x1024xf32>
    %swap3A = arith.constant 0 : index
    %swap3A_10 = arith.constant 0 : index
    %swap3A_11 = vector.load %arg3[%swap3A, %swap3A_10] : memref<128x1024xf32, #tpu.memory_space<vmem>>, vector<128x1024xf32>
    tpu.vector_store %arg3[%swap3A, %swap3A_10], %div3A_9 {strides = array<i32>} : memref<128x1024xf32, #tpu.memory_space<vmem>>, vector<128x1024xf32>,
    return
  }
  func.func @transform_0(%arg0: i32) -> (i32, i32) {
    %c0_i32 = arith.constant 0 : i32
    %c0_i32_0 = arith.constant 0 : i32
    return %arg0, %c0_i32 : i32, i32
  }
  func.func @transform_1(%arg0: i32) -> (i32, i32) {
    %c0_i32 = arith.constant 0 : i32
    %c0_i32_0 = arith.constant 0 : i32
    %c0_i32_1 = arith.constant 0 : i32
    return %c0_i32, %c0_i32_0 : i32, i32
  }
  func.func @transform_2(%arg0: i32) -> (i32, i32) {
    %c0_i32 = arith.constant 0 : i32
    %c0_i32_0 = arith.constant 0 : i32
    return %arg0, %c0_i32 : i32, i32
  }
}

</mosaic_0001>

<sc_bundles>
// kernel: kernel.12.cloned.1.call-start
scs
__scs_entry_jumppad:
0x0: {  	(pc) =	sbr.rel $0x88, $3  }
0x1: {  	(tag) =	ssettag $0x0;
	lr =	simm.s32 $0x1  }
0x2: {  	[smem:$0x3F9D] =	sst lr;
	_ =	strace $0xD0000000  }
0x3: {  	_ = 	snop  }
0x4: {  	_ = 	snop  }
0x5: {  	_ = 	snop  }
0x6: {  	_ = 	snop  }
0x7: {  	_ = 	snop  }
__scs_overlays_trampoline_lowered:
0x8: {  	[smem:$0x3FAC] =	sst s0  }
0x9: {  	[smem:$0x3FAD] =	sst s1  }
0xa: {  	[smem:$0x3FAE] =	sst s2  }
0xb: {  	[smem:$0x3FAF] =	sst s3  }
0xc: {  	[smem:$0x3FB0] =	sst s4  }
0xd: {  	[smem:$0x3FB1] =	sst s5  }
0xe: {  	[smem:$0x3FB2] =	sst s6  }
0xf: {  	[smem:$0x3FB3] =	sst s7  }
0x10: {  	[smem:$0x3FB4] =	sst s8  }
0x11: {  	[smem:$0x3FB5] =	sst s9;
	s0 =	simm.s32 @!p0 $0x0  }
0x12: {  	s1 =	sld [smem:$0x3F9B];
	s0 =	simm.s32 @p0 $0x1  }
0x13: {  	[smem:$0x3FB6] =	sst s0;
	s0 =	simm.s32 @!p1 $0x0  }
0x14: {  	s2 =	sld [smem:$0x3F9A];
	s0 =	simm.s32 @p1 $0x1  }
0x15: {  	[smem:$0x3FB7] =	sst s0;
	s0 =	simm.s32 @!p2 $0x0  }
0x16: {  	s3 =	sld [smem:$0x3FDB];
	s0 =	simm.s32 @p2 $0x1  }
0x17: {  	s4 =	simm.s32 $0x1BF5;
	[smem:$0x3FB9] =	sst s0  }
0x18: {  	s0 =	sld [smem:$0x3F9C];
	_ =	swait.ge [sflag:s4], $0x0  }
0x19: {  	s7 =	sld [smem:$0x3F9D]  }
0x1a: {  	s8 =	sadd.s32 $0xFFFFE003, lr  }
0x1b: {  	s9 =	sadd.s32 $0xFFFFFEF7, lr;
	s5 =	simm.s32 $0xFFFFFFFF;
	p2 =	slt.u32 s8, $0xFFFFF086  }
0x1c: {  	p1 =	slt.u32 s9, $0xF7A;
	s5 =	simm.s32 @!p2 $0x0  }
0x1d: {  	s5 =	simm.s32 @p1 $0x1;
	p0 =	seq.s32 s7, s2  }
0x1e: {  	s7 =	smul.u32 @!p0 $0xF7A, s2;
	p2 =	seq.s32 @!p0 s5, $0x0  }
0x1f: {  	s9 =	smul.u32 $0xF7A, s1;
	s8 =	simm.s32 @!p0 $0x1BF5;
	p2 =	por !p2, p0  }
0x20: {  	[sflag:s8] =	ssyncset.s32 @!p0 $0xFFFFF086;
	s6 =	sadd.s32 @!p0 s3, s7;
	s7 =	simm.s32 @!p0 $0x108  }
0x21: {  	s3 =	sadd.s32 s3, s9;
	s6 =	sadd.s32 @!p0 $0x88, s6;
	s7 =	simm.s32 @p2 $0x1082  }
0x22: {  	[simem:s7], [sflag:s8] =	dma.local @!p0 [hbm:s6], $0xF7A  }
0x23: {  	s9 =	sor.u32 $0xD0000000, s2;
	s6 =	simm.s32 $0x108;
	_ =	swait.ge @!p0 [sflag:s8], $0x0  }
0x24: {  	s3 =	sadd.s32 $0x88, s3;
	s6 =	simm.s32 @!p1 $0x1082;
	[sflag:s4] =	ssyncset.s32 $0xFFFFF086  }
0x25: {  	[simem:s6], [sflag:s4] =	dma.local [hbm:s3], $0xF7A  }
0x26: {  	[smem:$0x3F9D] =	sst s1;
	(tag) =	ssettag s2;
	_ =	strace s9  }
0x27: {  	s1 =	sld [smem:$0x3FAD]  }
0x28: {  	s2 =	sld [smem:$0x3FAE]  }
0x29: {  	s4 =	sld [smem:$0x3FB0]  }
0x2a: {  	p0 =	seq.s32 s5, $0x0;
	s5 =	sld [smem:$0x3FB1]  }
0x2b: {  	s6 =	sld [smem:$0x3FB2]  }
0x2c: {  	s7 =	sld [smem:$0x3FB3]  }
0x2d: {  	s3 =	simm.s32 $0x108;
	s8 =	sld [smem:$0x3FB4]  }
0x2e: {  	s3 =	simm.s32 @!p0 $0x1082;
	s9 =	sld [smem:$0x3FB5]  }
0x2f: {  	lr =	sadd.s32 s0, s3;
	s0 =	sld [smem:$0x3FAC]  }
0x30: {  	s3 =	sld [smem:$0x3FAF]  }
0x31: {  	[smem:$0x3FB8] =	sst s10  }
0x32: {  	s10 =	sld [smem:$0x3FB6];
	_ =	sdelay $0x3  }
0x33: {  	p0 =	seq.s32 s10, $0x1;
	s10 =	sld [smem:$0x3FB8];
	_ =	sdelay $0x3  }
0x34: {  	[smem:$0x3FB8] =	sst s10  }
0x35: {  	s10 =	sld [smem:$0x3FB7];
	_ =	sdelay $0x3  }
0x36: {  	p1 =	seq.s32 s10, $0x1;
	s10 =	sld [smem:$0x3FB8];
	_ =	sdelay $0x3  }
0x37: {  	[smem:$0x3FB8] =	sst s10  }
0x38: {  	s10 =	sld [smem:$0x3FB9]  }
0x39: {  	_ = 	snop;
	(pc) =	sbr.ind lr, $3  }
0x3a: {  	_ = 	snop  }
0x3b: {  	_ = 	snop  }
0x3c: {  	p2 =	seq.s32 s10, $0x1;
	s10 =	sld [smem:$0x3FB8]  }
0x3d: {  	_ =	shalt  }
0x3e: {  	_ =	shalt  }
0x3f: {  	_ =	shalt  }
0x40: {  	_ =	shalt  }
0x41: {  	_ =	shalt  }
0x42: {  	_ =	shalt  }
0x43: {  	_ =	shalt  }
0x44: {  	_ =	shalt  }
0x45: {  	_ =	shalt  }
0x46: {  	_ =	shalt  }
0x47: {  	_ =	shalt  }
0x48: {  	_ =	shalt  }
0x49: {  	_ =	shalt  }
0x4a: {  	_ =	shalt  }
0x4b: {  	_ =	shalt  }
0x4c: {  	_ =	shalt  }
0x4d: {  	_ =	shalt  }
0x4e: {  	_ =	shalt  }
0x4f: {  	_ =	shalt  }
0x50: {  	_ =	shalt  }
0x51: {  	_ =	shalt  }
0x52: {  	_ =	shalt  }
0x53: {  	_ =	shalt  }
0x54: {  	_ =	shalt  }
0x55: {  	_ =	shalt  }
0x56: {  	_ =	shalt  }
0x57: {  	_ =	shalt  }
0x58: {  	_ =	shalt  }
0x59: {  	_ =	shalt  }
0x5a: {  	_ =	shalt  }
0x5b: {  	_ =	shalt  }
0x5c: {  	_ =	shalt  }
0x5d: {  	_ =	shalt  }
0x5e: {  	_ =	shalt  }
0x5f: {  	_ =	shalt  }
0x60: {  	_ =	shalt  }
0x61: {  	_ =	shalt  }
0x62: {  	_ =	shalt  }
0x63: {  	_ =	shalt  }
0x64: {  	_ =	shalt  }
0x65: {  	_ =	shalt  }
0x66: {  	_ =	shalt  }
0x67: {  	_ =	shalt  }
0x68: {  	_ =	shalt  }
0x69: {  	_ =	shalt  }
0x6a: {  	_ =	shalt  }
0x6b: {  	_ =	shalt  }
0x6c: {  	_ =	shalt  }
0x6d: {  	_ =	shalt  }
0x6e: {  	_ =	shalt  }
0x6f: {  	_ =	shalt  }
0x70: {  	_ =	shalt  }
0x71: {  	_ =	shalt  }
0x72: {  	_ =	shalt  }
0x73: {  	_ =	shalt  }
0x74: {  	_ =	shalt  }
0x75: {  	_ =	shalt  }
0x76: {  	_ =	shalt  }
0x77: {  	_ =	shalt  }
0x78: {  	_ =	shalt  }
0x79: {  	_ =	shalt  }
0x7a: {  	_ =	shalt  }
0x7b: {  	_ =	shalt  }
0x7c: {  	_ =	shalt  }
0x7d: {  	_ =	shalt  }
0x7e: {  	_ =	shalt  }
0x7f: {  	_ =	shalt  }
0x80: {  	_ =	shalt  }
0x81: {  	_ =	shalt  }
0x82: {  	_ =	shalt  }
0x83: {  	_ =	shalt  }
0x84: {  	_ =	shalt  }
0x85: {  	_ =	shalt  }
0x86: {  	_ =	shalt  }
0x87: {  	_ =	shalt  }
.Lfunc_end0:
.L_simem_size_0:
called_computation_lowered:
.L_overlay_start_0:
0x88: {  	s2 =	sld [smem:$0x3FD9]  }
0x89: {  	s3 =	sld [smem:$0x3FFE];
	_ =	sdelay $0x1  }
0x8a: {  	s1 =	srdreg.scid  }
0x8b: {  	s0 =	sand.u32 $0x1, s1  }
0x8c: {  	s17 =	sshll.u32 s0, $0xA;
	s2 =	sadd.s32 s3, s2  }
0x8d: {  	s2 =	sadd.s32 s2, s17  }
0x8e: {  	[smem:$0x3FC4] =	sst s2  }
0x8f: {  	_ = 	snop  }
0x90: {  	s18 =	sld [smem:$0x3FC8]  }
0x91: {  	s4 =	sld [smem:$0x3FD0];
	(tm) =	ssettm $0x1  }
0x92: {  	s19 =	sld [smem:$0x3FFB];
	_ =	sdelay $0x3  }
0x93: {  	_ =	strace s19  }
0x94: {  	s2 =	sld [smem:$0x3FFC];
	_ =	sdelay $0x3  }
0x95: {  	_ =	strace s2  }
0x96: {  	s2 =	sld [smem:$0x3FFD];
	_ =	sdelay $0x3  }
0x97: {  	_ =	strace s2  }
0x98: {  	_ =	strace $0x8FFFFFFF  }
0x99: {  	s20 =	sld [smem:$0x3FDB];
	_ =	sdelay $0x1  }
0x9a: {  	s5 =	simm.s32 $_scs_section_size  }
0x9b: {  	s6 =	simm.s32 $_size__tile_overlayer_lowered;
	s7 =	simm.s32 $_tile_overlayer_lowered  }
0x9c: {  	s8 =	simm.s32 $0x1BFF;
	s21 =	sshll.u32 s7, $0x1;
	s5 =	sadd.s32 s5, s20  }
0x9d: {  	s22 =	simm.s32 $0x0;
	s6 =	sshll.u32 s6, $0x1;
	s7 =	sadd.s32 s21, s5  }
0x9e: {  	[timem:s22], [sflag:s8] =	dma.local [hbm:s7], s6  }
0x9f: {  	_ =	swait.ge [sflag:s8], s6  }
0xa0: {  	s6 =	ssub.s32 $0x0, s6;
	[sflag:s8] =	ssyncset.done $0x0  }
0xa1: {  	[sflag:s8] =	ssyncadd.s32 s6;
	_ =	sdelay $0x1  }
0xa2: {  	s23 =	simm.s32 $0x1B8B  }
0xa3: {  	_ =	swait.ge [sflag:s23], $0x1  }
0xa4: {  	[sflag:s23] =	ssyncset.done $0x0  }
0xa5: {  	[sflag:s23] =	ssyncadd.s32 $0xFFFFFFFF  }
0xa6: {  	s6 =	sld [smem:$0x0]  }
0xa7: {  	s7 =	sand.u32 $0xFFFFFFFE, s1  }
0xa8: {  	p0 =	sne.s32 s1, s7  }
0xa9: {  	s7 =	sshll.u32 @p0 s7, $0xE  }
0xaa: {  	s7 =	sadd.s32 @p0 $0x11B8D, s7;
	s8 =	sshll.u32 @p0 s6, $0x11  }
0xab: {  	s7 =	sor.u32 @p0 s8, s7  }
0xac: {  	[sflag:s7] =	ssyncadd.remote.s32 @p0 $0x1;
	_ =	sdelay $0x1  }
0xad: {  	s7 =	simm.s32 @p0 $0x1B8D  }
0xae: {  	_ =	swait.eq @p0 [sflag:s7], $0x1  }
0xaf: {  	[sflag:s7] =	ssyncadd.s32 @p0 $0xFFFFFFFF  }
0xb0: {  	s8 =	sshll.u32 @!p0 s1, $0xE  }
0xb1: {  	s8 =	sor.u32 @!p0 $0x4000, s8;
	s7 =	simm.s32 @!p0 $0x1B8D  }
0xb2: {  	s6 =	sshll.u32 @!p0 s6, $0x11;
	s8 =	sadd.s32 @!p0 $0x11B8D, s8;
	_ =	swait.eq @!p0 [sflag:s7], $0x1  }
0xb3: {  	s6 =	sor.u32 @!p0 s6, s8;
	[sflag:s7] =	ssyncadd.s32 @!p0 $0xFFFFFFFF  }
0xb4: {  	s25 =	simm.s32 $0x1B8E;
	s24 =	sld [smem:$0x3FFE];
	[sflag:s6] =	ssyncadd.remote.s32 @!p0 $0x1  }
0xb5: {  	s26 =	simm.s32 $execute0_lowered;
	[smem:$0x3FD2] =	sst s25  }
0xb6: {  	s7 =	sshll.u32 s26, $0x1;
	_ =	strace $0x8000004F;
	[dreg:$0x1] =	wrdreg $0xFFFFFFFF  }
0xb7: {  	s28 =	simm.s32 $_size_execute0_lowered;
	s5 =	sadd.s32 s5, s7;
	[dreg:$0x0] =	wrdreg $0x0  }
0xb8: {  	s7 =	sshll.u32 s28, $0x1;
	[dreg:$0x2] =	wrdreg s5  }
0xb9: {  	[dreg:$0x3] =	wrdreg s7  }
0xba: {  	[dreg:$0x4] =	wrdreg $0xC0  }
0xbb: {  	_ =	task [dreg:s22], $0x5FFFF  }
0xbc: {  	[dreg:$0x1] =	wrdreg $0xFFFFFFFF  }
0xbd: {  	[dreg:$0x0] =	wrdreg $0x60  }
0xbe: {  	[dreg:$0x2] =	wrdreg s18  }
0xbf: {  	[dreg:$0x3] =	wrdreg s4  }
0xc0: {  	[dreg:$0x4] =	wrdreg s24  }
0xc1: {  	[dreg:$0x5] =	wrdreg $0x9  }
0xc2: {  	_ =	task.clear_ibuf [dreg:s22], $0x6FFFF;
	_ =	strace $0x9000004F  }
0xc3: {  	s29 =	simm.s32 $0x9;
	_ =	strace $0x80000051  }
0xc4: {  	_ =	swait.ge [sflag:s29], $0x1  }
0xc5: {  	[sflag:s29] =	ssyncadd.s32 $0xFFFFFFFF  }
0xc6: {  	_ =	strace $0x90000051  }
0xc7: {  	_ =	sfence  }
0xc8: {  	s30 =	sld [smem:$0x0];
	_ =	sdelay $0x2  }
0xc9: {  	s31 =	sshll.u32 s1, $0xD;
	s1 =	sshrl.u32 s1, $0x2  }
0xca: {  	s4 =	sand.u32 $0x4000, s31;
	s1 =	sadd.s32 s1, s30  }
0xcb: {  	s0 =	sor.u32 s4, s0;
	s1 =	sshll.u32 s1, $0x11  }
0xcc: {  	s0 =	sor.u32 s1, s0  }
0xcd: {  	s0 =	sadd.s32 $0x8F2B, s0  }
0xce: {  	[sflag:s0] =	ssyncadd.remote.s32 $0x1  }
0xcf: {  	_ =	sfence.sel $0xFFFF  }
0xd0: {  	[dreg:$0x0] =	wrdreg $0xFFFFFFFF;
	(pc) =	sbr.abs _section_cstart, $3  }
0xd1: {  	[dreg:$0x1] =	wrdreg $0xFFFFFFFF  }
0xd2: {  	_ =	task.clear_ibuf [dreg:s22], $0x2FFFF;
	_ =	strace $0x9FFFFFFF  }
0xd3: {  	(tm) =	ssettm $0x7FFFFFFF  }
tec
execute0_lowered:
.L_overlay_start_1:
0x0: {  	(tag) =	ssettag $0x1  }
0x1: {  	s1 =	rddreg [dreg:$0x0]  }
0x2: {  	s4 =	rddreg [dreg:$0x1]  }
0x3: {  	s5 =	rddreg [dreg:$0x2]  }
0x4: {  	s0 =	rddreg [dreg:$0x3]  }
0x5: {  	s3 =	simm.s32 $0x0;
	s6 =	srdreg.scid;
	s2 =	stileid.u32  }
0x6: {  	s10 =	simm.s32 $0x6000;
	s11 =	simm.s32 $0x100;
	s12 =	simm.s32 $0xA000  }
0x7: {  	s13 =	simm.s32 $0xE000;
	s14 =	simm.s32 $0x1;
	s15 =	simm.s32 $0x5  }
0x8: {  	s16 =	simm.s32 $0x2;
	s17 =	simm.s32 $0x6;
	s18 =	simm.s32 $0x3  }
0x9: {  	s19 =	simm.s32 $0x7;
	s20 =	simm.s32 $0x4;
	s21 =	simm.s32 $0x8  }
0xa: {  	s22 =	simm.s32 $0x0;
	[smem:$0x7FF] =	sst s3;
	s6 =	sand.u32 $0x1, s6  }
0xb: {  	s7 =	sshll.u32 s2, $0x12;
	s8 =	sshll.u32 s2, $0xE;
	_ =	strace $0x80000050  }
0xc: {  	s9 =	sshll.u32 s6, $0xD;
	s5 =	sadd.s32 s7, s5;
	s30 =	ssub.s32 $0x2, s6  }
0xd: {  	s6 =	sshll.u32 s6, $0x11;
	s8 =	sor.u32 s9, s8;
	s31 =	sshrl.u32 s30, $0x1  }
0xe: {  	s6 =	sadd.s32 s6, s5;
	s9 =	simm.s32 $0x2000;
	s8 =	sshrl.u32 s8, $0x3  }
0xf: {  	s7 =	ssub.s32 s30, s31;
	s6 =	sadd.s32 $0xC1A800, s6;
	s4 =	sadd.s32 s4, s8  }
0x10: {  	s5 =	smax.u32 s7, $0x1;
	s7 =	simm.s32 $0x9;
	s8 =	simm.s32 $0x80  }
.LBB2_1:
0x11: {  	[tilespmem:s3], [sflag:$0x9] =	stream.linear.gather [hbm4b:s4+s3], $0x2000, $0x38;
	[tilespmem:$0x12000] =	vst v63  }
0x12: {  	_ =	swait.ge [sflag:s7], $0x2000  }
0x13: {  	[sflag:s7] =	ssyncset.done $0x0  }
0x14: {  	[sflag:s7] =	ssyncadd.s32 $0xFFFFE000  }
0x15: {  	[tilespmem:s9], [sflag:$0x1] =	stream.indirect.gather [hbm4b:s1+s8], $0x80, s3, s8, $0xb8;
	[tilespmem:$0x12000] =	vst v63  }
0x16: {  	p0 =	por $0x1, $0x1  }
0x17: {  	[tilespmem:s10], [sflag:$0x2] =	stream.indirect.gather [hbm4b:s1+s8], $0x80, s8, s8, $0xb8;
	[tilespmem:$0x12000] =	vst v63  }
0x18: {  	s23 =	simm.s32 @!p0 $0x8  }
0x19: {  	[tilespmem:s12], [sflag:$0x3] =	stream.indirect.gather [hbm4b:s1+s8], $0x80, s11, s8, $0xb8;
	[tilespmem:$0x12000] =	vst v63  }
0x1a: {  	_ =	swait.ge @!p0 [sflag:s23], $0x4000  }
0x1b: {  	[sflag:s23] =	ssyncset.done @!p0 $0x0  }
0x1c: {  	s29 =	simm.s32 $0x180;
	[sflag:s23] =	ssyncadd.s32 @!p0 $0xFFFFC000  }
0x1d: {  	[tilespmem:s13], [sflag:$0x4] =	stream.indirect.gather [hbm4b:s1+s8], $0x80, s29, s8, $0xb8;
	[tilespmem:$0x12000] =	vst v63  }
0x1e: {  	_ =	swait.ge [sflag:s14], $0x4000  }
0x1f: {  	[sflag:s14] =	ssyncset.done $0x0  }
0x20: {  	s30 =	sadd.s32 $0xFFFFF000, s6;
	[sflag:s14] =	ssyncadd.s32 $0xFFFFC000  }
0x21: {  	[hbm4b:s30+s3] =	stream.linear.scatter [tilespmem:s9], [sflag:$0x5], $0x4000, $0x38;
	[tilespmem:$0x12000] =	vst v63  }
0x22: {  	p0 =	por $0x0, $0x0;
	_ =	swait.ge [sflag:s15], $0x4000  }
0x23: {  	s23 =	simm.s32 @!p0 $0x2000;
	[sflag:s15] =	ssyncset.done $0x0  }
0x24: {  	s24 =	simm.s32 @!p0 $0x200;
	s25 =	simm.s32 @!p0 $0x80;
	[sflag:s15] =	ssyncadd.s32 $0xFFFFC000  }
0x25: {  	[tilespmem:s23], [sflag:$0x1] =	stream.indirect.gather @!p0 [hbm4b:s1+s25], $0x80, s24, s25, $0xb8;
	[tilespmem:$0x12000] =	vst v63  }
0x26: {  	_ =	swait.ge [sflag:s16], $0x4000  }
0x27: {  	[sflag:s16] =	ssyncset.done $0x0  }
0x28: {  	s31 =	sadd.s32 $0xFFFFF800, s6;
	[sflag:s16] =	ssyncadd.s32 $0xFFFFC000  }
0x29: {  	[hbm4b:s31+s3] =	stream.linear.scatter [tilespmem:s10], [sflag:$0x6], $0x4000, $0x38;
	[tilespmem:$0x12000] =	vst v63  }
0x2a: {  	_ =	swait.ge [sflag:s17], $0x4000  }
0x2b: {  	[sflag:s17] =	ssyncset.done $0x0  }
0x2c: {  	s23 =	simm.s32 @!p0 $0x280;
	s24 =	simm.s32 @!p0 $0x6000;
	[sflag:s17] =	ssyncadd.s32 $0xFFFFC000  }
0x2d: {  	[tilespmem:s24], [sflag:$0x2] =	stream.indirect.gather @!p0 [hbm4b:s1+s25], $0x80, s23, s25, $0xb8;
	[tilespmem:$0x12000] =	vst v63  }
0x2e: {  	_ =	swait.ge [sflag:s18], $0x4000  }
0x2f: {  	[sflag:s18] =	ssyncset.done $0x0  }
0x30: {  	[sflag:s18] =	ssyncadd.s32 $0xFFFFC000  }
0x31: {  	[hbm4b:s6+s3] =	stream.linear.scatter [tilespmem:s12], [sflag:$0x7], $0x4000, $0x38;
	[tilespmem:$0x12000] =	vst v63  }
0x32: {  	_ =	swait.ge [sflag:s19], $0x4000  }
0x33: {  	p1 =	por $0x0, $0x0;
	[sflag:s19] =	ssyncset.done $0x0  }
0x34: {  	s26 =	simm.s32 @!p0 $0xA000;
	s23 =	simm.s32 @!p0 $0x300;
	[sflag:s19] =	ssyncadd.s32 $0xFFFFC000  }
0x35: {  	[tilespmem:s26], [sflag:$0x3] =	stream.indirect.gather @!p0 [hbm4b:s1+s25], $0x80, s23, s25, $0xb8;
	[tilespmem:$0x12000] =	vst v63  }
0x36: {  	s28 =	sadd.s32 $0x800, s6;
	s24 =	simm.s32 $0x800;
	_ =	swait.ge [sflag:s20], $0x4000  }
0x37: {  	s25 =	simm.s32 $0x1000;
	s23 =	sadd.s32 $0x2000, s6;
	[sflag:s20] =	ssyncset.done $0x0  }
.LBB2_2:
0x38: {  	s29 =	simm.s32 @!p1 $0x8;
	[sflag:s20] =	ssyncadd.s32 $0xFFFFC000  }
0x39: {  	s30 =	smov.u32 s25;
	s25 =	sadd.s32 $0x800, s25;
	s26 =	smov.u32 s23  }
0x3a: {  	[hbm4b:s28+s3] =	stream.linear.scatter [tilespmem:s13], [sflag:$0x8], $0x4000, $0x38;
	[tilespmem:$0x12000] =	vst v63  }
0x3b: {  	p0 =	sne.s32 s25, $0x8000;
	_ =	swait.ge @!p1 [sflag:s29], $0x4000  }
0x3c: {  	s28 =	sshra.s32 s24, $0x2;
	[sflag:s29] =	ssyncset.done @!p1 $0x0  }
0x3d: {  	s28 =	sadd.s32 $0x180, s28;
	[sflag:s29] =	ssyncadd.s32 @!p1 $0xFFFFC000  }
0x3e: {  	[tilespmem:s13], [sflag:$0x4] =	stream.indirect.gather [hbm4b:s1+s8], $0x80, s28, s8, $0xb8;
	[tilespmem:$0x12000] =	vst v63  }
0x3f: {  	_ =	swait.ge [sflag:s14], $0x4000  }
0x40: {  	[sflag:s14] =	ssyncset.done $0x0  }
0x41: {  	s28 =	sadd.s32 $0xFFFFF000, s23;
	[sflag:s14] =	ssyncadd.s32 $0xFFFFC000  }
0x42: {  	[hbm4b:s28+s3] =	stream.linear.scatter [tilespmem:s9], [sflag:$0x5], $0x4000, $0x38;
	[tilespmem:$0x12000] =	vst v63  }
0x43: {  	p1 =	seq.s32 s24, $0x7800;
	_ =	swait.ge [sflag:s15], $0x4000  }
0x44: {  	s24 =	sshra.s32 @!p1 s24, $0x2;
	s28 =	simm.s32 @!p1 $0x2000;
	[sflag:s15] =	ssyncset.done $0x0  }
0x45: {  	s31 =	simm.s32 @!p1 $0x80;
	s29 =	sadd.s32 @!p1 $0x200, s24;
	[sflag:s15] =	ssyncadd.s32 $0xFFFFC000  }
0x46: {  	[tilespmem:s28], [sflag:$0x1] =	stream.indirect.gather @!p1 [hbm4b:s1+s31], $0x80, s29, s31, $0xb8;
	[tilespmem:$0x12000] =	vst v63  }
0x47: {  	s28 =	sadd.s32 @!p1 $0x280, s24;
	s29 =	sadd.s32 @!p1 $0x300, s24;
	_ =	swait.ge [sflag:s16], $0x4000  }
0x48: {  	s24 =	smov.u32 s30;
	[sflag:s16] =	ssyncset.done $0x0  }
0x49: {  	s30 =	sadd.s32 $0xFFFFF800, s23;
	[sflag:s16] =	ssyncadd.s32 $0xFFFFC000  }
0x4a: {  	[hbm4b:s30+s3] =	stream.linear.scatter [tilespmem:s10], [sflag:$0x6], $0x4000, $0x38;
	[tilespmem:$0x12000] =	vst v63  }
0x4b: {  	_ =	swait.ge [sflag:s17], $0x4000  }
0x4c: {  	[sflag:s17] =	ssyncset.done $0x0  }
0x4d: {  	s30 =	simm.s32 @!p1 $0x6000;
	[sflag:s17] =	ssyncadd.s32 $0xFFFFC000  }
0x4e: {  	[tilespmem:s30], [sflag:$0x2] =	stream.indirect.gather @!p1 [hbm4b:s1+s31], $0x80, s28, s31, $0xb8;
	[tilespmem:$0x12000] =	vst v63  }
0x4f: {  	_ =	swait.ge [sflag:s18], $0x4000  }
0x50: {  	[sflag:s18] =	ssyncset.done $0x0  }
0x51: {  	[sflag:s18] =	ssyncadd.s32 $0xFFFFC000  }
0x52: {  	[hbm4b:s23+s3] =	stream.linear.scatter [tilespmem:s12], [sflag:$0x7], $0x4000, $0x38;
	[tilespmem:$0x12000] =	vst v63  }
0x53: {  	_ =	swait.ge [sflag:s19], $0x4000  }
.Ltmp0:
0x54: {  	[sflag:s19] =	ssyncset.done $0x0;
	(pc) =	sbr.rel @p0 .LBB2_2-.Ltmp0, $4  }
0x55: {  	s28 =	simm.s32 @!p1 $0xA000;
	[sflag:s19] =	ssyncadd.s32 $0xFFFFC000  }
0x56: {  	[tilespmem:s28], [sflag:$0x3] =	stream.indirect.gather @!p1 [hbm4b:s1+s31], $0x80, s29, s31, $0xb8;
	[tilespmem:$0x12000] =	vst v63  }
0x57: {  	s23 =	sadd.s32 $0x2000, s23;
	_ =	swait.ge [sflag:s20], $0x4000  }
0x58: {  	p1 =	seq.s32 s24, $0x0;
	s28 =	sadd.s32 $0x800, s26;
	[sflag:s20] =	ssyncset.done $0x0  }
0x59: {  	s25 =	simm.s32 @!p1 $0x8;
	[sflag:s20] =	ssyncadd.s32 $0xFFFFC000  }
0x5a: {  	[hbm4b:s28+s3] =	stream.linear.scatter [tilespmem:s13], [sflag:$0x8], $0x4000, $0x38;
	[tilespmem:$0x12000] =	vst v63  }
0x5b: {  	_ =	swait.ge @!p1 [sflag:s25], $0x4000  }
0x5c: {  	s26 =	sshra.s32 s24, $0x2;
	[sflag:s25] =	ssyncset.done @!p1 $0x0  }
0x5d: {  	s28 =	sadd.s32 $0x180, s26;
	[sflag:s25] =	ssyncadd.s32 @!p1 $0xFFFFC000  }
0x5e: {  	[tilespmem:s13], [sflag:$0x4] =	stream.indirect.gather [hbm4b:s1+s8], $0x80, s28, s8, $0xb8;
	[tilespmem:$0x12000] =	vst v63  }
0x5f: {  	_ =	swait.ge [sflag:s14], $0x4000  }
0x60: {  	[sflag:s14] =	ssyncset.done $0x0  }
0x61: {  	s29 =	sadd.s32 $0xFFFFF000, s23;
	p0 =	seq.s32 s24, $0x7800;
	[sflag:s14] =	ssyncadd.s32 $0xFFFFC000  }
0x62: {  	[hbm4b:s29+s3] =	stream.linear.scatter [tilespmem:s9], [sflag:$0x5], $0x4000, $0x38;
	[tilespmem:$0x12000] =	vst v63  }
0x63: {  	s24 =	sshra.s32 @!p0 s24, $0x2;
	_ =	swait.ge [sflag:s15], $0x4000  }
0x64: {  	s26 =	sadd.s32 @!p0 $0x200, s24;
	[sflag:s15] =	ssyncset.done $0x0  }
0x65: {  	s25 =	simm.s32 @!p0 $0x2000;
	s28 =	simm.s32 @!p0 $0x80;
	[sflag:s15] =	ssyncadd.s32 $0xFFFFC000  }
0x66: {  	[tilespmem:s25], [sflag:$0x1] =	stream.indirect.gather @!p0 [hbm4b:s1+s28], $0x80, s26, s28, $0xb8;
	[tilespmem:$0x12000] =	vst v63  }
0x67: {  	_ =	swait.ge [sflag:s16], $0x4000  }
0x68: {  	[sflag:s16] =	ssyncset.done $0x0  }
0x69: {  	s30 =	sadd.s32 $0xFFFFF800, s23;
	[sflag:s16] =	ssyncadd.s32 $0xFFFFC000  }
0x6a: {  	[hbm4b:s30+s3] =	stream.linear.scatter [tilespmem:s10], [sflag:$0x6], $0x4000, $0x38;
	[tilespmem:$0x12000] =	vst v63  }
0x6b: {  	_ =	swait.ge [sflag:s17], $0x4000  }
0x6c: {  	[sflag:s17] =	ssyncset.done $0x0  }
0x6d: {  	s25 =	sadd.s32 @!p0 $0x280, s24;
	s26 =	simm.s32 @!p0 $0x6000;
	[sflag:s17] =	ssyncadd.s32 $0xFFFFC000  }
0x6e: {  	[tilespmem:s26], [sflag:$0x2] =	stream.indirect.gather @!p0 [hbm4b:s1+s28], $0x80, s25, s28, $0xb8;
	[tilespmem:$0x12000] =	vst v63  }
0x6f: {  	_ =	swait.ge [sflag:s18], $0x4000  }
0x70: {  	[sflag:s18] =	ssyncset.done $0x0  }
0x71: {  	[sflag:s18] =	ssyncadd.s32 $0xFFFFC000  }
0x72: {  	[hbm4b:s23+s3] =	stream.linear.scatter [tilespmem:s12], [sflag:$0x7], $0x4000, $0x38;
	[tilespmem:$0x12000] =	vst v63  }
0x73: {  	_ =	swait.ge [sflag:s19], $0x4000  }
0x74: {  	[sflag:s19] =	ssyncset.done $0x0  }
0x75: {  	s24 =	sadd.s32 @!p0 $0x300, s24;
	s25 =	simm.s32 @!p0 $0xA000;
	[sflag:s19] =	ssyncadd.s32 $0xFFFFC000  }
0x76: {  	[tilespmem:s25], [sflag:$0x3] =	stream.indirect.gather @!p0 [hbm4b:s1+s28], $0x80, s24, s28, $0xb8;
	[tilespmem:$0x12000] =	vst v63  }
0x77: {  	s22 =	sadd.s32 $0x1, s22;
	_ =	swait.ge [sflag:s20], $0x4000  }
0x78: {  	p0 =	sne.s32 s22, s5;
	[sflag:s20] =	ssyncset.done $0x0  }
.Ltmp1:
0x79: {  	s31 =	sadd.s32 $0x800, s23;
	[sflag:s20] =	ssyncadd.s32 $0xFFFFC000;
	(pc) =	sbr.rel @p0 .LBB2_1-.Ltmp1, $4  }
0x7a: {  	[hbm4b:s31+s3] =	stream.linear.scatter [tilespmem:s13], [sflag:$0x8], $0x4000, $0x38;
	[tilespmem:$0x12000] =	vst v63  }
0x7b: {  	_ =	swait.ge [sflag:s21], $0x4000  }
0x7c: {  	[sflag:s21] =	ssyncset.done $0x0  }
0x7d: {  	[sflag:s21] =	ssyncadd.s32 $0xFFFFC000  }
0x7e: {  	_ =	sfence.sel $0x180000  }
0x7f: {  	[bflag:$0x0] =	sbarrier.arrive $0xFFFF  }
0x80: {  	p0 =	sne.s32 s2, $0x0;
	_ =	strace $0x90000050  }
0x81: {  	s0 =	sadd.s32 @!p0 $0x100000, s0;
	[bflag:$0x2] =	sbarrier.arrive $0xFFFF  }
0x82: {  	[sflag:s0] =	ssyncadd.tile.s32 @!p0 $0x1;
	_ =	shalt  }
.Lfunc_end2:
_tile_overlayer_lowered:
.L_overlay_start_2:
0x83: {  	(tag) =	ssettag $0x2  }
0x84: {  	s0 =	rddreg [dreg:$0x0];
	s2 =	stileid.u32  }
0x85: {  	s1 =	rddreg [dreg:$0x1];
	p0 =	sne.s32 s2, $0x0  }
0x86: {  	s3 =	rddreg [dreg:$0x2];
	[bflag:$0x3] =	sbarrier.arrive $0xFFFF;
	s2 =	simm.s32 @!p0 $0x1C09  }
0x87: {  	[timem:s3], [sflag:s2] =	dma.local @!p0 [hbm:s0], s1  }
0x88: {  	s0 =	simm.s32 @!p0 $0x9  }
0x89: {  	_ =	swait.ge @!p0 [sflag:s0], s1  }
0x8a: {  	s1 =	ssub.s32 @!p0 $0x0, s1;
	[sflag:s0] =	ssyncset.done @!p0 $0x0  }
0x8b: {  	[sflag:s0] =	ssyncadd.s32 @!p0 s1  }
0x8c: {  	[bflag:$0x3] =	sbarrier.arrive $0xFFFF  }
0x8d: {  	_ =	shalt  }

// kernel: kernel.15.cloned.1.call-start
scs
__scs_entry_jumppad:
0x0: {  	(pc) =	sbr.rel $0x88, $3  }
0x1: {  	(tag) =	ssettag $0x0;
	lr =	simm.s32 $0x1  }
0x2: {  	[smem:$0x3F9D] =	sst lr;
	_ =	strace $0xD0000000  }
0x3: {  	_ = 	snop  }
0x4: {  	_ = 	snop  }
0x5: {  	_ = 	snop  }
0x6: {  	_ = 	snop  }
0x7: {  	_ = 	snop  }
__scs_overlays_trampoline_lowered:
0x8: {  	[smem:$0x3FAC] =	sst s0  }
0x9: {  	[smem:$0x3FAD] =	sst s1  }
0xa: {  	[smem:$0x3FAE] =	sst s2  }
0xb: {  	[smem:$0x3FAF] =	sst s3  }
0xc: {  	[smem:$0x3FB0] =	sst s4  }
0xd: {  	[smem:$0x3FB1] =	sst s5  }
0xe: {  	[smem:$0x3FB2] =	sst s6  }
0xf: {  	[smem:$0x3FB3] =	sst s7  }
0x10: {  	[smem:$0x3FB4] =	sst s8  }
0x11: {  	[smem:$0x3FB5] =	sst s9;
	s0 =	simm.s32 @!p0 $0x0  }
0x12: {  	s1 =	sld [smem:$0x3F9B];
	s0 =	simm.s32 @p0 $0x1  }
0x13: {  	[smem:$0x3FB6] =	sst s0;
	s0 =	simm.s32 @!p1 $0x0  }
0x14: {  	s2 =	sld [smem:$0x3F9A];
	s0 =	simm.s32 @p1 $0x1  }
0x15: {  	[smem:$0x3FB7] =	sst s0;
	s0 =	simm.s32 @!p2 $0x0  }
0x16: {  	s3 =	sld [smem:$0x3FDB];
	s0 =	simm.s32 @p2 $0x1  }
0x17: {  	s4 =	simm.s32 $0x1BF5;
	[smem:$0x3FB9] =	sst s0  }
0x18: {  	s0 =	sld [smem:$0x3F9C];
	_ =	swait.ge [sflag:s4], $0x0  }
0x19: {  	s7 =	sld [smem:$0x3F9D]  }
0x1a: {  	s8 =	sadd.s32 $0xFFFFE003, lr  }
0x1b: {  	s9 =	sadd.s32 $0xFFFFFEF7, lr;
	s5 =	simm.s32 $0xFFFFFFFF;
	p2 =	slt.u32 s8, $0xFFFFF086  }
0x1c: {  	p1 =	slt.u32 s9, $0xF7A;
	s5 =	simm.s32 @!p2 $0x0  }
0x1d: {  	s5 =	simm.s32 @p1 $0x1;
	p0 =	seq.s32 s7, s2  }
0x1e: {  	s7 =	smul.u32 @!p0 $0xF7A, s2;
	p2 =	seq.s32 @!p0 s5, $0x0  }
0x1f: {  	s9 =	smul.u32 $0xF7A, s1;
	s8 =	simm.s32 @!p0 $0x1BF5;
	p2 =	por !p2, p0  }
0x20: {  	[sflag:s8] =	ssyncset.s32 @!p0 $0xFFFFF086;
	s6 =	sadd.s32 @!p0 s3, s7;
	s7 =	simm.s32 @!p0 $0x108  }
0x21: {  	s3 =	sadd.s32 s3, s9;
	s6 =	sadd.s32 @!p0 $0x88, s6;
	s7 =	simm.s32 @p2 $0x1082  }
0x22: {  	[simem:s7], [sflag:s8] =	dma.local @!p0 [hbm:s6], $0xF7A  }
0x23: {  	s9 =	sor.u32 $0xD0000000, s2;
	s6 =	simm.s32 $0x108;
	_ =	swait.ge @!p0 [sflag:s8], $0x0  }
0x24: {  	s3 =	sadd.s32 $0x88, s3;
	s6 =	simm.s32 @!p1 $0x1082;
	[sflag:s4] =	ssyncset.s32 $0xFFFFF086  }
0x25: {  	[simem:s6], [sflag:s4] =	dma.local [hbm:s3], $0xF7A  }
0x26: {  	[smem:$0x3F9D] =	sst s1;
	(tag) =	ssettag s2;
	_ =	strace s9  }
0x27: {  	s1 =	sld [smem:$0x3FAD]  }
0x28: {  	s2 =	sld [smem:$0x3FAE]  }
0x29: {  	s4 =	sld [smem:$0x3FB0]  }
0x2a: {  	p0 =	seq.s32 s5, $0x0;
	s5 =	sld [smem:$0x3FB1]  }
0x2b: {  	s6 =	sld [smem:$0x3FB2]  }
0x2c: {  	s7 =	sld [smem:$0x3FB3]  }
0x2d: {  	s3 =	simm.s32 $0x108;
	s8 =	sld [smem:$0x3FB4]  }
0x2e: {  	s3 =	simm.s32 @!p0 $0x1082;
	s9 =	sld [smem:$0x3FB5]  }
0x2f: {  	lr =	sadd.s32 s0, s3;
	s0 =	sld [smem:$0x3FAC]  }
0x30: {  	s3 =	sld [smem:$0x3FAF]  }
0x31: {  	[smem:$0x3FB8] =	sst s10  }
0x32: {  	s10 =	sld [smem:$0x3FB6];
	_ =	sdelay $0x3  }
0x33: {  	p0 =	seq.s32 s10, $0x1;
	s10 =	sld [smem:$0x3FB8];
	_ =	sdelay $0x3  }
0x34: {  	[smem:$0x3FB8] =	sst s10  }
0x35: {  	s10 =	sld [smem:$0x3FB7];
	_ =	sdelay $0x3  }
0x36: {  	p1 =	seq.s32 s10, $0x1;
	s10 =	sld [smem:$0x3FB8];
	_ =	sdelay $0x3  }
0x37: {  	[smem:$0x3FB8] =	sst s10  }
0x38: {  	s10 =	sld [smem:$0x3FB9]  }
0x39: {  	_ = 	snop;
	(pc) =	sbr.ind lr, $3  }
0x3a: {  	_ = 	snop  }
0x3b: {  	_ = 	snop  }
0x3c: {  	p2 =	seq.s32 s10, $0x1;
	s10 =	sld [smem:$0x3FB8]  }
0x3d: {  	_ =	shalt  }
0x3e: {  	_ =	shalt  }
0x3f: {  	_ =	shalt  }
0x40: {  	_ =	shalt  }
0x41: {  	_ =	shalt  }
0x42: {  	_ =	shalt  }
0x43: {  	_ =	shalt  }
0x44: {  	_ =	shalt  }
0x45: {  	_ =	shalt  }
0x46: {  	_ =	shalt  }
0x47: {  	_ =	shalt  }
0x48: {  	_ =	shalt  }
0x49: {  	_ =	shalt  }
0x4a: {  	_ =	shalt  }
0x4b: {  	_ =	shalt  }
0x4c: {  	_ =	shalt  }
0x4d: {  	_ =	shalt  }
0x4e: {  	_ =	shalt  }
0x4f: {  	_ =	shalt  }
0x50: {  	_ =	shalt  }
0x51: {  	_ =	shalt  }
0x52: {  	_ =	shalt  }
0x53: {  	_ =	shalt  }
0x54: {  	_ =	shalt  }
0x55: {  	_ =	shalt  }
0x56: {  	_ =	shalt  }
0x57: {  	_ =	shalt  }
0x58: {  	_ =	shalt  }
0x59: {  	_ =	shalt  }
0x5a: {  	_ =	shalt  }
0x5b: {  	_ =	shalt  }
0x5c: {  	_ =	shalt  }
0x5d: {  	_ =	shalt  }
0x5e: {  	_ =	shalt  }
0x5f: {  	_ =	shalt  }
0x60: {  	_ =	shalt  }
0x61: {  	_ =	shalt  }
0x62: {  	_ =	shalt  }
0x63: {  	_ =	shalt  }
0x64: {  	_ =	shalt  }
0x65: {  	_ =	shalt  }
0x66: {  	_ =	shalt  }
0x67: {  	_ =	shalt  }
0x68: {  	_ =	shalt  }
0x69: {  	_ =	shalt  }
0x6a: {  	_ =	shalt  }
0x6b: {  	_ =	shalt  }
0x6c: {  	_ =	shalt  }
0x6d: {  	_ =	shalt  }
0x6e: {  	_ =	shalt  }
0x6f: {  	_ =	shalt  }
0x70: {  	_ =	shalt  }
0x71: {  	_ =	shalt  }
0x72: {  	_ =	shalt  }
0x73: {  	_ =	shalt  }
0x74: {  	_ =	shalt  }
0x75: {  	_ =	shalt  }
0x76: {  	_ =	shalt  }
0x77: {  	_ =	shalt  }
0x78: {  	_ =	shalt  }
0x79: {  	_ =	shalt  }
0x7a: {  	_ =	shalt  }
0x7b: {  	_ =	shalt  }
0x7c: {  	_ =	shalt  }
0x7d: {  	_ =	shalt  }
0x7e: {  	_ =	shalt  }
0x7f: {  	_ =	shalt  }
0x80: {  	_ =	shalt  }
0x81: {  	_ =	shalt  }
0x82: {  	_ =	shalt  }
0x83: {  	_ =	shalt  }
0x84: {  	_ =	shalt  }
0x85: {  	_ =	shalt  }
0x86: {  	_ =	shalt  }
0x87: {  	_ =	shalt  }
.Lfunc_end0:
.L_simem_size_0:
called_computation.1_lowered:
.L_overlay_start_0:
0x88: {  	s2 =	sld [smem:$0x3FD9]  }
0x89: {  	s3 =	sld [smem:$0x3FFE];
	_ =	sdelay $0x1  }
0x8a: {  	s1 =	srdreg.scid  }
0x8b: {  	s0 =	sand.u32 $0x1, s1  }
0x8c: {  	s17 =	sshll.u32 s0, $0xA;
	s2 =	sadd.s32 s3, s2  }
0x8d: {  	s2 =	sadd.s32 s2, s17  }
0x8e: {  	[smem:$0x3FC4] =	sst s2  }
0x8f: {  	_ = 	snop  }
0x90: {  	s2 =	sld [smem:$0x3FC8];
	(tm) =	ssettm $0x1  }
0x91: {  	s18 =	sld [smem:$0x3FFB];
	_ =	sdelay $0x3  }
0x92: {  	_ =	strace s18  }
0x93: {  	s3 =	sld [smem:$0x3FFC];
	_ =	sdelay $0x3  }
0x94: {  	_ =	strace s3  }
0x95: {  	s3 =	sld [smem:$0x3FFD];
	_ =	sdelay $0x3  }
0x96: {  	_ =	strace s3  }
0x97: {  	_ =	strace $0x8FFFFFFF  }
0x98: {  	s19 =	sld [smem:$0x3FDB];
	_ =	sdelay $0x1  }
0x99: {  	s4 =	simm.s32 $_scs_section_size  }
0x9a: {  	s5 =	simm.s32 $_size__tile_overlayer_lowered;
	s6 =	simm.s32 $_tile_overlayer_lowered  }
0x9b: {  	s22 =	simm.s32 $0x1BFF;
	s21 =	sshll.u32 s6, $0x1;
	s3 =	sadd.s32 s4, s19  }
0x9c: {  	s7 =	simm.s32 $0x0;
	s20 =	sshll.u32 s5, $0x1;
	s5 =	sadd.s32 s21, s3  }
0x9d: {  	[timem:s7], [sflag:s22] =	dma.local [hbm:s5], s20  }
0x9e: {  	_ =	swait.ge [sflag:s22], s20  }
0x9f: {  	s4 =	ssub.s32 $0x0, s20;
	[sflag:s22] =	ssyncset.done $0x0  }
0xa0: {  	[sflag:s22] =	ssyncadd.s32 s4;
	_ =	sdelay $0x1  }
0xa1: {  	s23 =	simm.s32 $0x1B8B  }
0xa2: {  	_ =	swait.ge [sflag:s23], $0x1  }
0xa3: {  	[sflag:s23] =	ssyncset.done $0x0  }
0xa4: {  	s25 =	simm.s32 $0x1B8E;
	s24 =	sld [smem:$0x3FFE];
	[sflag:s23] =	ssyncadd.s32 $0xFFFFFFFF  }
0xa5: {  	s26 =	simm.s32 $execute0_lowered;
	[smem:$0x3FD2] =	sst s25  }
0xa6: {  	s5 =	sshll.u32 s26, $0x1;
	_ =	strace $0x80000046;
	[dreg:$0x1] =	wrdreg $0xFFFFFFFF  }
0xa7: {  	s28 =	simm.s32 $_size_execute0_lowered;
	s3 =	sadd.s32 s3, s5;
	[dreg:$0x0] =	wrdreg $0x0  }
0xa8: {  	s5 =	sshll.u32 s28, $0x1;
	[dreg:$0x2] =	wrdreg s3  }
0xa9: {  	[dreg:$0x3] =	wrdreg s5  }
0xaa: {  	[dreg:$0x4] =	wrdreg $0xC0  }
0xab: {  	_ =	task [dreg:s7], $0x5FFFF  }
0xac: {  	[dreg:$0x1] =	wrdreg $0xFFFFFFFF  }
0xad: {  	[dreg:$0x0] =	wrdreg $0x60  }
0xae: {  	[dreg:$0x2] =	wrdreg s2  }
0xaf: {  	[dreg:$0x3] =	wrdreg s24  }
0xb0: {  	[dreg:$0x4] =	wrdreg $0xA  }
0xb1: {  	_ =	task.clear_ibuf [dreg:s7], $0x5FFFF;
	_ =	strace $0x90000046  }
0xb2: {  	s29 =	simm.s32 $0xA;
	_ =	strace $0x80000048  }
0xb3: {  	_ =	swait.ge [sflag:s29], $0x1  }
0xb4: {  	[sflag:s29] =	ssyncadd.s32 $0xFFFFFFFF  }
0xb5: {  	_ =	strace $0x90000048  }
0xb6: {  	_ =	sfence  }
0xb7: {  	s30 =	sld [smem:$0x0];
	_ =	sdelay $0x2  }
0xb8: {  	s31 =	sshll.u32 s1, $0xD;
	s1 =	sshrl.u32 s1, $0x2  }
0xb9: {  	s3 =	sand.u32 $0x4000, s31;
	s1 =	sadd.s32 s1, s30  }
0xba: {  	s0 =	sor.u32 s3, s0;
	s1 =	sshll.u32 s1, $0x11  }
0xbb: {  	s0 =	sor.u32 s1, s0  }
0xbc: {  	s0 =	sadd.s32 $0x8F2B, s0  }
0xbd: {  	[sflag:s0] =	ssyncadd.remote.s32 $0x1  }
0xbe: {  	_ =	sfence.sel $0xFFFF  }
0xbf: {  	[dreg:$0x0] =	wrdreg $0xFFFFFFFF;
	(pc) =	sbr.abs _section_cstart, $3  }
0xc0: {  	[dreg:$0x1] =	wrdreg $0xFFFFFFFF  }
0xc1: {  	_ =	task.clear_ibuf [dreg:s7], $0x2FFFF;
	_ =	strace $0x9FFFFFFF  }
0xc2: {  	(tm) =	ssettm $0x7FFFFFFF  }
0xc3: {  	_ =	shalt  }
tec
execute0_lowered:
.L_overlay_start_1:
0x0: {  	(tag) =	ssettag $0x1  }
0x1: {  	s2 =	rddreg [dreg:$0x0]  }
0x2: {  	s4 =	rddreg [dreg:$0x1]  }
0x3: {  	s3 =	srdreg.scid;
	s0 =	rddreg [dreg:$0x2]  }
0x4: {  	s1 =	stileid.u32;
	s9 =	simm.s32 $0x2000;
	s10 =	simm.s32 $0x6000  }
0x5: {  	s11 =	simm.s32 $0x100;
	s12 =	simm.s32 $0xA000;
	s13 =	simm.s32 $0xE000  }
0x6: {  	s14 =	simm.s32 $0x1;
	s15 =	simm.s32 $0x5;
	s16 =	simm.s32 $0x2  }
0x7: {  	s17 =	simm.s32 $0x6;
	s18 =	simm.s32 $0x3;
	s19 =	simm.s32 $0x7  }
0x8: {  	s20 =	simm.s32 $0x4;
	s21 =	simm.s32 $0x8;
	s22 =	simm.s32 $0x0  }
0x9: {  	s5 =	sand.u32 $0x1, s3;
	s3 =	simm.s32 $0x0;
	s6 =	sshll.u32 s1, $0xE  }
0xa: {  	s29 =	sshll.u32 s1, $0x12;
	s7 =	sshll.u32 s5, $0xD;
	[smem:$0x7FF] =	sst s3  }
0xb: {  	s8 =	ssub.s32 $0x2, s5;
	s5 =	sshll.u32 s5, $0x11;
	s6 =	sor.u32 s7, s6  }
0xc: {  	_ =	strace $0x80000047;
	s7 =	sadd.s32 s29, s4;
	s30 =	sshrl.u32 s8, $0x1  }
0xd: {  	s6 =	sshrl.u32 s6, $0x3;
	s8 =	ssub.s32 s8, s30;
	s31 =	sadd.s32 s5, s7  }
0xe: {  	s7 =	simm.s32 $0x9;
	s6 =	sadd.s32 s6, s4;
	s5 =	smax.u32 s8, $0x1  }
0xf: {  	s8 =	simm.s32 $0x80;
	s4 =	sadd.s32 $0x1800, s6;
	s6 =	sadd.s32 $0x1A800, s31  }
.LBB2_1:
0x10: {  	[tilespmem:s3], [sflag:$0x9] =	stream.linear.gather [hbm4b:s4+s3], $0x2000, $0x38;
	[tilespmem:$0x12000] =	vst v63  }
0x11: {  	_ =	swait.ge [sflag:s7], $0x2000  }
0x12: {  	[sflag:s7] =	ssyncset.done $0x0  }
0x13: {  	[sflag:s7] =	ssyncadd.s32 $0xFFFFE000  }
0x14: {  	[tilespmem:s9], [sflag:$0x1] =	stream.indirect.gather [hbm4b:s2+s8], $0x80, s3, s8, $0xb8;
	[tilespmem:$0x12000] =	vst v63  }
0x15: {  	p0 =	por $0x1, $0x1  }
0x16: {  	[tilespmem:s10], [sflag:$0x2] =	stream.indirect.gather [hbm4b:s2+s8], $0x80, s8, s8, $0xb8;
	[tilespmem:$0x12000] =	vst v63  }
0x17: {  	s23 =	simm.s32 @!p0 $0x8  }
0x18: {  	[tilespmem:s12], [sflag:$0x3] =	stream.indirect.gather [hbm4b:s2+s8], $0x80, s11, s8, $0xb8;
	[tilespmem:$0x12000] =	vst v63  }
0x19: {  	_ =	swait.ge @!p0 [sflag:s23], $0x4000  }
0x1a: {  	[sflag:s23] =	ssyncset.done @!p0 $0x0  }
0x1b: {  	s29 =	simm.s32 $0x180;
	[sflag:s23] =	ssyncadd.s32 @!p0 $0xFFFFC000  }
0x1c: {  	[tilespmem:s13], [sflag:$0x4] =	stream.indirect.gather [hbm4b:s2+s8], $0x80, s29, s8, $0xb8;
	[tilespmem:$0x12000] =	vst v63  }
0x1d: {  	_ =	swait.ge [sflag:s14], $0x4000  }
0x1e: {  	[sflag:s14] =	ssyncset.done $0x0  }
0x1f: {  	s30 =	sadd.s32 $0xFFFFF000, s6;
	[sflag:s14] =	ssyncadd.s32 $0xFFFFC000  }
0x20: {  	[hbm4b:s30+s3] =	stream.linear.scatter [tilespmem:s9], [sflag:$0x5], $0x4000, $0x38;
	[tilespmem:$0x12000] =	vst v63  }
0x21: {  	p0 =	por $0x0, $0x0;
	_ =	swait.ge [sflag:s15], $0x4000  }
0x22: {  	s23 =	simm.s32 @!p0 $0x2000;
	[sflag:s15] =	ssyncset.done $0x0  }
0x23: {  	s24 =	simm.s32 @!p0 $0x200;
	s25 =	simm.s32 @!p0 $0x80;
	[sflag:s15] =	ssyncadd.s32 $0xFFFFC000  }
0x24: {  	[tilespmem:s23], [sflag:$0x1] =	stream.indirect.gather @!p0 [hbm4b:s2+s25], $0x80, s24, s25, $0xb8;
	[tilespmem:$0x12000] =	vst v63  }
0x25: {  	_ =	swait.ge [sflag:s16], $0x4000  }
0x26: {  	[sflag:s16] =	ssyncset.done $0x0  }
0x27: {  	s31 =	sadd.s32 $0xFFFFF800, s6;
	[sflag:s16] =	ssyncadd.s32 $0xFFFFC000  }
0x28: {  	[hbm4b:s31+s3] =	stream.linear.scatter [tilespmem:s10], [sflag:$0x6], $0x4000, $0x38;
	[tilespmem:$0x12000] =	vst v63  }
0x29: {  	_ =	swait.ge [sflag:s17], $0x4000  }
0x2a: {  	[sflag:s17] =	ssyncset.done $0x0  }
0x2b: {  	s23 =	simm.s32 @!p0 $0x280;
	s24 =	simm.s32 @!p0 $0x6000;
	[sflag:s17] =	ssyncadd.s32 $0xFFFFC000  }
0x2c: {  	[tilespmem:s24], [sflag:$0x2] =	stream.indirect.gather @!p0 [hbm4b:s2+s25], $0x80, s23, s25, $0xb8;
	[tilespmem:$0x12000] =	vst v63  }
0x2d: {  	_ =	swait.ge [sflag:s18], $0x4000  }
0x2e: {  	[sflag:s18] =	ssyncset.done $0x0  }
0x2f: {  	[sflag:s18] =	ssyncadd.s32 $0xFFFFC000  }
0x30: {  	[hbm4b:s6+s3] =	stream.linear.scatter [tilespmem:s12], [sflag:$0x7], $0x4000, $0x38;
	[tilespmem:$0x12000] =	vst v63  }
0x31: {  	_ =	swait.ge [sflag:s19], $0x4000  }
0x32: {  	p1 =	por $0x0, $0x0;
	[sflag:s19] =	ssyncset.done $0x0  }
0x33: {  	s26 =	simm.s32 @!p0 $0xA000;
	s23 =	simm.s32 @!p0 $0x300;
	[sflag:s19] =	ssyncadd.s32 $0xFFFFC000  }
0x34: {  	[tilespmem:s26], [sflag:$0x3] =	stream.indirect.gather @!p0 [hbm4b:s2+s25], $0x80, s23, s25, $0xb8;
	[tilespmem:$0x12000] =	vst v63  }
0x35: {  	s28 =	sadd.s32 $0x800, s6;
	s24 =	simm.s32 $0x800;
	_ =	swait.ge [sflag:s20], $0x4000  }
0x36: {  	s25 =	simm.s32 $0x1000;
	s23 =	sadd.s32 $0x2000, s6;
	[sflag:s20] =	ssyncset.done $0x0  }
.LBB2_2:
0x37: {  	s29 =	simm.s32 @!p1 $0x8;
	[sflag:s20] =	ssyncadd.s32 $0xFFFFC000  }
0x38: {  	s30 =	smov.u32 s25;
	s25 =	sadd.s32 $0x800, s25;
	s26 =	smov.u32 s23  }
0x39: {  	[hbm4b:s28+s3] =	stream.linear.scatter [tilespmem:s13], [sflag:$0x8], $0x4000, $0x38;
	[tilespmem:$0x12000] =	vst v63  }
0x3a: {  	p0 =	sne.s32 s25, $0x8000;
	_ =	swait.ge @!p1 [sflag:s29], $0x4000  }
0x3b: {  	s28 =	sshra.s32 s24, $0x2;
	[sflag:s29] =	ssyncset.done @!p1 $0x0  }
0x3c: {  	s28 =	sadd.s32 $0x180, s28;
	[sflag:s29] =	ssyncadd.s32 @!p1 $0xFFFFC000  }
0x3d: {  	[tilespmem:s13], [sflag:$0x4] =	stream.indirect.gather [hbm4b:s2+s8], $0x80, s28, s8, $0xb8;
	[tilespmem:$0x12000] =	vst v63  }
0x3e: {  	_ =	swait.ge [sflag:s14], $0x4000  }
0x3f: {  	[sflag:s14] =	ssyncset.done $0x0  }
0x40: {  	s28 =	sadd.s32 $0xFFFFF000, s23;
	[sflag:s14] =	ssyncadd.s32 $0xFFFFC000  }
0x41: {  	[hbm4b:s28+s3] =	stream.linear.scatter [tilespmem:s9], [sflag:$0x5], $0x4000, $0x38;
	[tilespmem:$0x12000] =	vst v63  }
0x42: {  	p1 =	seq.s32 s24, $0x7800;
	_ =	swait.ge [sflag:s15], $0x4000  }
0x43: {  	s24 =	sshra.s32 @!p1 s24, $0x2;
	s28 =	simm.s32 @!p1 $0x2000;
	[sflag:s15] =	ssyncset.done $0x0  }
0x44: {  	s31 =	simm.s32 @!p1 $0x80;
	s29 =	sadd.s32 @!p1 $0x200, s24;
	[sflag:s15] =	ssyncadd.s32 $0xFFFFC000  }
0x45: {  	[tilespmem:s28], [sflag:$0x1] =	stream.indirect.gather @!p1 [hbm4b:s2+s31], $0x80, s29, s31, $0xb8;
	[tilespmem:$0x12000] =	vst v63  }
0x46: {  	s28 =	sadd.s32 @!p1 $0x280, s24;
	s29 =	sadd.s32 @!p1 $0x300, s24;
	_ =	swait.ge [sflag:s16], $0x4000  }
0x47: {  	s24 =	smov.u32 s30;
	[sflag:s16] =	ssyncset.done $0x0  }
0x48: {  	s30 =	sadd.s32 $0xFFFFF800, s23;
	[sflag:s16] =	ssyncadd.s32 $0xFFFFC000  }
0x49: {  	[hbm4b:s30+s3] =	stream.linear.scatter [tilespmem:s10], [sflag:$0x6], $0x4000, $0x38;
	[tilespmem:$0x12000] =	vst v63  }
0x4a: {  	_ =	swait.ge [sflag:s17], $0x4000  }
0x4b: {  	[sflag:s17] =	ssyncset.done $0x0  }
0x4c: {  	s30 =	simm.s32 @!p1 $0x6000;
	[sflag:s17] =	ssyncadd.s32 $0xFFFFC000  }
0x4d: {  	[tilespmem:s30], [sflag:$0x2] =	stream.indirect.gather @!p1 [hbm4b:s2+s31], $0x80, s28, s31, $0xb8;
	[tilespmem:$0x12000] =	vst v63  }
0x4e: {  	_ =	swait.ge [sflag:s18], $0x4000  }
0x4f: {  	[sflag:s18] =	ssyncset.done $0x0  }
0x50: {  	[sflag:s18] =	ssyncadd.s32 $0xFFFFC000  }
0x51: {  	[hbm4b:s23+s3] =	stream.linear.scatter [tilespmem:s12], [sflag:$0x7], $0x4000, $0x38;
	[tilespmem:$0x12000] =	vst v63  }
0x52: {  	_ =	swait.ge [sflag:s19], $0x4000  }
.Ltmp0:
0x53: {  	[sflag:s19] =	ssyncset.done $0x0;
	(pc) =	sbr.rel @p0 .LBB2_2-.Ltmp0, $4  }
0x54: {  	s28 =	simm.s32 @!p1 $0xA000;
	[sflag:s19] =	ssyncadd.s32 $0xFFFFC000  }
0x55: {  	[tilespmem:s28], [sflag:$0x3] =	stream.indirect.gather @!p1 [hbm4b:s2+s31], $0x80, s29, s31, $0xb8;
	[tilespmem:$0x12000] =	vst v63  }
0x56: {  	s23 =	sadd.s32 $0x2000, s23;
	_ =	swait.ge [sflag:s20], $0x4000  }
0x57: {  	p1 =	seq.s32 s24, $0x0;
	s28 =	sadd.s32 $0x800, s26;
	[sflag:s20] =	ssyncset.done $0x0  }
0x58: {  	s25 =	simm.s32 @!p1 $0x8;
	[sflag:s20] =	ssyncadd.s32 $0xFFFFC000  }
0x59: {  	[hbm4b:s28+s3] =	stream.linear.scatter [tilespmem:s13], [sflag:$0x8], $0x4000, $0x38;
	[tilespmem:$0x12000] =	vst v63  }
0x5a: {  	_ =	swait.ge @!p1 [sflag:s25], $0x4000  }
0x5b: {  	s26 =	sshra.s32 s24, $0x2;
	[sflag:s25] =	ssyncset.done @!p1 $0x0  }
0x5c: {  	s28 =	sadd.s32 $0x180, s26;
	[sflag:s25] =	ssyncadd.s32 @!p1 $0xFFFFC000  }
0x5d: {  	[tilespmem:s13], [sflag:$0x4] =	stream.indirect.gather [hbm4b:s2+s8], $0x80, s28, s8, $0xb8;
	[tilespmem:$0x12000] =	vst v63  }
0x5e: {  	_ =	swait.ge [sflag:s14], $0x4000  }
0x5f: {  	[sflag:s14] =	ssyncset.done $0x0  }
0x60: {  	s29 =	sadd.s32 $0xFFFFF000, s23;
	p0 =	seq.s32 s24, $0x7800;
	[sflag:s14] =	ssyncadd.s32 $0xFFFFC000  }
0x61: {  	[hbm4b:s29+s3] =	stream.linear.scatter [tilespmem:s9], [sflag:$0x5], $0x4000, $0x38;
	[tilespmem:$0x12000] =	vst v63  }
0x62: {  	s24 =	sshra.s32 @!p0 s24, $0x2;
	_ =	swait.ge [sflag:s15], $0x4000  }
0x63: {  	s26 =	sadd.s32 @!p0 $0x200, s24;
	[sflag:s15] =	ssyncset.done $0x0  }
0x64: {  	s25 =	simm.s32 @!p0 $0x2000;
	s28 =	simm.s32 @!p0 $0x80;
	[sflag:s15] =	ssyncadd.s32 $0xFFFFC000  }
0x65: {  	[tilespmem:s25], [sflag:$0x1] =	stream.indirect.gather @!p0 [hbm4b:s2+s28], $0x80, s26, s28, $0xb8;
	[tilespmem:$0x12000] =	vst v63  }
0x66: {  	_ =	swait.ge [sflag:s16], $0x4000  }
0x67: {  	[sflag:s16] =	ssyncset.done $0x0  }
0x68: {  	s30 =	sadd.s32 $0xFFFFF800, s23;
	[sflag:s16] =	ssyncadd.s32 $0xFFFFC000  }
0x69: {  	[hbm4b:s30+s3] =	stream.linear.scatter [tilespmem:s10], [sflag:$0x6], $0x4000, $0x38;
	[tilespmem:$0x12000] =	vst v63  }
0x6a: {  	_ =	swait.ge [sflag:s17], $0x4000  }
0x6b: {  	[sflag:s17] =	ssyncset.done $0x0  }
0x6c: {  	s25 =	sadd.s32 @!p0 $0x280, s24;
	s26 =	simm.s32 @!p0 $0x6000;
	[sflag:s17] =	ssyncadd.s32 $0xFFFFC000  }
0x6d: {  	[tilespmem:s26], [sflag:$0x2] =	stream.indirect.gather @!p0 [hbm4b:s2+s28], $0x80, s25, s28, $0xb8;
	[tilespmem:$0x12000] =	vst v63  }
0x6e: {  	_ =	swait.ge [sflag:s18], $0x4000  }
0x6f: {  	[sflag:s18] =	ssyncset.done $0x0  }
0x70: {  	[sflag:s18] =	ssyncadd.s32 $0xFFFFC000  }
0x71: {  	[hbm4b:s23+s3] =	stream.linear.scatter [tilespmem:s12], [sflag:$0x7], $0x4000, $0x38;
	[tilespmem:$0x12000] =	vst v63  }
0x72: {  	_ =	swait.ge [sflag:s19], $0x4000  }
0x73: {  	[sflag:s19] =	ssyncset.done $0x0  }
0x74: {  	s24 =	sadd.s32 @!p0 $0x300, s24;
	s25 =	simm.s32 @!p0 $0xA000;
	[sflag:s19] =	ssyncadd.s32 $0xFFFFC000  }
0x75: {  	[tilespmem:s25], [sflag:$0x3] =	stream.indirect.gather @!p0 [hbm4b:s2+s28], $0x80, s24, s28, $0xb8;
	[tilespmem:$0x12000] =	vst v63  }
0x76: {  	s22 =	sadd.s32 $0x1, s22;
	_ =	swait.ge [sflag:s20], $0x4000  }
0x77: {  	p0 =	sne.s32 s22, s5;
	[sflag:s20] =	ssyncset.done $0x0  }
.Ltmp1:
0x78: {  	s31 =	sadd.s32 $0x800, s23;
	[sflag:s20] =	ssyncadd.s32 $0xFFFFC000;
	(pc) =	sbr.rel @p0 .LBB2_1-.Ltmp1, $4  }
0x79: {  	[hbm4b:s31+s3] =	stream.linear.scatter [tilespmem:s13], [sflag:$0x8], $0x4000, $0x38;
	[tilespmem:$0x12000] =	vst v63  }
0x7a: {  	_ =	swait.ge [sflag:s21], $0x4000  }
0x7b: {  	[sflag:s21] =	ssyncset.done $0x0  }
0x7c: {  	[sflag:s21] =	ssyncadd.s32 $0xFFFFC000  }
0x7d: {  	_ =	sfence.sel $0x180000  }
0x7e: {  	[bflag:$0x0] =	sbarrier.arrive $0xFFFF  }
0x7f: {  	p0 =	sne.s32 s1, $0x0;
	_ =	strace $0x90000047  }
0x80: {  	s0 =	sadd.s32 @!p0 $0x100000, s0;
	[bflag:$0x2] =	sbarrier.arrive $0xFFFF  }
0x81: {  	[sflag:s0] =	ssyncadd.tile.s32 @!p0 $0x1;
	_ =	shalt  }
.Lfunc_end2:
_tile_overlayer_lowered:
.L_overlay_start_2:
0x82: {  	(tag) =	ssettag $0x2  }
0x83: {  	s0 =	rddreg [dreg:$0x0];
	s2 =	stileid.u32  }
0x84: {  	s1 =	rddreg [dreg:$0x1];
	p0 =	sne.s32 s2, $0x0  }
0x85: {  	s3 =	rddreg [dreg:$0x2];
	[bflag:$0x3] =	sbarrier.arrive $0xFFFF;
	s2 =	simm.s32 @!p0 $0x1C09  }
0x86: {  	[timem:s3], [sflag:s2] =	dma.local @!p0 [hbm:s0], s1  }
0x87: {  	s0 =	simm.s32 @!p0 $0x9  }
0x88: {  	_ =	swait.ge @!p0 [sflag:s0], s1  }
0x89: {  	s1 =	ssub.s32 @!p0 $0x0, s1;
	[sflag:s0] =	ssyncset.done @!p0 $0x0  }
0x8a: {  	[sflag:s0] =	ssyncadd.s32 @!p0 s1  }
0x8b: {  	[bflag:$0x3] =	sbarrier.arrive $0xFFFF  }
0x8c: {  	_ =	shalt  }

// kernel: kernel.18.cloned.1.call-start
scs
__scs_entry_jumppad:
0x0: {  	(pc) =	sbr.rel $0x88, $3  }
0x1: {  	(tag) =	ssettag $0x0;
	lr =	simm.s32 $0x1  }
0x2: {  	[smem:$0x3F9D] =	sst lr;
	_ =	strace $0xD0000000  }
0x3: {  	_ = 	snop  }
0x4: {  	_ = 	snop  }
0x5: {  	_ = 	snop  }
0x6: {  	_ = 	snop  }
0x7: {  	_ = 	snop  }
__scs_overlays_trampoline_lowered:
0x8: {  	[smem:$0x3FAC] =	sst s0  }
0x9: {  	[smem:$0x3FAD] =	sst s1  }
0xa: {  	[smem:$0x3FAE] =	sst s2  }
0xb: {  	[smem:$0x3FAF] =	sst s3  }
0xc: {  	[smem:$0x3FB0] =	sst s4  }
0xd: {  	[smem:$0x3FB1] =	sst s5  }
0xe: {  	[smem:$0x3FB2] =	sst s6  }
0xf: {  	[smem:$0x3FB3] =	sst s7  }
0x10: {  	[smem:$0x3FB4] =	sst s8  }
0x11: {  	[smem:$0x3FB5] =	sst s9;
	s0 =	simm.s32 @!p0 $0x0  }
0x12: {  	s1 =	sld [smem:$0x3F9B];
	s0 =	simm.s32 @p0 $0x1  }
0x13: {  	[smem:$0x3FB6] =	sst s0;
	s0 =	simm.s32 @!p1 $0x0  }
0x14: {  	s2 =	sld [smem:$0x3F9A];
	s0 =	simm.s32 @p1 $0x1  }
0x15: {  	[smem:$0x3FB7] =	sst s0;
	s0 =	simm.s32 @!p2 $0x0  }
0x16: {  	s3 =	sld [smem:$0x3FDB];
	s0 =	simm.s32 @p2 $0x1  }
0x17: {  	s4 =	simm.s32 $0x1BF5;
	[smem:$0x3FB9] =	sst s0  }
0x18: {  	s0 =	sld [smem:$0x3F9C];
	_ =	swait.ge [sflag:s4], $0x0  }
0x19: {  	s7 =	sld [smem:$0x3F9D]  }
0x1a: {  	s8 =	sadd.s32 $0xFFFFE003, lr  }
0x1b: {  	s9 =	sadd.s32 $0xFFFFFEF7, lr;
	s5 =	simm.s32 $0xFFFFFFFF;
	p2 =	slt.u32 s8, $0xFFFFF086  }
0x1c: {  	p1 =	slt.u32 s9, $0xF7A;
	s5 =	simm.s32 @!p2 $0x0  }
0x1d: {  	s5 =	simm.s32 @p1 $0x1;
	p0 =	seq.s32 s7, s2  }
0x1e: {  	s7 =	smul.u32 @!p0 $0xF7A, s2;
	p2 =	seq.s32 @!p0 s5, $0x0  }
0x1f: {  	s9 =	smul.u32 $0xF7A, s1;
	s8 =	simm.s32 @!p0 $0x1BF5;
	p2 =	por !p2, p0  }
0x20: {  	[sflag:s8] =	ssyncset.s32 @!p0 $0xFFFFF086;
	s6 =	sadd.s32 @!p0 s3, s7;
	s7 =	simm.s32 @!p0 $0x108  }
0x21: {  	s3 =	sadd.s32 s3, s9;
	s6 =	sadd.s32 @!p0 $0x88, s6;
	s7 =	simm.s32 @p2 $0x1082  }
0x22: {  	[simem:s7], [sflag:s8] =	dma.local @!p0 [hbm:s6], $0xF7A  }
0x23: {  	s9 =	sor.u32 $0xD0000000, s2;
	s6 =	simm.s32 $0x108;
	_ =	swait.ge @!p0 [sflag:s8], $0x0  }
0x24: {  	s3 =	sadd.s32 $0x88, s3;
	s6 =	simm.s32 @!p1 $0x1082;
	[sflag:s4] =	ssyncset.s32 $0xFFFFF086  }
0x25: {  	[simem:s6], [sflag:s4] =	dma.local [hbm:s3], $0xF7A  }
0x26: {  	[smem:$0x3F9D] =	sst s1;
	(tag) =	ssettag s2;
	_ =	strace s9  }
0x27: {  	s1 =	sld [smem:$0x3FAD]  }
0x28: {  	s2 =	sld [smem:$0x3FAE]  }
0x29: {  	s4 =	sld [smem:$0x3FB0]  }
0x2a: {  	p0 =	seq.s32 s5, $0x0;
	s5 =	sld [smem:$0x3FB1]  }
0x2b: {  	s6 =	sld [smem:$0x3FB2]  }
0x2c: {  	s7 =	sld [smem:$0x3FB3]  }
0x2d: {  	s3 =	simm.s32 $0x108;
	s8 =	sld [smem:$0x3FB4]  }
0x2e: {  	s3 =	simm.s32 @!p0 $0x1082;
	s9 =	sld [smem:$0x3FB5]  }
0x2f: {  	lr =	sadd.s32 s0, s3;
	s0 =	sld [smem:$0x3FAC]  }
0x30: {  	s3 =	sld [smem:$0x3FAF]  }
0x31: {  	[smem:$0x3FB8] =	sst s10  }
0x32: {  	s10 =	sld [smem:$0x3FB6];
	_ =	sdelay $0x3  }
0x33: {  	p0 =	seq.s32 s10, $0x1;
	s10 =	sld [smem:$0x3FB8];
	_ =	sdelay $0x3  }
0x34: {  	[smem:$0x3FB8] =	sst s10  }
0x35: {  	s10 =	sld [smem:$0x3FB7];
	_ =	sdelay $0x3  }
0x36: {  	p1 =	seq.s32 s10, $0x1;
	s10 =	sld [smem:$0x3FB8];
	_ =	sdelay $0x3  }
0x37: {  	[smem:$0x3FB8] =	sst s10  }
0x38: {  	s10 =	sld [smem:$0x3FB9]  }
0x39: {  	_ = 	snop;
	(pc) =	sbr.ind lr, $3  }
0x3a: {  	_ = 	snop  }
0x3b: {  	_ = 	snop  }
0x3c: {  	p2 =	seq.s32 s10, $0x1;
	s10 =	sld [smem:$0x3FB8]  }
0x3d: {  	_ =	shalt  }
0x3e: {  	_ =	shalt  }
0x3f: {  	_ =	shalt  }
0x40: {  	_ =	shalt  }
0x41: {  	_ =	shalt  }
0x42: {  	_ =	shalt  }
0x43: {  	_ =	shalt  }
0x44: {  	_ =	shalt  }
0x45: {  	_ =	shalt  }
0x46: {  	_ =	shalt  }
0x47: {  	_ =	shalt  }
0x48: {  	_ =	shalt  }
0x49: {  	_ =	shalt  }
0x4a: {  	_ =	shalt  }
0x4b: {  	_ =	shalt  }
0x4c: {  	_ =	shalt  }
0x4d: {  	_ =	shalt  }
0x4e: {  	_ =	shalt  }
0x4f: {  	_ =	shalt  }
0x50: {  	_ =	shalt  }
0x51: {  	_ =	shalt  }
0x52: {  	_ =	shalt  }
0x53: {  	_ =	shalt  }
0x54: {  	_ =	shalt  }
0x55: {  	_ =	shalt  }
0x56: {  	_ =	shalt  }
0x57: {  	_ =	shalt  }
0x58: {  	_ =	shalt  }
0x59: {  	_ =	shalt  }
0x5a: {  	_ =	shalt  }
0x5b: {  	_ =	shalt  }
0x5c: {  	_ =	shalt  }
0x5d: {  	_ =	shalt  }
0x5e: {  	_ =	shalt  }
0x5f: {  	_ =	shalt  }
0x60: {  	_ =	shalt  }
0x61: {  	_ =	shalt  }
0x62: {  	_ =	shalt  }
0x63: {  	_ =	shalt  }
0x64: {  	_ =	shalt  }
0x65: {  	_ =	shalt  }
0x66: {  	_ =	shalt  }
0x67: {  	_ =	shalt  }
0x68: {  	_ =	shalt  }
0x69: {  	_ =	shalt  }
0x6a: {  	_ =	shalt  }
0x6b: {  	_ =	shalt  }
0x6c: {  	_ =	shalt  }
0x6d: {  	_ =	shalt  }
0x6e: {  	_ =	shalt  }
0x6f: {  	_ =	shalt  }
0x70: {  	_ =	shalt  }
0x71: {  	_ =	shalt  }
0x72: {  	_ =	shalt  }
0x73: {  	_ =	shalt  }
0x74: {  	_ =	shalt  }
0x75: {  	_ =	shalt  }
0x76: {  	_ =	shalt  }
0x77: {  	_ =	shalt  }
0x78: {  	_ =	shalt  }
0x79: {  	_ =	shalt  }
0x7a: {  	_ =	shalt  }
0x7b: {  	_ =	shalt  }
0x7c: {  	_ =	shalt  }
0x7d: {  	_ =	shalt  }
0x7e: {  	_ =	shalt  }
0x7f: {  	_ =	shalt  }
0x80: {  	_ =	shalt  }
0x81: {  	_ =	shalt  }
0x82: {  	_ =	shalt  }
0x83: {  	_ =	shalt  }
0x84: {  	_ =	shalt  }
0x85: {  	_ =	shalt  }
0x86: {  	_ =	shalt  }
0x87: {  	_ =	shalt  }
.Lfunc_end0:
.L_simem_size_0:
called_computation.2_lowered:
.L_overlay_start_0:
0x88: {  	s2 =	sld [smem:$0x3FD9]  }
0x89: {  	s3 =	sld [smem:$0x3FFE];
	_ =	sdelay $0x1  }
0x8a: {  	s1 =	srdreg.scid  }
0x8b: {  	s0 =	sand.u32 $0x1, s1  }
0x8c: {  	s17 =	sshll.u32 s0, $0xA;
	s2 =	sadd.s32 s3, s2  }
0x8d: {  	s2 =	sadd.s32 s2, s17  }
0x8e: {  	[smem:$0x3FC4] =	sst s2  }
0x8f: {  	_ = 	snop  }
0x90: {  	s18 =	sld [smem:$0x3FC8];
	(tm) =	ssettm $0x1  }
0x91: {  	s19 =	sld [smem:$0x3FFB];
	_ =	sdelay $0x3  }
0x92: {  	_ =	strace s19  }
0x93: {  	s2 =	sld [smem:$0x3FFC];
	_ =	sdelay $0x3  }
0x94: {  	_ =	strace s2  }
0x95: {  	s2 =	sld [smem:$0x3FFD];
	_ =	sdelay $0x3  }
0x96: {  	_ =	strace s2  }
0x97: {  	_ =	strace $0x8FFFFFFF  }
0x98: {  	s20 =	sld [smem:$0x3FDB];
	_ =	sdelay $0x1  }
0x99: {  	s4 =	simm.s32 $_scs_section_size  }
0x9a: {  	s5 =	simm.s32 $_size__tile_overlayer_lowered;
	s6 =	simm.s32 $_tile_overlayer_lowered  }
0x9b: {  	s7 =	simm.s32 $0x1BFF;
	s21 =	sshll.u32 s6, $0x1;
	s4 =	sadd.s32 s4, s20  }
0x9c: {  	s22 =	simm.s32 $0x0;
	s5 =	sshll.u32 s5, $0x1;
	s6 =	sadd.s32 s21, s4  }
0x9d: {  	[timem:s22], [sflag:s7] =	dma.local [hbm:s6], s5  }
0x9e: {  	_ =	swait.ge [sflag:s7], s5  }
0x9f: {  	s5 =	ssub.s32 $0x0, s5;
	[sflag:s7] =	ssyncset.done $0x0  }
0xa0: {  	[sflag:s7] =	ssyncadd.s32 s5;
	_ =	sdelay $0x1  }
0xa1: {  	s23 =	simm.s32 $0x1B8B  }
0xa2: {  	_ =	swait.ge [sflag:s23], $0x1  }
0xa3: {  	[sflag:s23] =	ssyncset.done $0x0  }
0xa4: {  	[sflag:s23] =	ssyncadd.s32 $0xFFFFFFFF  }
0xa5: {  	s5 =	sld [smem:$0x0]  }
0xa6: {  	s6 =	sand.u32 $0xFFFFFFFE, s1  }
0xa7: {  	p0 =	sne.s32 s1, s6  }
0xa8: {  	s6 =	sshll.u32 @p0 s6, $0xE  }
0xa9: {  	s6 =	sadd.s32 @p0 $0x11B8D, s6;
	s7 =	sshll.u32 @p0 s5, $0x11  }
0xaa: {  	s6 =	sor.u32 @p0 s7, s6  }
0xab: {  	[sflag:s6] =	ssyncadd.remote.s32 @p0 $0x1;
	_ =	sdelay $0x1  }
0xac: {  	s6 =	simm.s32 @p0 $0x1B8D  }
0xad: {  	_ =	swait.eq @p0 [sflag:s6], $0x1  }
0xae: {  	[sflag:s6] =	ssyncadd.s32 @p0 $0xFFFFFFFF  }
0xaf: {  	s7 =	sshll.u32 @!p0 s1, $0xE  }
0xb0: {  	s7 =	sor.u32 @!p0 $0x4000, s7;
	s6 =	simm.s32 @!p0 $0x1B8D  }
0xb1: {  	s5 =	sshll.u32 @!p0 s5, $0x11;
	s7 =	sadd.s32 @!p0 $0x11B8D, s7;
	_ =	swait.eq @!p0 [sflag:s6], $0x1  }
0xb2: {  	s5 =	sor.u32 @!p0 s5, s7;
	[sflag:s6] =	ssyncadd.s32 @!p0 $0xFFFFFFFF  }
0xb3: {  	s25 =	simm.s32 $0x1B8E;
	s24 =	sld [smem:$0x3FFE];
	[sflag:s5] =	ssyncadd.remote.s32 @!p0 $0x1  }
0xb4: {  	s26 =	simm.s32 $execute0_lowered;
	[smem:$0x3FD2] =	sst s25  }
0xb5: {  	s6 =	sshll.u32 s26, $0x1;
	_ =	strace $0x80000049;
	[dreg:$0x1] =	wrdreg $0xFFFFFFFF  }
0xb6: {  	s28 =	simm.s32 $_size_execute0_lowered;
	s4 =	sadd.s32 s4, s6;
	[dreg:$0x0] =	wrdreg $0x0  }
0xb7: {  	s6 =	sshll.u32 s28, $0x1;
	[dreg:$0x2] =	wrdreg s4  }
0xb8: {  	[dreg:$0x3] =	wrdreg s6  }
0xb9: {  	[dreg:$0x4] =	wrdreg $0xC0  }
0xba: {  	_ =	task [dreg:s22], $0x5FFFF  }
0xbb: {  	[dreg:$0x1] =	wrdreg $0xFFFFFFFF  }
0xbc: {  	[dreg:$0x0] =	wrdreg $0x60  }
0xbd: {  	[dreg:$0x2] =	wrdreg s18  }
0xbe: {  	[dreg:$0x3] =	wrdreg s24  }
0xbf: {  	[dreg:$0x4] =	wrdreg $0xB  }
0xc0: {  	_ =	task.clear_ibuf [dreg:s22], $0x5FFFF;
	_ =	strace $0x90000049  }
0xc1: {  	s29 =	simm.s32 $0xB;
	_ =	strace $0x8000004B  }
0xc2: {  	_ =	swait.ge [sflag:s29], $0x1  }
0xc3: {  	[sflag:s29] =	ssyncadd.s32 $0xFFFFFFFF  }
0xc4: {  	_ =	strace $0x9000004B  }
0xc5: {  	_ =	sfence  }
0xc6: {  	s30 =	sld [smem:$0x0];
	_ =	sdelay $0x2  }
0xc7: {  	s31 =	sshll.u32 s1, $0xD;
	s1 =	sshrl.u32 s1, $0x2  }
0xc8: {  	s4 =	sand.u32 $0x4000, s31;
	s1 =	sadd.s32 s1, s30  }
0xc9: {  	s0 =	sor.u32 s4, s0;
	s1 =	sshll.u32 s1, $0x11  }
0xca: {  	s0 =	sor.u32 s1, s0  }
0xcb: {  	s0 =	sadd.s32 $0x8F2B, s0  }
0xcc: {  	[sflag:s0] =	ssyncadd.remote.s32 $0x1  }
0xcd: {  	_ =	sfence.sel $0xFFFF  }
0xce: {  	[dreg:$0x0] =	wrdreg $0xFFFFFFFF;
	(pc) =	sbr.abs _section_cstart, $3  }
0xcf: {  	[dreg:$0x1] =	wrdreg $0xFFFFFFFF  }
0xd0: {  	_ =	task.clear_ibuf [dreg:s22], $0x2FFFF;
	_ =	strace $0x9FFFFFFF  }
0xd1: {  	(tm) =	ssettm $0x7FFFFFFF  }
tec
execute0_lowered:
.L_overlay_start_1:
0x0: {  	(tag) =	ssettag $0x1  }
0x1: {  	s2 =	rddreg [dreg:$0x0]  }
0x2: {  	s4 =	rddreg [dreg:$0x1]  }
0x3: {  	s3 =	srdreg.scid;
	s0 =	rddreg [dreg:$0x2]  }
0x4: {  	s1 =	stileid.u32;
	s9 =	simm.s32 $0x2000;
	s10 =	simm.s32 $0x6000  }
0x5: {  	s11 =	simm.s32 $0x100;
	s12 =	simm.s32 $0xA000;
	s13 =	simm.s32 $0xE000  }
0x6: {  	s14 =	simm.s32 $0x1;
	s15 =	simm.s32 $0x5;
	s16 =	simm.s32 $0x2  }
0x7: {  	s17 =	simm.s32 $0x6;
	s18 =	simm.s32 $0x3;
	s19 =	simm.s32 $0x7  }
0x8: {  	s20 =	simm.s32 $0x4;
	s21 =	simm.s32 $0x8;
	s22 =	simm.s32 $0x0  }
0x9: {  	s5 =	sand.u32 $0x1, s3;
	s3 =	simm.s32 $0x0;
	s6 =	sshll.u32 s1, $0xE  }
0xa: {  	s29 =	sshll.u32 s1, $0x12;
	s7 =	sshll.u32 s5, $0xD;
	[smem:$0x7FF] =	sst s3  }
0xb: {  	s8 =	ssub.s32 $0x2, s5;
	s5 =	sshll.u32 s5, $0x11;
	s6 =	sor.u32 s7, s6  }
0xc: {  	_ =	strace $0x8000004A;
	s7 =	sadd.s32 s29, s4;
	s30 =	sshrl.u32 s8, $0x1  }
0xd: {  	s6 =	sshrl.u32 s6, $0x3;
	s8 =	ssub.s32 s8, s30;
	s31 =	sadd.s32 s5, s7  }
0xe: {  	s7 =	simm.s32 $0x9;
	s6 =	sadd.s32 s6, s4;
	s5 =	smax.u32 s8, $0x1  }
0xf: {  	s8 =	simm.s32 $0x80;
	s4 =	sadd.s32 $0x9800, s6;
	s6 =	sadd.s32 $0x41A800, s31  }
.LBB2_1:
0x10: {  	[tilespmem:s3], [sflag:$0x9] =	stream.linear.gather [hbm4b:s4+s3], $0x2000, $0x38;
	[tilespmem:$0x12000] =	vst v63  }
0x11: {  	_ =	swait.ge [sflag:s7], $0x2000  }
0x12: {  	[sflag:s7] =	ssyncset.done $0x0  }
0x13: {  	[sflag:s7] =	ssyncadd.s32 $0xFFFFE000  }
0x14: {  	[tilespmem:s9], [sflag:$0x1] =	stream.indirect.gather [hbm4b:s2+s8], $0x80, s3, s8, $0xb8;
	[tilespmem:$0x12000] =	vst v63  }
0x15: {  	p0 =	por $0x1, $0x1  }
0x16: {  	[tilespmem:s10], [sflag:$0x2] =	stream.indirect.gather [hbm4b:s2+s8], $0x80, s8, s8, $0xb8;
	[tilespmem:$0x12000] =	vst v63  }
0x17: {  	s23 =	simm.s32 @!p0 $0x8  }
0x18: {  	[tilespmem:s12], [sflag:$0x3] =	stream.indirect.gather [hbm4b:s2+s8], $0x80, s11, s8, $0xb8;
	[tilespmem:$0x12000] =	vst v63  }
0x19: {  	_ =	swait.ge @!p0 [sflag:s23], $0x4000  }
0x1a: {  	[sflag:s23] =	ssyncset.done @!p0 $0x0  }
0x1b: {  	s29 =	simm.s32 $0x180;
	[sflag:s23] =	ssyncadd.s32 @!p0 $0xFFFFC000  }
0x1c: {  	[tilespmem:s13], [sflag:$0x4] =	stream.indirect.gather [hbm4b:s2+s8], $0x80, s29, s8, $0xb8;
	[tilespmem:$0x12000] =	vst v63  }
0x1d: {  	_ =	swait.ge [sflag:s14], $0x4000  }
0x1e: {  	[sflag:s14] =	ssyncset.done $0x0  }
0x1f: {  	s30 =	sadd.s32 $0xFFFFF000, s6;
	[sflag:s14] =	ssyncadd.s32 $0xFFFFC000  }
0x20: {  	[hbm4b:s30+s3] =	stream.linear.scatter [tilespmem:s9], [sflag:$0x5], $0x4000, $0x38;
	[tilespmem:$0x12000] =	vst v63  }
0x21: {  	p0 =	por $0x0, $0x0;
	_ =	swait.ge [sflag:s15], $0x4000  }
0x22: {  	s23 =	simm.s32 @!p0 $0x2000;
	[sflag:s15] =	ssyncset.done $0x0  }
0x23: {  	s24 =	simm.s32 @!p0 $0x200;
	s25 =	simm.s32 @!p0 $0x80;
	[sflag:s15] =	ssyncadd.s32 $0xFFFFC000  }
0x24: {  	[tilespmem:s23], [sflag:$0x1] =	stream.indirect.gather @!p0 [hbm4b:s2+s25], $0x80, s24, s25, $0xb8;
	[tilespmem:$0x12000] =	vst v63  }
0x25: {  	_ =	swait.ge [sflag:s16], $0x4000  }
0x26: {  	[sflag:s16] =	ssyncset.done $0x0  }
0x27: {  	s31 =	sadd.s32 $0xFFFFF800, s6;
	[sflag:s16] =	ssyncadd.s32 $0xFFFFC000  }
0x28: {  	[hbm4b:s31+s3] =	stream.linear.scatter [tilespmem:s10], [sflag:$0x6], $0x4000, $0x38;
	[tilespmem:$0x12000] =	vst v63  }
0x29: {  	_ =	swait.ge [sflag:s17], $0x4000  }
0x2a: {  	[sflag:s17] =	ssyncset.done $0x0  }
0x2b: {  	s23 =	simm.s32 @!p0 $0x280;
	s24 =	simm.s32 @!p0 $0x6000;
	[sflag:s17] =	ssyncadd.s32 $0xFFFFC000  }
0x2c: {  	[tilespmem:s24], [sflag:$0x2] =	stream.indirect.gather @!p0 [hbm4b:s2+s25], $0x80, s23, s25, $0xb8;
	[tilespmem:$0x12000] =	vst v63  }
0x2d: {  	_ =	swait.ge [sflag:s18], $0x4000  }
0x2e: {  	[sflag:s18] =	ssyncset.done $0x0  }
0x2f: {  	[sflag:s18] =	ssyncadd.s32 $0xFFFFC000  }
0x30: {  	[hbm4b:s6+s3] =	stream.linear.scatter [tilespmem:s12], [sflag:$0x7], $0x4000, $0x38;
	[tilespmem:$0x12000] =	vst v63  }
0x31: {  	_ =	swait.ge [sflag:s19], $0x4000  }
0x32: {  	p1 =	por $0x0, $0x0;
	[sflag:s19] =	ssyncset.done $0x0  }
0x33: {  	s26 =	simm.s32 @!p0 $0xA000;
	s23 =	simm.s32 @!p0 $0x300;
	[sflag:s19] =	ssyncadd.s32 $0xFFFFC000  }
0x34: {  	[tilespmem:s26], [sflag:$0x3] =	stream.indirect.gather @!p0 [hbm4b:s2+s25], $0x80, s23, s25, $0xb8;
	[tilespmem:$0x12000] =	vst v63  }
0x35: {  	s28 =	sadd.s32 $0x800, s6;
	s24 =	simm.s32 $0x800;
	_ =	swait.ge [sflag:s20], $0x4000  }
0x36: {  	s25 =	simm.s32 $0x1000;
	s23 =	sadd.s32 $0x2000, s6;
	[sflag:s20] =	ssyncset.done $0x0  }
.LBB2_2:
0x37: {  	s29 =	simm.s32 @!p1 $0x8;
	[sflag:s20] =	ssyncadd.s32 $0xFFFFC000  }
0x38: {  	s30 =	smov.u32 s25;
	s25 =	sadd.s32 $0x800, s25;
	s26 =	smov.u32 s23  }
0x39: {  	[hbm4b:s28+s3] =	stream.linear.scatter [tilespmem:s13], [sflag:$0x8], $0x4000, $0x38;
	[tilespmem:$0x12000] =	vst v63  }
0x3a: {  	p0 =	sne.s32 s25, $0x8000;
	_ =	swait.ge @!p1 [sflag:s29], $0x4000  }
0x3b: {  	s28 =	sshra.s32 s24, $0x2;
	[sflag:s29] =	ssyncset.done @!p1 $0x0  }
0x3c: {  	s28 =	sadd.s32 $0x180, s28;
	[sflag:s29] =	ssyncadd.s32 @!p1 $0xFFFFC000  }
0x3d: {  	[tilespmem:s13], [sflag:$0x4] =	stream.indirect.gather [hbm4b:s2+s8], $0x80, s28, s8, $0xb8;
	[tilespmem:$0x12000] =	vst v63  }
0x3e: {  	_ =	swait.ge [sflag:s14], $0x4000  }
0x3f: {  	[sflag:s14] =	ssyncset.done $0x0  }
0x40: {  	s28 =	sadd.s32 $0xFFFFF000, s23;
	[sflag:s14] =	ssyncadd.s32 $0xFFFFC000  }
0x41: {  	[hbm4b:s28+s3] =	stream.linear.scatter [tilespmem:s9], [sflag:$0x5], $0x4000, $0x38;
	[tilespmem:$0x12000] =	vst v63  }
0x42: {  	p1 =	seq.s32 s24, $0x7800;
	_ =	swait.ge [sflag:s15], $0x4000  }
0x43: {  	s24 =	sshra.s32 @!p1 s24, $0x2;
	s28 =	simm.s32 @!p1 $0x2000;
	[sflag:s15] =	ssyncset.done $0x0  }
0x44: {  	s31 =	simm.s32 @!p1 $0x80;
	s29 =	sadd.s32 @!p1 $0x200, s24;
	[sflag:s15] =	ssyncadd.s32 $0xFFFFC000  }
0x45: {  	[tilespmem:s28], [sflag:$0x1] =	stream.indirect.gather @!p1 [hbm4b:s2+s31], $0x80, s29, s31, $0xb8;
	[tilespmem:$0x12000] =	vst v63  }
0x46: {  	s28 =	sadd.s32 @!p1 $0x280, s24;
	s29 =	sadd.s32 @!p1 $0x300, s24;
	_ =	swait.ge [sflag:s16], $0x4000  }
0x47: {  	s24 =	smov.u32 s30;
	[sflag:s16] =	ssyncset.done $0x0  }
0x48: {  	s30 =	sadd.s32 $0xFFFFF800, s23;
	[sflag:s16] =	ssyncadd.s32 $0xFFFFC000  }
0x49: {  	[hbm4b:s30+s3] =	stream.linear.scatter [tilespmem:s10], [sflag:$0x6], $0x4000, $0x38;
	[tilespmem:$0x12000] =	vst v63  }
0x4a: {  	_ =	swait.ge [sflag:s17], $0x4000  }
0x4b: {  	[sflag:s17] =	ssyncset.done $0x0  }
0x4c: {  	s30 =	simm.s32 @!p1 $0x6000;
	[sflag:s17] =	ssyncadd.s32 $0xFFFFC000  }
0x4d: {  	[tilespmem:s30], [sflag:$0x2] =	stream.indirect.gather @!p1 [hbm4b:s2+s31], $0x80, s28, s31, $0xb8;
	[tilespmem:$0x12000] =	vst v63  }
0x4e: {  	_ =	swait.ge [sflag:s18], $0x4000  }
0x4f: {  	[sflag:s18] =	ssyncset.done $0x0  }
0x50: {  	[sflag:s18] =	ssyncadd.s32 $0xFFFFC000  }
0x51: {  	[hbm4b:s23+s3] =	stream.linear.scatter [tilespmem:s12], [sflag:$0x7], $0x4000, $0x38;
	[tilespmem:$0x12000] =	vst v63  }
0x52: {  	_ =	swait.ge [sflag:s19], $0x4000  }
.Ltmp0:
0x53: {  	[sflag:s19] =	ssyncset.done $0x0;
	(pc) =	sbr.rel @p0 .LBB2_2-.Ltmp0, $4  }
0x54: {  	s28 =	simm.s32 @!p1 $0xA000;
	[sflag:s19] =	ssyncadd.s32 $0xFFFFC000  }
0x55: {  	[tilespmem:s28], [sflag:$0x3] =	stream.indirect.gather @!p1 [hbm4b:s2+s31], $0x80, s29, s31, $0xb8;
	[tilespmem:$0x12000] =	vst v63  }
0x56: {  	s23 =	sadd.s32 $0x2000, s23;
	_ =	swait.ge [sflag:s20], $0x4000  }
0x57: {  	p1 =	seq.s32 s24, $0x0;
	s28 =	sadd.s32 $0x800, s26;
	[sflag:s20] =	ssyncset.done $0x0  }
0x58: {  	s25 =	simm.s32 @!p1 $0x8;
	[sflag:s20] =	ssyncadd.s32 $0xFFFFC000  }
0x59: {  	[hbm4b:s28+s3] =	stream.linear.scatter [tilespmem:s13], [sflag:$0x8], $0x4000, $0x38;
	[tilespmem:$0x12000] =	vst v63  }
0x5a: {  	_ =	swait.ge @!p1 [sflag:s25], $0x4000  }
0x5b: {  	s26 =	sshra.s32 s24, $0x2;
	[sflag:s25] =	ssyncset.done @!p1 $0x0  }
0x5c: {  	s28 =	sadd.s32 $0x180, s26;
	[sflag:s25] =	ssyncadd.s32 @!p1 $0xFFFFC000  }
0x5d: {  	[tilespmem:s13], [sflag:$0x4] =	stream.indirect.gather [hbm4b:s2+s8], $0x80, s28, s8, $0xb8;
	[tilespmem:$0x12000] =	vst v63  }
0x5e: {  	_ =	swait.ge [sflag:s14], $0x4000  }
0x5f: {  	[sflag:s14] =	ssyncset.done $0x0  }
0x60: {  	s29 =	sadd.s32 $0xFFFFF000, s23;
	p0 =	seq.s32 s24, $0x7800;
	[sflag:s14] =	ssyncadd.s32 $0xFFFFC000  }
0x61: {  	[hbm4b:s29+s3] =	stream.linear.scatter [tilespmem:s9], [sflag:$0x5], $0x4000, $0x38;
	[tilespmem:$0x12000] =	vst v63  }
0x62: {  	s24 =	sshra.s32 @!p0 s24, $0x2;
	_ =	swait.ge [sflag:s15], $0x4000  }
0x63: {  	s26 =	sadd.s32 @!p0 $0x200, s24;
	[sflag:s15] =	ssyncset.done $0x0  }
0x64: {  	s25 =	simm.s32 @!p0 $0x2000;
	s28 =	simm.s32 @!p0 $0x80;
	[sflag:s15] =	ssyncadd.s32 $0xFFFFC000  }
0x65: {  	[tilespmem:s25], [sflag:$0x1] =	stream.indirect.gather @!p0 [hbm4b:s2+s28], $0x80, s26, s28, $0xb8;
	[tilespmem:$0x12000] =	vst v63  }
0x66: {  	_ =	swait.ge [sflag:s16], $0x4000  }
0x67: {  	[sflag:s16] =	ssyncset.done $0x0  }
0x68: {  	s30 =	sadd.s32 $0xFFFFF800, s23;
	[sflag:s16] =	ssyncadd.s32 $0xFFFFC000  }
0x69: {  	[hbm4b:s30+s3] =	stream.linear.scatter [tilespmem:s10], [sflag:$0x6], $0x4000, $0x38;
	[tilespmem:$0x12000] =	vst v63  }
0x6a: {  	_ =	swait.ge [sflag:s17], $0x4000  }
0x6b: {  	[sflag:s17] =	ssyncset.done $0x0  }
0x6c: {  	s25 =	sadd.s32 @!p0 $0x280, s24;
	s26 =	simm.s32 @!p0 $0x6000;
	[sflag:s17] =	ssyncadd.s32 $0xFFFFC000  }
0x6d: {  	[tilespmem:s26], [sflag:$0x2] =	stream.indirect.gather @!p0 [hbm4b:s2+s28], $0x80, s25, s28, $0xb8;
	[tilespmem:$0x12000] =	vst v63  }
0x6e: {  	_ =	swait.ge [sflag:s18], $0x4000  }
0x6f: {  	[sflag:s18] =	ssyncset.done $0x0  }
0x70: {  	[sflag:s18] =	ssyncadd.s32 $0xFFFFC000  }
0x71: {  	[hbm4b:s23+s3] =	stream.linear.scatter [tilespmem:s12], [sflag:$0x7], $0x4000, $0x38;
	[tilespmem:$0x12000] =	vst v63  }
0x72: {  	_ =	swait.ge [sflag:s19], $0x4000  }
0x73: {  	[sflag:s19] =	ssyncset.done $0x0  }
0x74: {  	s24 =	sadd.s32 @!p0 $0x300, s24;
	s25 =	simm.s32 @!p0 $0xA000;
	[sflag:s19] =	ssyncadd.s32 $0xFFFFC000  }
0x75: {  	[tilespmem:s25], [sflag:$0x3] =	stream.indirect.gather @!p0 [hbm4b:s2+s28], $0x80, s24, s28, $0xb8;
	[tilespmem:$0x12000] =	vst v63  }
0x76: {  	s22 =	sadd.s32 $0x1, s22;
	_ =	swait.ge [sflag:s20], $0x4000  }
0x77: {  	p0 =	sne.s32 s22, s5;
	[sflag:s20] =	ssyncset.done $0x0  }
.Ltmp1:
0x78: {  	s31 =	sadd.s32 $0x800, s23;
	[sflag:s20] =	ssyncadd.s32 $0xFFFFC000;
	(pc) =	sbr.rel @p0 .LBB2_1-.Ltmp1, $4  }
0x79: {  	[hbm4b:s31+s3] =	stream.linear.scatter [tilespmem:s13], [sflag:$0x8], $0x4000, $0x38;
	[tilespmem:$0x12000] =	vst v63  }
0x7a: {  	_ =	swait.ge [sflag:s21], $0x4000  }
0x7b: {  	[sflag:s21] =	ssyncset.done $0x0  }
0x7c: {  	[sflag:s21] =	ssyncadd.s32 $0xFFFFC000  }
0x7d: {  	_ =	sfence.sel $0x180000  }
0x7e: {  	[bflag:$0x0] =	sbarrier.arrive $0xFFFF  }
0x7f: {  	p0 =	sne.s32 s1, $0x0;
	_ =	strace $0x9000004A  }
0x80: {  	s0 =	sadd.s32 @!p0 $0x100000, s0;
	[bflag:$0x2] =	sbarrier.arrive $0xFFFF  }
0x81: {  	[sflag:s0] =	ssyncadd.tile.s32 @!p0 $0x1;
	_ =	shalt  }
.Lfunc_end2:
_tile_overlayer_lowered:
.L_overlay_start_2:
0x82: {  	(tag) =	ssettag $0x2  }
0x83: {  	s0 =	rddreg [dreg:$0x0];
	s2 =	stileid.u32  }
0x84: {  	s1 =	rddreg [dreg:$0x1];
	p0 =	sne.s32 s2, $0x0  }
0x85: {  	s3 =	rddreg [dreg:$0x2];
	[bflag:$0x3] =	sbarrier.arrive $0xFFFF;
	s2 =	simm.s32 @!p0 $0x1C09  }
0x86: {  	[timem:s3], [sflag:s2] =	dma.local @!p0 [hbm:s0], s1  }
0x87: {  	s0 =	simm.s32 @!p0 $0x9  }
0x88: {  	_ =	swait.ge @!p0 [sflag:s0], s1  }
0x89: {  	s1 =	ssub.s32 @!p0 $0x0, s1;
	[sflag:s0] =	ssyncset.done @!p0 $0x0  }
0x8a: {  	[sflag:s0] =	ssyncadd.s32 @!p0 s1  }
0x8b: {  	[bflag:$0x3] =	sbarrier.arrive $0xFFFF  }
0x8c: {  	_ =	shalt  }

// kernel: kernel.21.cloned.1.call-start
scs
__scs_entry_jumppad:
0x0: {  	(pc) =	sbr.rel $0x88, $3  }
0x1: {  	(tag) =	ssettag $0x0;
	lr =	simm.s32 $0x1  }
0x2: {  	[smem:$0x3F9D] =	sst lr;
	_ =	strace $0xD0000000  }
0x3: {  	_ = 	snop  }
0x4: {  	_ = 	snop  }
0x5: {  	_ = 	snop  }
0x6: {  	_ = 	snop  }
0x7: {  	_ = 	snop  }
__scs_overlays_trampoline_lowered:
0x8: {  	[smem:$0x3FAC] =	sst s0  }
0x9: {  	[smem:$0x3FAD] =	sst s1  }
0xa: {  	[smem:$0x3FAE] =	sst s2  }
0xb: {  	[smem:$0x3FAF] =	sst s3  }
0xc: {  	[smem:$0x3FB0] =	sst s4  }
0xd: {  	[smem:$0x3FB1] =	sst s5  }
0xe: {  	[smem:$0x3FB2] =	sst s6  }
0xf: {  	[smem:$0x3FB3] =	sst s7  }
0x10: {  	[smem:$0x3FB4] =	sst s8  }
0x11: {  	[smem:$0x3FB5] =	sst s9;
	s0 =	simm.s32 @!p0 $0x0  }
0x12: {  	s1 =	sld [smem:$0x3F9B];
	s0 =	simm.s32 @p0 $0x1  }
0x13: {  	[smem:$0x3FB6] =	sst s0;
	s0 =	simm.s32 @!p1 $0x0  }
0x14: {  	s2 =	sld [smem:$0x3F9A];
	s0 =	simm.s32 @p1 $0x1  }
0x15: {  	[smem:$0x3FB7] =	sst s0;
	s0 =	simm.s32 @!p2 $0x0  }
0x16: {  	s3 =	sld [smem:$0x3FDB];
	s0 =	simm.s32 @p2 $0x1  }
0x17: {  	s4 =	simm.s32 $0x1BF5;
	[smem:$0x3FB9] =	sst s0  }
0x18: {  	s0 =	sld [smem:$0x3F9C];
	_ =	swait.ge [sflag:s4], $0x0  }
0x19: {  	s7 =	sld [smem:$0x3F9D]  }
0x1a: {  	s8 =	sadd.s32 $0xFFFFE003, lr  }
0x1b: {  	s9 =	sadd.s32 $0xFFFFFEF7, lr;
	s5 =	simm.s32 $0xFFFFFFFF;
	p2 =	slt.u32 s8, $0xFFFFF086  }
0x1c: {  	p1 =	slt.u32 s9, $0xF7A;
	s5 =	simm.s32 @!p2 $0x0  }
0x1d: {  	s5 =	simm.s32 @p1 $0x1;
	p0 =	seq.s32 s7, s2  }
0x1e: {  	s7 =	smul.u32 @!p0 $0xF7A, s2;
	p2 =	seq.s32 @!p0 s5, $0x0  }
0x1f: {  	s9 =	smul.u32 $0xF7A, s1;
	s8 =	simm.s32 @!p0 $0x1BF5;
	p2 =	por !p2, p0  }
0x20: {  	[sflag:s8] =	ssyncset.s32 @!p0 $0xFFFFF086;
	s6 =	sadd.s32 @!p0 s3, s7;
	s7 =	simm.s32 @!p0 $0x108  }
0x21: {  	s3 =	sadd.s32 s3, s9;
	s6 =	sadd.s32 @!p0 $0x88, s6;
	s7 =	simm.s32 @p2 $0x1082  }
0x22: {  	[simem:s7], [sflag:s8] =	dma.local @!p0 [hbm:s6], $0xF7A  }
0x23: {  	s9 =	sor.u32 $0xD0000000, s2;
	s6 =	simm.s32 $0x108;
	_ =	swait.ge @!p0 [sflag:s8], $0x0  }
0x24: {  	s3 =	sadd.s32 $0x88, s3;
	s6 =	simm.s32 @!p1 $0x1082;
	[sflag:s4] =	ssyncset.s32 $0xFFFFF086  }
0x25: {  	[simem:s6], [sflag:s4] =	dma.local [hbm:s3], $0xF7A  }
0x26: {  	[smem:$0x3F9D] =	sst s1;
	(tag) =	ssettag s2;
	_ =	strace s9  }
0x27: {  	s1 =	sld [smem:$0x3FAD]  }
0x28: {  	s2 =	sld [smem:$0x3FAE]  }
0x29: {  	s4 =	sld [smem:$0x3FB0]  }
0x2a: {  	p0 =	seq.s32 s5, $0x0;
	s5 =	sld [smem:$0x3FB1]  }
0x2b: {  	s6 =	sld [smem:$0x3FB2]  }
0x2c: {  	s7 =	sld [smem:$0x3FB3]  }
0x2d: {  	s3 =	simm.s32 $0x108;
	s8 =	sld [smem:$0x3FB4]  }
0x2e: {  	s3 =	simm.s32 @!p0 $0x1082;
	s9 =	sld [smem:$0x3FB5]  }
0x2f: {  	lr =	sadd.s32 s0, s3;
	s0 =	sld [smem:$0x3FAC]  }
0x30: {  	s3 =	sld [smem:$0x3FAF]  }
0x31: {  	[smem:$0x3FB8] =	sst s10  }
0x32: {  	s10 =	sld [smem:$0x3FB6];
	_ =	sdelay $0x3  }
0x33: {  	p0 =	seq.s32 s10, $0x1;
	s10 =	sld [smem:$0x3FB8];
	_ =	sdelay $0x3  }
0x34: {  	[smem:$0x3FB8] =	sst s10  }
0x35: {  	s10 =	sld [smem:$0x3FB7];
	_ =	sdelay $0x3  }
0x36: {  	p1 =	seq.s32 s10, $0x1;
	s10 =	sld [smem:$0x3FB8];
	_ =	sdelay $0x3  }
0x37: {  	[smem:$0x3FB8] =	sst s10  }
0x38: {  	s10 =	sld [smem:$0x3FB9]  }
0x39: {  	_ = 	snop;
	(pc) =	sbr.ind lr, $3  }
0x3a: {  	_ = 	snop  }
0x3b: {  	_ = 	snop  }
0x3c: {  	p2 =	seq.s32 s10, $0x1;
	s10 =	sld [smem:$0x3FB8]  }
0x3d: {  	_ =	shalt  }
0x3e: {  	_ =	shalt  }
0x3f: {  	_ =	shalt  }
0x40: {  	_ =	shalt  }
0x41: {  	_ =	shalt  }
0x42: {  	_ =	shalt  }
0x43: {  	_ =	shalt  }
0x44: {  	_ =	shalt  }
0x45: {  	_ =	shalt  }
0x46: {  	_ =	shalt  }
0x47: {  	_ =	shalt  }
0x48: {  	_ =	shalt  }
0x49: {  	_ =	shalt  }
0x4a: {  	_ =	shalt  }
0x4b: {  	_ =	shalt  }
0x4c: {  	_ =	shalt  }
0x4d: {  	_ =	shalt  }
0x4e: {  	_ =	shalt  }
0x4f: {  	_ =	shalt  }
0x50: {  	_ =	shalt  }
0x51: {  	_ =	shalt  }
0x52: {  	_ =	shalt  }
0x53: {  	_ =	shalt  }
0x54: {  	_ =	shalt  }
0x55: {  	_ =	shalt  }
0x56: {  	_ =	shalt  }
0x57: {  	_ =	shalt  }
0x58: {  	_ =	shalt  }
0x59: {  	_ =	shalt  }
0x5a: {  	_ =	shalt  }
0x5b: {  	_ =	shalt  }
0x5c: {  	_ =	shalt  }
0x5d: {  	_ =	shalt  }
0x5e: {  	_ =	shalt  }
0x5f: {  	_ =	shalt  }
0x60: {  	_ =	shalt  }
0x61: {  	_ =	shalt  }
0x62: {  	_ =	shalt  }
0x63: {  	_ =	shalt  }
0x64: {  	_ =	shalt  }
0x65: {  	_ =	shalt  }
0x66: {  	_ =	shalt  }
0x67: {  	_ =	shalt  }
0x68: {  	_ =	shalt  }
0x69: {  	_ =	shalt  }
0x6a: {  	_ =	shalt  }
0x6b: {  	_ =	shalt  }
0x6c: {  	_ =	shalt  }
0x6d: {  	_ =	shalt  }
0x6e: {  	_ =	shalt  }
0x6f: {  	_ =	shalt  }
0x70: {  	_ =	shalt  }
0x71: {  	_ =	shalt  }
0x72: {  	_ =	shalt  }
0x73: {  	_ =	shalt  }
0x74: {  	_ =	shalt  }
0x75: {  	_ =	shalt  }
0x76: {  	_ =	shalt  }
0x77: {  	_ =	shalt  }
0x78: {  	_ =	shalt  }
0x79: {  	_ =	shalt  }
0x7a: {  	_ =	shalt  }
0x7b: {  	_ =	shalt  }
0x7c: {  	_ =	shalt  }
0x7d: {  	_ =	shalt  }
0x7e: {  	_ =	shalt  }
0x7f: {  	_ =	shalt  }
0x80: {  	_ =	shalt  }
0x81: {  	_ =	shalt  }
0x82: {  	_ =	shalt  }
0x83: {  	_ =	shalt  }
0x84: {  	_ =	shalt  }
0x85: {  	_ =	shalt  }
0x86: {  	_ =	shalt  }
0x87: {  	_ =	shalt  }
.Lfunc_end0:
.L_simem_size_0:
called_computation.3_lowered:
.L_overlay_start_0:
0x88: {  	s2 =	sld [smem:$0x3FD9]  }
0x89: {  	s3 =	sld [smem:$0x3FFE];
	_ =	sdelay $0x1  }
0x8a: {  	s1 =	srdreg.scid  }
0x8b: {  	s0 =	sand.u32 $0x1, s1  }
0x8c: {  	s17 =	sshll.u32 s0, $0xA;
	s2 =	sadd.s32 s3, s2  }
0x8d: {  	s2 =	sadd.s32 s2, s17  }
0x8e: {  	[smem:$0x3FC4] =	sst s2  }
0x8f: {  	_ = 	snop  }
0x90: {  	s18 =	sld [smem:$0x3FC8];
	(tm) =	ssettm $0x1  }
0x91: {  	s19 =	sld [smem:$0x3FFB];
	_ =	sdelay $0x3  }
0x92: {  	_ =	strace s19  }
0x93: {  	s2 =	sld [smem:$0x3FFC];
	_ =	sdelay $0x3  }
0x94: {  	_ =	strace s2  }
0x95: {  	s2 =	sld [smem:$0x3FFD];
	_ =	sdelay $0x3  }
0x96: {  	_ =	strace s2  }
0x97: {  	_ =	strace $0x8FFFFFFF  }
0x98: {  	s20 =	sld [smem:$0x3FDB];
	_ =	sdelay $0x1  }
0x99: {  	s4 =	simm.s32 $_scs_section_size  }
0x9a: {  	s5 =	simm.s32 $_size__tile_overlayer_lowered;
	s6 =	simm.s32 $_tile_overlayer_lowered  }
0x9b: {  	s7 =	simm.s32 $0x1BFF;
	s21 =	sshll.u32 s6, $0x1;
	s4 =	sadd.s32 s4, s20  }
0x9c: {  	s22 =	simm.s32 $0x0;
	s5 =	sshll.u32 s5, $0x1;
	s6 =	sadd.s32 s21, s4  }
0x9d: {  	[timem:s22], [sflag:s7] =	dma.local [hbm:s6], s5  }
0x9e: {  	_ =	swait.ge [sflag:s7], s5  }
0x9f: {  	s5 =	ssub.s32 $0x0, s5;
	[sflag:s7] =	ssyncset.done $0x0  }
0xa0: {  	[sflag:s7] =	ssyncadd.s32 s5;
	_ =	sdelay $0x1  }
0xa1: {  	s23 =	simm.s32 $0x1B8B  }
0xa2: {  	_ =	swait.ge [sflag:s23], $0x1  }
0xa3: {  	[sflag:s23] =	ssyncset.done $0x0  }
0xa4: {  	[sflag:s23] =	ssyncadd.s32 $0xFFFFFFFF  }
0xa5: {  	s5 =	sld [smem:$0x0]  }
0xa6: {  	s6 =	sand.u32 $0xFFFFFFFE, s1  }
0xa7: {  	p0 =	sne.s32 s1, s6  }
0xa8: {  	s6 =	sshll.u32 @p0 s6, $0xE  }
0xa9: {  	s6 =	sadd.s32 @p0 $0x11B8D, s6;
	s7 =	sshll.u32 @p0 s5, $0x11  }
0xaa: {  	s6 =	sor.u32 @p0 s7, s6  }
0xab: {  	[sflag:s6] =	ssyncadd.remote.s32 @p0 $0x1;
	_ =	sdelay $0x1  }
0xac: {  	s6 =	simm.s32 @p0 $0x1B8D  }
0xad: {  	_ =	swait.eq @p0 [sflag:s6], $0x1  }
0xae: {  	[sflag:s6] =	ssyncadd.s32 @p0 $0xFFFFFFFF  }
0xaf: {  	s7 =	sshll.u32 @!p0 s1, $0xE  }
0xb0: {  	s7 =	sor.u32 @!p0 $0x4000, s7;
	s6 =	simm.s32 @!p0 $0x1B8D  }
0xb1: {  	s5 =	sshll.u32 @!p0 s5, $0x11;
	s7 =	sadd.s32 @!p0 $0x11B8D, s7;
	_ =	swait.eq @!p0 [sflag:s6], $0x1  }
0xb2: {  	s5 =	sor.u32 @!p0 s5, s7;
	[sflag:s6] =	ssyncadd.s32 @!p0 $0xFFFFFFFF  }
0xb3: {  	s25 =	simm.s32 $0x1B8E;
	s24 =	sld [smem:$0x3FFE];
	[sflag:s5] =	ssyncadd.remote.s32 @!p0 $0x1  }
0xb4: {  	s26 =	simm.s32 $execute0_lowered;
	[smem:$0x3FD2] =	sst s25  }
0xb5: {  	s6 =	sshll.u32 s26, $0x1;
	_ =	strace $0x8000004C;
	[dreg:$0x1] =	wrdreg $0xFFFFFFFF  }
0xb6: {  	s28 =	simm.s32 $_size_execute0_lowered;
	s4 =	sadd.s32 s4, s6;
	[dreg:$0x0] =	wrdreg $0x0  }
0xb7: {  	s6 =	sshll.u32 s28, $0x1;
	[dreg:$0x2] =	wrdreg s4  }
0xb8: {  	[dreg:$0x3] =	wrdreg s6  }
0xb9: {  	[dreg:$0x4] =	wrdreg $0xC0  }
0xba: {  	_ =	task [dreg:s22], $0x5FFFF  }
0xbb: {  	[dreg:$0x1] =	wrdreg $0xFFFFFFFF  }
0xbc: {  	[dreg:$0x0] =	wrdreg $0x60  }
0xbd: {  	[dreg:$0x2] =	wrdreg s18  }
0xbe: {  	[dreg:$0x3] =	wrdreg s24  }
0xbf: {  	[dreg:$0x4] =	wrdreg $0xC  }
0xc0: {  	_ =	task.clear_ibuf [dreg:s22], $0x5FFFF;
	_ =	strace $0x9000004C  }
0xc1: {  	s29 =	simm.s32 $0xC;
	_ =	strace $0x8000004E  }
0xc2: {  	_ =	swait.ge [sflag:s29], $0x1  }
0xc3: {  	[sflag:s29] =	ssyncadd.s32 $0xFFFFFFFF  }
0xc4: {  	_ =	strace $0x9000004E  }
0xc5: {  	_ =	sfence  }
0xc6: {  	s30 =	sld [smem:$0x0];
	_ =	sdelay $0x2  }
0xc7: {  	s31 =	sshll.u32 s1, $0xD;
	s1 =	sshrl.u32 s1, $0x2  }
0xc8: {  	s4 =	sand.u32 $0x4000, s31;
	s1 =	sadd.s32 s1, s30  }
0xc9: {  	s0 =	sor.u32 s4, s0;
	s1 =	sshll.u32 s1, $0x11  }
0xca: {  	s0 =	sor.u32 s1, s0  }
0xcb: {  	s0 =	sadd.s32 $0x8F2B, s0  }
0xcc: {  	[sflag:s0] =	ssyncadd.remote.s32 $0x1  }
0xcd: {  	_ =	sfence.sel $0xFFFF  }
0xce: {  	[dreg:$0x0] =	wrdreg $0xFFFFFFFF;
	(pc) =	sbr.abs _section_cstart, $3  }
0xcf: {  	[dreg:$0x1] =	wrdreg $0xFFFFFFFF  }
0xd0: {  	_ =	task.clear_ibuf [dreg:s22], $0x2FFFF;
	_ =	strace $0x9FFFFFFF  }
0xd1: {  	(tm) =	ssettm $0x7FFFFFFF  }
tec
execute0_lowered:
.L_overlay_start_1:
0x0: {  	(tag) =	ssettag $0x1  }
0x1: {  	s2 =	rddreg [dreg:$0x0]  }
0x2: {  	s4 =	rddreg [dreg:$0x1]  }
0x3: {  	s3 =	srdreg.scid;
	s0 =	rddreg [dreg:$0x2]  }
0x4: {  	s1 =	stileid.u32;
	s9 =	simm.s32 $0x2000;
	s10 =	simm.s32 $0x6000  }
0x5: {  	s11 =	simm.s32 $0x100;
	s12 =	simm.s32 $0xA000;
	s13 =	simm.s32 $0xE000  }
0x6: {  	s14 =	simm.s32 $0x1;
	s15 =	simm.s32 $0x5;
	s16 =	simm.s32 $0x2  }
0x7: {  	s17 =	simm.s32 $0x6;
	s18 =	simm.s32 $0x3;
	s19 =	simm.s32 $0x7  }
0x8: {  	s20 =	simm.s32 $0x4;
	s21 =	simm.s32 $0x8;
	s22 =	simm.s32 $0x0  }
0x9: {  	s5 =	sand.u32 $0x1, s3;
	s3 =	simm.s32 $0x0;
	s6 =	sshll.u32 s1, $0xE  }
0xa: {  	s29 =	sshll.u32 s1, $0x12;
	s7 =	sshll.u32 s5, $0xD;
	[smem:$0x7FF] =	sst s3  }
0xb: {  	s8 =	ssub.s32 $0x2, s5;
	s5 =	sshll.u32 s5, $0x11;
	s6 =	sor.u32 s7, s6  }
0xc: {  	_ =	strace $0x8000004D;
	s7 =	sadd.s32 s29, s4;
	s30 =	sshrl.u32 s8, $0x1  }
0xd: {  	s6 =	sshrl.u32 s6, $0x3;
	s8 =	ssub.s32 s8, s30;
	s31 =	sadd.s32 s5, s7  }
0xe: {  	s7 =	simm.s32 $0x9;
	s6 =	sadd.s32 s6, s4;
	s5 =	smax.u32 s8, $0x1  }
0xf: {  	s8 =	simm.s32 $0x80;
	s4 =	sadd.s32 $0x11800, s6;
	s6 =	sadd.s32 $0x81A800, s31  }
.LBB2_1:
0x10: {  	[tilespmem:s3], [sflag:$0x9] =	stream.linear.gather [hbm4b:s4+s3], $0x2000, $0x38;
	[tilespmem:$0x12000] =	vst v63  }
0x11: {  	_ =	swait.ge [sflag:s7], $0x2000  }
0x12: {  	[sflag:s7] =	ssyncset.done $0x0  }
0x13: {  	[sflag:s7] =	ssyncadd.s32 $0xFFFFE000  }
0x14: {  	[tilespmem:s9], [sflag:$0x1] =	stream.indirect.gather [hbm4b:s2+s8], $0x80, s3, s8, $0xb8;
	[tilespmem:$0x12000] =	vst v63  }
0x15: {  	p0 =	por $0x1, $0x1  }
0x16: {  	[tilespmem:s10], [sflag:$0x2] =	stream.indirect.gather [hbm4b:s2+s8], $0x80, s8, s8, $0xb8;
	[tilespmem:$0x12000] =	vst v63  }
0x17: {  	s23 =	simm.s32 @!p0 $0x8  }
0x18: {  	[tilespmem:s12], [sflag:$0x3] =	stream.indirect.gather [hbm4b:s2+s8], $0x80, s11, s8, $0xb8;
	[tilespmem:$0x12000] =	vst v63  }
0x19: {  	_ =	swait.ge @!p0 [sflag:s23], $0x4000  }
0x1a: {  	[sflag:s23] =	ssyncset.done @!p0 $0x0  }
0x1b: {  	s29 =	simm.s32 $0x180;
	[sflag:s23] =	ssyncadd.s32 @!p0 $0xFFFFC000  }
0x1c: {  	[tilespmem:s13], [sflag:$0x4] =	stream.indirect.gather [hbm4b:s2+s8], $0x80, s29, s8, $0xb8;
	[tilespmem:$0x12000] =	vst v63  }
0x1d: {  	_ =	swait.ge [sflag:s14], $0x4000  }
0x1e: {  	[sflag:s14] =	ssyncset.done $0x0  }
0x1f: {  	s30 =	sadd.s32 $0xFFFFF000, s6;
	[sflag:s14] =	ssyncadd.s32 $0xFFFFC000  }
0x20: {  	[hbm4b:s30+s3] =	stream.linear.scatter [tilespmem:s9], [sflag:$0x5], $0x4000, $0x38;
	[tilespmem:$0x12000] =	vst v63  }
0x21: {  	p0 =	por $0x0, $0x0;
	_ =	swait.ge [sflag:s15], $0x4000  }
0x22: {  	s23 =	simm.s32 @!p0 $0x2000;
	[sflag:s15] =	ssyncset.done $0x0  }
0x23: {  	s24 =	simm.s32 @!p0 $0x200;
	s25 =	simm.s32 @!p0 $0x80;
	[sflag:s15] =	ssyncadd.s32 $0xFFFFC000  }
0x24: {  	[tilespmem:s23], [sflag:$0x1] =	stream.indirect.gather @!p0 [hbm4b:s2+s25], $0x80, s24, s25, $0xb8;
	[tilespmem:$0x12000] =	vst v63  }
0x25: {  	_ =	swait.ge [sflag:s16], $0x4000  }
0x26: {  	[sflag:s16] =	ssyncset.done $0x0  }
0x27: {  	s31 =	sadd.s32 $0xFFFFF800, s6;
	[sflag:s16] =	ssyncadd.s32 $0xFFFFC000  }
0x28: {  	[hbm4b:s31+s3] =	stream.linear.scatter [tilespmem:s10], [sflag:$0x6], $0x4000, $0x38;
	[tilespmem:$0x12000] =	vst v63  }
0x29: {  	_ =	swait.ge [sflag:s17], $0x4000  }
0x2a: {  	[sflag:s17] =	ssyncset.done $0x0  }
0x2b: {  	s23 =	simm.s32 @!p0 $0x280;
	s24 =	simm.s32 @!p0 $0x6000;
	[sflag:s17] =	ssyncadd.s32 $0xFFFFC000  }
0x2c: {  	[tilespmem:s24], [sflag:$0x2] =	stream.indirect.gather @!p0 [hbm4b:s2+s25], $0x80, s23, s25, $0xb8;
	[tilespmem:$0x12000] =	vst v63  }
0x2d: {  	_ =	swait.ge [sflag:s18], $0x4000  }
0x2e: {  	[sflag:s18] =	ssyncset.done $0x0  }
0x2f: {  	[sflag:s18] =	ssyncadd.s32 $0xFFFFC000  }
0x30: {  	[hbm4b:s6+s3] =	stream.linear.scatter [tilespmem:s12], [sflag:$0x7], $0x4000, $0x38;
	[tilespmem:$0x12000] =	vst v63  }
0x31: {  	_ =	swait.ge [sflag:s19], $0x4000  }
0x32: {  	p1 =	por $0x0, $0x0;
	[sflag:s19] =	ssyncset.done $0x0  }
0x33: {  	s26 =	simm.s32 @!p0 $0xA000;
	s23 =	simm.s32 @!p0 $0x300;
	[sflag:s19] =	ssyncadd.s32 $0xFFFFC000  }
0x34: {  	[tilespmem:s26], [sflag:$0x3] =	stream.indirect.gather @!p0 [hbm4b:s2+s25], $0x80, s23, s25, $0xb8;
	[tilespmem:$0x12000] =	vst v63  }
0x35: {  	s28 =	sadd.s32 $0x800, s6;
	s24 =	simm.s32 $0x800;
	_ =	swait.ge [sflag:s20], $0x4000  }
0x36: {  	s25 =	simm.s32 $0x1000;
	s23 =	sadd.s32 $0x2000, s6;
	[sflag:s20] =	ssyncset.done $0x0  }
.LBB2_2:
0x37: {  	s29 =	simm.s32 @!p1 $0x8;
	[sflag:s20] =	ssyncadd.s32 $0xFFFFC000  }
0x38: {  	s30 =	smov.u32 s25;
	s25 =	sadd.s32 $0x800, s25;
	s26 =	smov.u32 s23  }
0x39: {  	[hbm4b:s28+s3] =	stream.linear.scatter [tilespmem:s13], [sflag:$0x8], $0x4000, $0x38;
	[tilespmem:$0x12000] =	vst v63  }
0x3a: {  	p0 =	sne.s32 s25, $0x8000;
	_ =	swait.ge @!p1 [sflag:s29], $0x4000  }
0x3b: {  	s28 =	sshra.s32 s24, $0x2;
	[sflag:s29] =	ssyncset.done @!p1 $0x0  }
0x3c: {  	s28 =	sadd.s32 $0x180, s28;
	[sflag:s29] =	ssyncadd.s32 @!p1 $0xFFFFC000  }
0x3d: {  	[tilespmem:s13], [sflag:$0x4] =	stream.indirect.gather [hbm4b:s2+s8], $0x80, s28, s8, $0xb8;
	[tilespmem:$0x12000] =	vst v63  }
0x3e: {  	_ =	swait.ge [sflag:s14], $0x4000  }
0x3f: {  	[sflag:s14] =	ssyncset.done $0x0  }
0x40: {  	s28 =	sadd.s32 $0xFFFFF000, s23;
	[sflag:s14] =	ssyncadd.s32 $0xFFFFC000  }
0x41: {  	[hbm4b:s28+s3] =	stream.linear.scatter [tilespmem:s9], [sflag:$0x5], $0x4000, $0x38;
	[tilespmem:$0x12000] =	vst v63  }
0x42: {  	p1 =	seq.s32 s24, $0x7800;
	_ =	swait.ge [sflag:s15], $0x4000  }
0x43: {  	s24 =	sshra.s32 @!p1 s24, $0x2;
	s28 =	simm.s32 @!p1 $0x2000;
	[sflag:s15] =	ssyncset.done $0x0  }
0x44: {  	s31 =	simm.s32 @!p1 $0x80;
	s29 =	sadd.s32 @!p1 $0x200, s24;
	[sflag:s15] =	ssyncadd.s32 $0xFFFFC000  }
0x45: {  	[tilespmem:s28], [sflag:$0x1] =	stream.indirect.gather @!p1 [hbm4b:s2+s31], $0x80, s29, s31, $0xb8;
	[tilespmem:$0x12000] =	vst v63  }
0x46: {  	s28 =	sadd.s32 @!p1 $0x280, s24;
	s29 =	sadd.s32 @!p1 $0x300, s24;
	_ =	swait.ge [sflag:s16], $0x4000  }
0x47: {  	s24 =	smov.u32 s30;
	[sflag:s16] =	ssyncset.done $0x0  }
0x48: {  	s30 =	sadd.s32 $0xFFFFF800, s23;
	[sflag:s16] =	ssyncadd.s32 $0xFFFFC000  }
0x49: {  	[hbm4b:s30+s3] =	stream.linear.scatter [tilespmem:s10], [sflag:$0x6], $0x4000, $0x38;
	[tilespmem:$0x12000] =	vst v63  }
0x4a: {  	_ =	swait.ge [sflag:s17], $0x4000  }
0x4b: {  	[sflag:s17] =	ssyncset.done $0x0  }
0x4c: {  	s30 =	simm.s32 @!p1 $0x6000;
	[sflag:s17] =	ssyncadd.s32 $0xFFFFC000  }
0x4d: {  	[tilespmem:s30], [sflag:$0x2] =	stream.indirect.gather @!p1 [hbm4b:s2+s31], $0x80, s28, s31, $0xb8;
	[tilespmem:$0x12000] =	vst v63  }
0x4e: {  	_ =	swait.ge [sflag:s18], $0x4000  }
0x4f: {  	[sflag:s18] =	ssyncset.done $0x0  }
0x50: {  	[sflag:s18] =	ssyncadd.s32 $0xFFFFC000  }
0x51: {  	[hbm4b:s23+s3] =	stream.linear.scatter [tilespmem:s12], [sflag:$0x7], $0x4000, $0x38;
	[tilespmem:$0x12000] =	vst v63  }
0x52: {  	_ =	swait.ge [sflag:s19], $0x4000  }
.Ltmp0:
0x53: {  	[sflag:s19] =	ssyncset.done $0x0;
	(pc) =	sbr.rel @p0 .LBB2_2-.Ltmp0, $4  }
0x54: {  	s28 =	simm.s32 @!p1 $0xA000;
	[sflag:s19] =	ssyncadd.s32 $0xFFFFC000  }
0x55: {  	[tilespmem:s28], [sflag:$0x3] =	stream.indirect.gather @!p1 [hbm4b:s2+s31], $0x80, s29, s31, $0xb8;
	[tilespmem:$0x12000] =	vst v63  }
0x56: {  	s23 =	sadd.s32 $0x2000, s23;
	_ =	swait.ge [sflag:s20], $0x4000  }
0x57: {  	p1 =	seq.s32 s24, $0x0;
	s28 =	sadd.s32 $0x800, s26;
	[sflag:s20] =	ssyncset.done $0x0  }
0x58: {  	s25 =	simm.s32 @!p1 $0x8;
	[sflag:s20] =	ssyncadd.s32 $0xFFFFC000  }
0x59: {  	[hbm4b:s28+s3] =	stream.linear.scatter [tilespmem:s13], [sflag:$0x8], $0x4000, $0x38;
	[tilespmem:$0x12000] =	vst v63  }
0x5a: {  	_ =	swait.ge @!p1 [sflag:s25], $0x4000  }
0x5b: {  	s26 =	sshra.s32 s24, $0x2;
	[sflag:s25] =	ssyncset.done @!p1 $0x0  }
0x5c: {  	s28 =	sadd.s32 $0x180, s26;
	[sflag:s25] =	ssyncadd.s32 @!p1 $0xFFFFC000  }
0x5d: {  	[tilespmem:s13], [sflag:$0x4] =	stream.indirect.gather [hbm4b:s2+s8], $0x80, s28, s8, $0xb8;
	[tilespmem:$0x12000] =	vst v63  }
0x5e: {  	_ =	swait.ge [sflag:s14], $0x4000  }
0x5f: {  	[sflag:s14] =	ssyncset.done $0x0  }
0x60: {  	s29 =	sadd.s32 $0xFFFFF000, s23;
	p0 =	seq.s32 s24, $0x7800;
	[sflag:s14] =	ssyncadd.s32 $0xFFFFC000  }
0x61: {  	[hbm4b:s29+s3] =	stream.linear.scatter [tilespmem:s9], [sflag:$0x5], $0x4000, $0x38;
	[tilespmem:$0x12000] =	vst v63  }
0x62: {  	s24 =	sshra.s32 @!p0 s24, $0x2;
	_ =	swait.ge [sflag:s15], $0x4000  }
0x63: {  	s26 =	sadd.s32 @!p0 $0x200, s24;
	[sflag:s15] =	ssyncset.done $0x0  }
0x64: {  	s25 =	simm.s32 @!p0 $0x2000;
	s28 =	simm.s32 @!p0 $0x80;
	[sflag:s15] =	ssyncadd.s32 $0xFFFFC000  }
0x65: {  	[tilespmem:s25], [sflag:$0x1] =	stream.indirect.gather @!p0 [hbm4b:s2+s28], $0x80, s26, s28, $0xb8;
	[tilespmem:$0x12000] =	vst v63  }
0x66: {  	_ =	swait.ge [sflag:s16], $0x4000  }
0x67: {  	[sflag:s16] =	ssyncset.done $0x0  }
0x68: {  	s30 =	sadd.s32 $0xFFFFF800, s23;
	[sflag:s16] =	ssyncadd.s32 $0xFFFFC000  }
0x69: {  	[hbm4b:s30+s3] =	stream.linear.scatter [tilespmem:s10], [sflag:$0x6], $0x4000, $0x38;
	[tilespmem:$0x12000] =	vst v63  }
0x6a: {  	_ =	swait.ge [sflag:s17], $0x4000  }
0x6b: {  	[sflag:s17] =	ssyncset.done $0x0  }
0x6c: {  	s25 =	sadd.s32 @!p0 $0x280, s24;
	s26 =	simm.s32 @!p0 $0x6000;
	[sflag:s17] =	ssyncadd.s32 $0xFFFFC000  }
0x6d: {  	[tilespmem:s26], [sflag:$0x2] =	stream.indirect.gather @!p0 [hbm4b:s2+s28], $0x80, s25, s28, $0xb8;
	[tilespmem:$0x12000] =	vst v63  }
0x6e: {  	_ =	swait.ge [sflag:s18], $0x4000  }
0x6f: {  	[sflag:s18] =	ssyncset.done $0x0  }
0x70: {  	[sflag:s18] =	ssyncadd.s32 $0xFFFFC000  }
0x71: {  	[hbm4b:s23+s3] =	stream.linear.scatter [tilespmem:s12], [sflag:$0x7], $0x4000, $0x38;
	[tilespmem:$0x12000] =	vst v63  }
0x72: {  	_ =	swait.ge [sflag:s19], $0x4000  }
0x73: {  	[sflag:s19] =	ssyncset.done $0x0  }
0x74: {  	s24 =	sadd.s32 @!p0 $0x300, s24;
	s25 =	simm.s32 @!p0 $0xA000;
	[sflag:s19] =	ssyncadd.s32 $0xFFFFC000  }
0x75: {  	[tilespmem:s25], [sflag:$0x3] =	stream.indirect.gather @!p0 [hbm4b:s2+s28], $0x80, s24, s28, $0xb8;
	[tilespmem:$0x12000] =	vst v63  }
0x76: {  	s22 =	sadd.s32 $0x1, s22;
	_ =	swait.ge [sflag:s20], $0x4000  }
0x77: {  	p0 =	sne.s32 s22, s5;
	[sflag:s20] =	ssyncset.done $0x0  }
.Ltmp1:
0x78: {  	s31 =	sadd.s32 $0x800, s23;
	[sflag:s20] =	ssyncadd.s32 $0xFFFFC000;
	(pc) =	sbr.rel @p0 .LBB2_1-.Ltmp1, $4  }
0x79: {  	[hbm4b:s31+s3] =	stream.linear.scatter [tilespmem:s13], [sflag:$0x8], $0x4000, $0x38;
	[tilespmem:$0x12000] =	vst v63  }
0x7a: {  	_ =	swait.ge [sflag:s21], $0x4000  }
0x7b: {  	[sflag:s21] =	ssyncset.done $0x0  }
0x7c: {  	[sflag:s21] =	ssyncadd.s32 $0xFFFFC000  }
0x7d: {  	_ =	sfence.sel $0x180000  }
0x7e: {  	[bflag:$0x0] =	sbarrier.arrive $0xFFFF  }
0x7f: {  	p0 =	sne.s32 s1, $0x0;
	_ =	strace $0x9000004D  }
0x80: {  	s0 =	sadd.s32 @!p0 $0x100000, s0;
	[bflag:$0x2] =	sbarrier.arrive $0xFFFF  }
0x81: {  	[sflag:s0] =	ssyncadd.tile.s32 @!p0 $0x1;
	_ =	shalt  }
.Lfunc_end2:
_tile_overlayer_lowered:
.L_overlay_start_2:
0x82: {  	(tag) =	ssettag $0x2  }
0x83: {  	s0 =	rddreg [dreg:$0x0];
	s2 =	stileid.u32  }
0x84: {  	s1 =	rddreg [dreg:$0x1];
	p0 =	sne.s32 s2, $0x0  }
0x85: {  	s3 =	rddreg [dreg:$0x2];
	[bflag:$0x3] =	sbarrier.arrive $0xFFFF;
	s2 =	simm.s32 @!p0 $0x1C09  }
0x86: {  	[timem:s3], [sflag:s2] =	dma.local @!p0 [hbm:s0], s1  }
0x87: {  	s0 =	simm.s32 @!p0 $0x9  }
0x88: {  	_ =	swait.ge @!p0 [sflag:s0], s1  }
0x89: {  	s1 =	ssub.s32 @!p0 $0x0, s1;
	[sflag:s0] =	ssyncset.done @!p0 $0x0  }
0x8a: {  	[sflag:s0] =	ssyncadd.s32 @!p0 s1  }
0x8b: {  	[bflag:$0x3] =	sbarrier.arrive $0xFFFF  }
0x8c: {  	_ =	shalt  }

</sc_bundles>
